<compile_context>
chip_gen: v7x
topology: tpu7x:2x2x1
jax: 0.10.2.dev20260603
libtpu: 0.0.44.dev20260713+nightly
codegen_flags: <defaults>
</compile_context>

<pallas_src>
import functools

import jax
import jax.numpy as jnp
from jax import lax
from jax.experimental import pallas as pl
from jax.experimental.pallas import tpu as pltpu
from jax.experimental.pallas import tpu_sc as plsc

N_TOK = 16384
D = 4096
E = 64
K = 8
M_BLK = 1024
NCHUNK = 4
TOK_C = N_TOK // NCHUNK

_info = plsc.get_sparse_core_info()
_NC, _NS, _L = _info.num_cores, _info.num_subcores, _info.num_lanes
_NW = _NC * _NS
_ROWS_W = TOK_C // _NW
_mesh = plsc.VectorSubcoreMesh(core_axis_name="c", subcore_axis_name="s")


def _mm_block(x_ref, wt_ref, b_ref, rw_ref):
    rw_ref[...] = (
        jnp.dot(x_ref[...], wt_ref[...], preferred_element_type=jnp.float32)
        + b_ref[...]
    )


def _tc_matmul(x, wt, b2, ci):
    grid = (TOK_C // M_BLK,)
    off = ci * (TOK_C // M_BLK)
    return pl.pallas_call(
        _mm_block,
        grid=grid,
        in_specs=[
            pl.BlockSpec((M_BLK, D), lambda i: (off + i, 0)),
            pl.BlockSpec((D, E), lambda i: (0, 0)),
            pl.BlockSpec((1, E), lambda i: (0, 0)),
        ],
        out_specs=pl.BlockSpec((M_BLK, E), lambda i: (i, 0)),
        out_shape=jax.ShapeDtypeStruct((TOK_C, E), jnp.float32),
        compiler_params=pltpu.CompilerParams(
            dimension_semantics=("arbitrary",),
        ),
    )(x, wt, b2)


@functools.partial(
    pl.kernel,
    mesh=_mesh,
    out_type=jax.ShapeDtypeStruct((TOK_C * E,), jnp.float32),
    scratch_types=[
        pltpu.VMEM((_ROWS_W * E,), jnp.float32),
        pltpu.VMEM((_ROWS_W * E,), jnp.float32),
    ],
    compiler_params=pltpu.CompilerParams(needs_layout_passes=False),
)
def _sc_gates(rw_hbm, gates_hbm, rw_v, gates_v):
    wid = lax.axis_index("s") * _NC + lax.axis_index("c")
    base = wid * _ROWS_W
    pltpu.sync_copy(rw_hbm.at[pl.ds(base * E, _ROWS_W * E)], rw_v)

    lane = lax.iota(jnp.int32, _L)
    hi_mask = lane >= (_L - K)

    def row(r, carry):
        off = r * E
        v = [rw_v[pl.ds(off + i * _L, _L)] for i in range(E // _L)]
        sv = [jnp.sort(u) for u in v]
        a = jnp.sort(jnp.maximum(sv[0], jnp.flip(sv[1])))
        b2 = jnp.sort(jnp.maximum(sv[2], jnp.flip(sv[3])))
        c = jnp.sort(jnp.maximum(a, jnp.flip(b2)))
        m0 = c[_L - 1]
        t8 = c[_L - K]
        es = jnp.where(hi_mask, jnp.exp(c - m0), 0.0)
        s_vec = jnp.full((_L,), jnp.sum(es), jnp.float32)
        rinv = jnp.full((_L,), 1.0, jnp.float32) / s_vec
        for i in range(E // _L):
            gv = jnp.where(v[i] >= t8, jnp.exp(v[i] - m0) * rinv, 0.0)
            gates_v[pl.ds(off + i * _L, _L)] = gv
        return carry

    lax.fori_loop(0, _ROWS_W, row, 0)
    pltpu.sync_copy(gates_v, gates_hbm.at[pl.ds(base * E, _ROWS_W * E)])


@jax.jit
def kernel(x, W, b):
    wt = W.T
    b2 = b.reshape(1, E)
    rws = []
    gs = []
    for ci in range(NCHUNK):
        rw_c = _tc_matmul(x, wt, b2, ci)
        rws.append(rw_c)
        gs.append(_sc_gates(rw_c.reshape(TOK_C * E)).reshape(TOK_C, E))
    rw = jnp.concatenate(rws, axis=0)
    gates = jnp.concatenate(gs, axis=0)
    return (gates, rw)

# --- scband reference (transcript-rebuilt; emitter-appended) ---
"""Pipeline reference for scband-top-kgate-16174846837311 (READ-ONLY COPY).

The authoritative reference and input builder live on the scoring server;
editing this copy changes nothing except your own understanding.
"""

import jax, jax.numpy as jnp
import numpy as np

D_MODEL = 4096
NUM_EXPERTS = 64
TOP_K = 8
N_TOKENS = 16384


def setup_inputs(seed: int = 0) -> dict:
    key = jax.random.key(seed)
    k1, k2, k3 = jax.random.split(key, 3)
    x = jax.random.normal(k1, (N_TOKENS, D_MODEL), dtype=jnp.float32)
    # nn.Linear(d_model, num_experts): weight [num_experts, d_model], bias [num_experts]
    bound = 1.0 / np.sqrt(D_MODEL)
    W = jax.random.uniform(k2, (NUM_EXPERTS, D_MODEL), dtype=jnp.float32, minval=-bound, maxval=bound)
    b = jax.random.uniform(k3, (NUM_EXPERTS,), dtype=jnp.float32, minval=-bound, maxval=bound)
    return {"x": x, "W": W, "b": b}


def reference(x, W, b):
    # routing_weights = self.gate(x)
    routing_weights = x @ W.T + b
    # top_k over experts
    top_k_weights, top_k_indices = jax.lax.top_k(routing_weights, TOP_K)
    soft = jax.nn.softmax(top_k_weights, axis=-1)
    # gates = zeros.scatter_(-1, top_k_indices, softmax(top_k_weights))
    rows = jnp.arange(routing_weights.shape[0])[:, None]
    gates = jnp.zeros_like(routing_weights).at[rows, top_k_indices].set(soft)
    return (gates, routing_weights)

if __name__ == "__main__":
    import jax
    _d = setup_inputs()
    print(jax.jit(kernel)(*tuple(_d.values())))

</pallas_src>

<mosaic_0001>
#map = affine_map<(d0, d1) -> (0)>
module attributes {stable_mosaic.version = 14 : i64} {
  func.func @_sc_gates(%arg0: i32, %arg1: i32, %arg2: memref<262144xf32, #tpu.memory_space<hbm>>, %arg3: memref<262144xf32, #tpu.memory_space<hbm>>, %arg4: memref<8192xf32, #tpu.memory_space<vmem>>, %arg5: memref<8192xf32, #tpu.memory_space<vmem>>) attributes {dimension_semantics = [#tpu.dimension_semantics<core_parallel>, #tpu.dimension_semantics<subcore_parallel>], iteration_bounds = array<i64: 2, 16>, scalar_prefetch = 0 : i64, scratch_operands = 2 : i64, tpu.core_type = #tpu.core_type<sc_vector_subcore>, window_params = [{transform_indices = #map}, {transform_indices = #map}]} {
    %mul3A = arith.constant 2 : i32
    %mul3A_0 = arith.muli %arg1, %mul3A : i32
    %add3A = arith.addi %mul3A_0, %arg0 : i32
    %mul3A_1 = arith.constant 128 : i32
    %mul3A_2 = arith.muli %add3A, %mul3A_1 : i32
    %mul3A_3 = arith.constant 64 : i32
    %mul3A_4 = arith.muli %mul3A_2, %mul3A_3 : i32
    "tpu.region"() ({
      %run_scoped3A = tpu.sem_alloc : memref<!tpu.dma_semaphore, #tpu.memory_space<semaphore_mem>>
      %dma_start3A = tpu.memref_slice %arg2[%mul3A_4] : memref<262144xf32, #tpu.memory_space<hbm>> -> memref<8192xf32, #tpu.memory_space<hbm>>
      %dma_start3A_14 = tpu.memref_slice %arg2[%mul3A_4] : memref<262144xf32, #tpu.memory_space<hbm>> -> memref<8192xf32, #tpu.memory_space<hbm>>
      tpu.enqueue_dma source(%dma_start3A_14 : memref<8192xf32, #tpu.memory_space<hbm>>) target(%arg4 : memref<8192xf32, #tpu.memory_space<vmem>>) target_semaphore(%run_scoped3A : memref<!tpu.dma_semaphore, #tpu.memory_space<semaphore_mem>>)
      %dma_wait3A = tpu.memref_slice %arg2[%mul3A_4] : memref<262144xf32, #tpu.memory_space<hbm>> -> memref<8192xf32, #tpu.memory_space<hbm>>
      %dma_wait3A_15 = tpu.memref_slice %arg2[%mul3A_4] : memref<262144xf32, #tpu.memory_space<hbm>> -> memref<8192xf32, #tpu.memory_space<hbm>>
      tpu.wait_dma2 semaphore(%run_scoped3A : memref<!tpu.dma_semaphore, #tpu.memory_space<semaphore_mem>>) src(%dma_wait3A_15 : memref<8192xf32, #tpu.memory_space<hbm>>) dst(%arg4 : memref<8192xf32, #tpu.memory_space<vmem>>)
      tpu.yield
    }) : () -> ()
    %iota3A = tpu.iota {dimensions = array<i32: 0>} : vector<16xi32>
    %ge3A = arith.constant 8 : i32
    %ge3A_5 = vector.broadcast %ge3A : i32 to vector<16xi32>
    %ge3A_6 = arith.cmpi sge, %iota3A, %ge3A_5 : vector<16xi32>
    %scan3A = arith.constant 0 : i32
    %scan3A_7 = arith.constant 0 : i32
    %scan3A_8 = arith.constant 128 : i32
    %scan3A_9 = arith.addi %scan3A_7, %scan3A_8 : i32
    %scan3A_10 = arith.constant 1 : i32
    scf.for %scan3A_14 = %scan3A_7 to %scan3A_9 step %scan3A_10  : i32 {
      %mul3A_15 = arith.constant 64 : i32
      %mul3A_16 = arith.muli %scan3A_14, %mul3A_15 : i32
      %add3A_17 = arith.constant 0 : i32
      %add3A_18 = arith.addi %mul3A_16, %add3A_17 : i32
      %get3A = arith.index_cast %add3A_18 : i32 to index
      %get3A_19 = tpu.vector_load %arg4[%get3A] {strides = array<i32>} : memref<8192xf32, #tpu.memory_space<vmem>>, vector<16xf32>,
      %add3A_20 = arith.constant 16 : i32
      %add3A_21 = arith.addi %mul3A_16, %add3A_20 : i32
      %get3A_22 = arith.index_cast %add3A_21 : i32 to index
      %get3A_23 = tpu.vector_load %arg4[%get3A_22] {strides = array<i32>} : memref<8192xf32, #tpu.memory_space<vmem>>, vector<16xf32>,
      %add3A_24 = arith.constant 32 : i32
      %add3A_25 = arith.addi %mul3A_16, %add3A_24 : i32
      %get3A_26 = arith.index_cast %add3A_25 : i32 to index
      %get3A_27 = tpu.vector_load %arg4[%get3A_26] {strides = array<i32>} : memref<8192xf32, #tpu.memory_space<vmem>>, vector<16xf32>,
      %add3A_28 = arith.constant 48 : i32
      %add3A_29 = arith.addi %mul3A_16, %add3A_28 : i32
      %get3A_30 = arith.index_cast %add3A_29 : i32 to index
      %get3A_31 = tpu.vector_load %arg4[%get3A_30] {strides = array<i32>} : memref<8192xf32, #tpu.memory_space<vmem>>, vector<16xf32>,
      %sort3A = arith.constant dense<true> : vector<16xi1>
      %sort3A_32, %sort3A_33, %sort3A_34 = tpu.sort %get3A_19, %get3A_19 masked %sort3A : (vector<16xf32>, vector<16xf32>, vector<16xi1>) -> (vector<16xi1>, vector<16xf32>, vector<16xf32>)
      %sort3A_35 = arith.constant dense<true> : vector<16xi1>
      %sort3A_36, %sort3A_37, %sort3A_38 = tpu.sort %get3A_23, %get3A_23 masked %sort3A_35 : (vector<16xf32>, vector<16xf32>, vector<16xi1>) -> (vector<16xi1>, vector<16xf32>, vector<16xf32>)
      %sort3A_39 = arith.constant dense<true> : vector<16xi1>
      %sort3A_40, %sort3A_41, %sort3A_42 = tpu.sort %get3A_27, %get3A_27 masked %sort3A_39 : (vector<16xf32>, vector<16xf32>, vector<16xi1>) -> (vector<16xi1>, vector<16xf32>, vector<16xf32>)
      %sort3A_43 = arith.constant dense<true> : vector<16xi1>
      %sort3A_44, %sort3A_45, %sort3A_46 = tpu.sort %get3A_31, %get3A_31 masked %sort3A_43 : (vector<16xf32>, vector<16xf32>, vector<16xi1>) -> (vector<16xi1>, vector<16xf32>, vector<16xf32>)
      %rev3A = arith.constant 15 : i32
      %rev3A_47 = vector.broadcast %rev3A : i32 to vector<16xi32>
      %rev3A_48 = tpu.iota {dimensions = array<i32: 0>} : vector<16xi32>
      %rev3A_49 = arith.subi %rev3A_47, %rev3A_48 : vector<16xi32>
      %rev3A_50 = tpu.dynamic_gather %sort3A_37[%rev3A_49] in [0] : vector<16xf32>, vector<16xi32> -> vector<16xf32>
      %max3A = arith.maximumf %sort3A_33, %rev3A_50 : vector<16xf32>
      %sort3A_51 = arith.constant dense<true> : vector<16xi1>
      %sort3A_52, %sort3A_53, %sort3A_54 = tpu.sort %max3A, %max3A masked %sort3A_51 : (vector<16xf32>, vector<16xf32>, vector<16xi1>) -> (vector<16xi1>, vector<16xf32>, vector<16xf32>)
      %rev3A_55 = arith.constant 15 : i32
      %rev3A_56 = vector.broadcast %rev3A_55 : i32 to vector<16xi32>
      %rev3A_57 = tpu.iota {dimensions = array<i32: 0>} : vector<16xi32>
      %rev3A_58 = arith.subi %rev3A_56, %rev3A_57 : vector<16xi32>
      %rev3A_59 = tpu.dynamic_gather %sort3A_45[%rev3A_58] in [0] : vector<16xf32>, vector<16xi32> -> vector<16xf32>
      %max3A_60 = arith.maximumf %sort3A_41, %rev3A_59 : vector<16xf32>
      %sort3A_61 = arith.constant dense<true> : vector<16xi1>
      %sort3A_62, %sort3A_63, %sort3A_64 = tpu.sort %max3A_60, %max3A_60 masked %sort3A_61 : (vector<16xf32>, vector<16xf32>, vector<16xi1>) -> (vector<16xi1>, vector<16xf32>, vector<16xf32>)
      %rev3A_65 = arith.constant 15 : i32
      %rev3A_66 = vector.broadcast %rev3A_65 : i32 to vector<16xi32>
      %rev3A_67 = tpu.iota {dimensions = array<i32: 0>} : vector<16xi32>
      %rev3A_68 = arith.subi %rev3A_66, %rev3A_67 : vector<16xi32>
      %rev3A_69 = tpu.dynamic_gather %sort3A_63[%rev3A_68] in [0] : vector<16xf32>, vector<16xi32> -> vector<16xf32>
      %max3A_70 = arith.maximumf %sort3A_53, %rev3A_69 : vector<16xf32>
      %sort3A_71 = arith.constant dense<true> : vector<16xi1>
      %sort3A_72, %sort3A_73, %sort3A_74 = tpu.sort %max3A_70, %max3A_70 masked %sort3A_71 : (vector<16xf32>, vector<16xf32>, vector<16xi1>) -> (vector<16xi1>, vector<16xf32>, vector<16xf32>)
      %slice3A = vector.extract_strided_slice %sort3A_73 {offsets = [15], sizes = [1], strides = [1]} : vector<16xf32> to vector<1xf32>
      %squeeze3A = vector.extract %slice3A[0] : f32 from vector<1xf32>
      %slice3A_75 = vector.extract_strided_slice %sort3A_73 {offsets = [8], sizes = [1], strides = [1]} : vector<16xf32> to vector<1xf32>
      %squeeze3A_76 = vector.extract %slice3A_75[0] : f32 from vector<1xf32>
      %sub3A = vector.broadcast %squeeze3A : f32 to vector<16xf32>
      %sub3A_77 = arith.subf %sort3A_73, %sub3A : vector<16xf32>
      %exp3A = math.exp %sub3A_77 : vector<16xf32>
      %jit3A = arith.constant 0.000000e+00 : f32
      %broadcast_in_dim3A = vector.broadcast %jit3A : f32 to vector<16xf32>
      %select_n3A = arith.select %ge3A_6, %exp3A, %broadcast_in_dim3A : vector<16xi1>, vector<16xf32>
      %reduce_sum3A = arith.constant true
      %reduce_sum3A_78 = vector.broadcast %reduce_sum3A : i1 to vector<16xi1>
      %reduce_sum3A_79 = tpu.scan <sum>, %select_n3A masked %reduce_sum3A_78 : vector<16xf32>, vector<16xi1> -> vector<16xf32>
      %reduce_sum3A_80 = vector.extract %reduce_sum3A_79[15] : f32 from vector<16xf32>
      %broadcast_in_dim3A_81 = vector.broadcast %reduce_sum3A_80 : f32 to vector<16xf32>
      %broadcast_in_dim3A_82 = arith.constant 1.000000e+00 : f32
      %broadcast_in_dim3A_83 = vector.broadcast %broadcast_in_dim3A_82 : f32 to vector<16xf32>
      %div3A = arith.divf %broadcast_in_dim3A_83, %broadcast_in_dim3A_81 : vector<16xf32>
      %ge3A_84 = vector.broadcast %squeeze3A_76 : f32 to vector<16xf32>
      %ge3A_85 = arith.cmpf oge, %get3A_19, %ge3A_84 : vector<16xf32>
      %sub3A_86 = vector.broadcast %squeeze3A : f32 to vector<16xf32>
      %sub3A_87 = arith.subf %get3A_19, %sub3A_86 : vector<16xf32>
      %exp3A_88 = math.exp %sub3A_87 : vector<16xf32>
      %mul3A_89 = arith.mulf %exp3A_88, %div3A : vector<16xf32>
      %jit3A_90 = arith.constant 0.000000e+00 : f32
      %broadcast_in_dim3A_91 = vector.broadcast %jit3A_90 : f32 to vector<16xf32>
      %select_n3A_92 = arith.select %ge3A_85, %mul3A_89, %broadcast_in_dim3A_91 : vector<16xi1>, vector<16xf32>
      %add3A_93 = arith.constant 0 : i32
      %add3A_94 = arith.addi %mul3A_16, %add3A_93 : i32
      %swap3A = arith.index_cast %add3A_94 : i32 to index
      %swap3A_95 = tpu.vector_load %arg5[%swap3A] {strides = array<i32>} : memref<8192xf32, #tpu.memory_space<vmem>>, vector<16xf32>,
      tpu.vector_store %arg5[%swap3A], %select_n3A_92 {strides = array<i32>} : memref<8192xf32, #tpu.memory_space<vmem>>, vector<16xf32>,
      %ge3A_96 = vector.broadcast %squeeze3A_76 : f32 to vector<16xf32>
      %ge3A_97 = arith.cmpf oge, %get3A_23, %ge3A_96 : vector<16xf32>
      %sub3A_98 = vector.broadcast %squeeze3A : f32 to vector<16xf32>
      %sub3A_99 = arith.subf %get3A_23, %sub3A_98 : vector<16xf32>
      %exp3A_100 = math.exp %sub3A_99 : vector<16xf32>
      %mul3A_101 = arith.mulf %exp3A_100, %div3A : vector<16xf32>
      %jit3A_102 = arith.constant 0.000000e+00 : f32
      %broadcast_in_dim3A_103 = vector.broadcast %jit3A_102 : f32 to vector<16xf32>
      %select_n3A_104 = arith.select %ge3A_97, %mul3A_101, %broadcast_in_dim3A_103 : vector<16xi1>, vector<16xf32>
      %add3A_105 = arith.constant 16 : i32
      %add3A_106 = arith.addi %mul3A_16, %add3A_105 : i32
      %swap3A_107 = arith.index_cast %add3A_106 : i32 to index
      %swap3A_108 = tpu.vector_load %arg5[%swap3A_107] {strides = array<i32>} : memref<8192xf32, #tpu.memory_space<vmem>>, vector<16xf32>,
      tpu.vector_store %arg5[%swap3A_107], %select_n3A_104 {strides = array<i32>} : memref<8192xf32, #tpu.memory_space<vmem>>, vector<16xf32>,
      %ge3A_109 = vector.broadcast %squeeze3A_76 : f32 to vector<16xf32>
      %ge3A_110 = arith.cmpf oge, %get3A_27, %ge3A_109 : vector<16xf32>
      %sub3A_111 = vector.broadcast %squeeze3A : f32 to vector<16xf32>
      %sub3A_112 = arith.subf %get3A_27, %sub3A_111 : vector<16xf32>
      %exp3A_113 = math.exp %sub3A_112 : vector<16xf32>
      %mul3A_114 = arith.mulf %exp3A_113, %div3A : vector<16xf32>
      %jit3A_115 = arith.constant 0.000000e+00 : f32
      %broadcast_in_dim3A_116 = vector.broadcast %jit3A_115 : f32 to vector<16xf32>
      %select_n3A_117 = arith.select %ge3A_110, %mul3A_114, %broadcast_in_dim3A_116 : vector<16xi1>, vector<16xf32>
      %add3A_118 = arith.constant 32 : i32
      %add3A_119 = arith.addi %mul3A_16, %add3A_118 : i32
      %swap3A_120 = arith.index_cast %add3A_119 : i32 to index
      %swap3A_121 = tpu.vector_load %arg5[%swap3A_120] {strides = array<i32>} : memref<8192xf32, #tpu.memory_space<vmem>>, vector<16xf32>,
      tpu.vector_store %arg5[%swap3A_120], %select_n3A_117 {strides = array<i32>} : memref<8192xf32, #tpu.memory_space<vmem>>, vector<16xf32>,
      %ge3A_122 = vector.broadcast %squeeze3A_76 : f32 to vector<16xf32>
      %ge3A_123 = arith.cmpf oge, %get3A_31, %ge3A_122 : vector<16xf32>
      %sub3A_124 = vector.broadcast %squeeze3A : f32 to vector<16xf32>
      %sub3A_125 = arith.subf %get3A_31, %sub3A_124 : vector<16xf32>
      %exp3A_126 = math.exp %sub3A_125 : vector<16xf32>
      %mul3A_127 = arith.mulf %exp3A_126, %div3A : vector<16xf32>
      %jit3A_128 = arith.constant 0.000000e+00 : f32
      %broadcast_in_dim3A_129 = vector.broadcast %jit3A_128 : f32 to vector<16xf32>
      %select_n3A_130 = arith.select %ge3A_123, %mul3A_127, %broadcast_in_dim3A_129 : vector<16xi1>, vector<16xf32>
      %add3A_131 = arith.constant 48 : i32
      %add3A_132 = arith.addi %mul3A_16, %add3A_131 : i32
      %swap3A_133 = arith.index_cast %add3A_132 : i32 to index
      %swap3A_134 = tpu.vector_load %arg5[%swap3A_133] {strides = array<i32>} : memref<8192xf32, #tpu.memory_space<vmem>>, vector<16xf32>,
      tpu.vector_store %arg5[%swap3A_133], %select_n3A_130 {strides = array<i32>} : memref<8192xf32, #tpu.memory_space<vmem>>, vector<16xf32>,
    }
    %scan3A_11 = arith.constant 128 : i32
    %mul3A_12 = arith.constant 64 : i32
    %mul3A_13 = arith.muli %mul3A_2, %mul3A_12 : i32
    "tpu.region"() ({
      %run_scoped3A = tpu.sem_alloc : memref<!tpu.dma_semaphore, #tpu.memory_space<semaphore_mem>>
      %dma_start3A = tpu.memref_slice %arg3[%mul3A_13] : memref<262144xf32, #tpu.memory_space<hbm>> -> memref<8192xf32, #tpu.memory_space<hbm>>
      %dma_start3A_14 = tpu.memref_slice %arg3[%mul3A_13] : memref<262144xf32, #tpu.memory_space<hbm>> -> memref<8192xf32, #tpu.memory_space<hbm>>
      tpu.enqueue_dma source(%arg5 : memref<8192xf32, #tpu.memory_space<vmem>>) target(%dma_start3A_14 : memref<8192xf32, #tpu.memory_space<hbm>>) target_semaphore(%run_scoped3A : memref<!tpu.dma_semaphore, #tpu.memory_space<semaphore_mem>>)
      %dma_wait3A = tpu.memref_slice %arg3[%mul3A_13] : memref<262144xf32, #tpu.memory_space<hbm>> -> memref<8192xf32, #tpu.memory_space<hbm>>
      %dma_wait3A_15 = tpu.memref_slice %arg3[%mul3A_13] : memref<262144xf32, #tpu.memory_space<hbm>> -> memref<8192xf32, #tpu.memory_space<hbm>>
      tpu.wait_dma2 semaphore(%run_scoped3A : memref<!tpu.dma_semaphore, #tpu.memory_space<semaphore_mem>>) src(%arg5 : memref<8192xf32, #tpu.memory_space<vmem>>) dst(%dma_wait3A_15 : memref<8192xf32, #tpu.memory_space<hbm>>)
      tpu.yield
    }) : () -> ()
    return
  }
}

#map = affine_map<(d0, d1) -> (0)>
module attributes {stable_mosaic.version = 14 : i64} {
  func.func @_sc_gates(%arg0: i32, %arg1: i32, %arg2: memref<262144xf32, #tpu.memory_space<hbm>>, %arg3: memref<262144xf32, #tpu.memory_space<hbm>>, %arg4: memref<8192xf32, #tpu.memory_space<vmem>>, %arg5: memref<8192xf32, #tpu.memory_space<vmem>>) attributes {dimension_semantics = [#tpu.dimension_semantics<core_parallel>, #tpu.dimension_semantics<subcore_parallel>], iteration_bounds = array<i64: 2, 16>, scalar_prefetch = 0 : i64, scratch_operands = 2 : i64, tpu.core_type = #tpu.core_type<sc_vector_subcore>, window_params = [{transform_indices = #map}, {transform_indices = #map}]} {
    %mul3A = arith.constant 2 : i32
    %mul3A_0 = arith.muli %arg1, %mul3A : i32
    %add3A = arith.addi %mul3A_0, %arg0 : i32
    %mul3A_1 = arith.constant 128 : i32
    %mul3A_2 = arith.muli %add3A, %mul3A_1 : i32
    %mul3A_3 = arith.constant 64 : i32
    %mul3A_4 = arith.muli %mul3A_2, %mul3A_3 : i32
    "tpu.region"() ({
      %run_scoped3A = tpu.sem_alloc : memref<!tpu.dma_semaphore, #tpu.memory_space<semaphore_mem>>
      %dma_start3A = tpu.memref_slice %arg2[%mul3A_4] : memref<262144xf32, #tpu.memory_space<hbm>> -> memref<8192xf32, #tpu.memory_space<hbm>>
      %dma_start3A_14 = tpu.memref_slice %arg2[%mul3A_4] : memref<262144xf32, #tpu.memory_space<hbm>> -> memref<8192xf32, #tpu.memory_space<hbm>>
      tpu.enqueue_dma source(%dma_start3A_14 : memref<8192xf32, #tpu.memory_space<hbm>>) target(%arg4 : memref<8192xf32, #tpu.memory_space<vmem>>) target_semaphore(%run_scoped3A : memref<!tpu.dma_semaphore, #tpu.memory_space<semaphore_mem>>)
      %dma_wait3A = tpu.memref_slice %arg2[%mul3A_4] : memref<262144xf32, #tpu.memory_space<hbm>> -> memref<8192xf32, #tpu.memory_space<hbm>>
      %dma_wait3A_15 = tpu.memref_slice %arg2[%mul3A_4] : memref<262144xf32, #tpu.memory_space<hbm>> -> memref<8192xf32, #tpu.memory_space<hbm>>
      tpu.wait_dma2 semaphore(%run_scoped3A : memref<!tpu.dma_semaphore, #tpu.memory_space<semaphore_mem>>) src(%dma_wait3A_15 : memref<8192xf32, #tpu.memory_space<hbm>>) dst(%arg4 : memref<8192xf32, #tpu.memory_space<vmem>>)
      tpu.yield
    }) : () -> ()
    %iota3A = tpu.iota {dimensions = array<i32: 0>} : vector<16xi32>
    %ge3A = arith.constant 8 : i32
    %ge3A_5 = vector.broadcast %ge3A : i32 to vector<16xi32>
    %ge3A_6 = arith.cmpi sge, %iota3A, %ge3A_5 : vector<16xi32>
    %scan3A = arith.constant 0 : i32
    %scan3A_7 = arith.constant 0 : i32
    %scan3A_8 = arith.constant 128 : i32
    %scan3A_9 = arith.addi %scan3A_7, %scan3A_8 : i32
    %scan3A_10 = arith.constant 1 : i32
    scf.for %scan3A_14 = %scan3A_7 to %scan3A_9 step %scan3A_10  : i32 {
      %mul3A_15 = arith.constant 64 : i32
      %mul3A_16 = arith.muli %scan3A_14, %mul3A_15 : i32
      %add3A_17 = arith.constant 0 : i32
      %add3A_18 = arith.addi %mul3A_16, %add3A_17 : i32
      %get3A = arith.index_cast %add3A_18 : i32 to index
      %get3A_19 = tpu.vector_load %arg4[%get3A] {strides = array<i32>} : memref<8192xf32, #tpu.memory_space<vmem>>, vector<16xf32>,
      %add3A_20 = arith.constant 16 : i32
      %add3A_21 = arith.addi %mul3A_16, %add3A_20 : i32
      %get3A_22 = arith.index_cast %add3A_21 : i32 to index
      %get3A_23 = tpu.vector_load %arg4[%get3A_22] {strides = array<i32>} : memref<8192xf32, #tpu.memory_space<vmem>>, vector<16xf32>,
      %add3A_24 = arith.constant 32 : i32
      %add3A_25 = arith.addi %mul3A_16, %add3A_24 : i32
      %get3A_26 = arith.index_cast %add3A_25 : i32 to index
      %get3A_27 = tpu.vector_load %arg4[%get3A_26] {strides = array<i32>} : memref<8192xf32, #tpu.memory_space<vmem>>, vector<16xf32>,
      %add3A_28 = arith.constant 48 : i32
      %add3A_29 = arith.addi %mul3A_16, %add3A_28 : i32
      %get3A_30 = arith.index_cast %add3A_29 : i32 to index
      %get3A_31 = tpu.vector_load %arg4[%get3A_30] {strides = array<i32>} : memref<8192xf32, #tpu.memory_space<vmem>>, vector<16xf32>,
      %sort3A = arith.constant dense<true> : vector<16xi1>
      %sort3A_32, %sort3A_33, %sort3A_34 = tpu.sort %get3A_19, %get3A_19 masked %sort3A : (vector<16xf32>, vector<16xf32>, vector<16xi1>) -> (vector<16xi1>, vector<16xf32>, vector<16xf32>)
      %sort3A_35 = arith.constant dense<true> : vector<16xi1>
      %sort3A_36, %sort3A_37, %sort3A_38 = tpu.sort %get3A_23, %get3A_23 masked %sort3A_35 : (vector<16xf32>, vector<16xf32>, vector<16xi1>) -> (vector<16xi1>, vector<16xf32>, vector<16xf32>)
      %sort3A_39 = arith.constant dense<true> : vector<16xi1>
      %sort3A_40, %sort3A_41, %sort3A_42 = tpu.sort %get3A_27, %get3A_27 masked %sort3A_39 : (vector<16xf32>, vector<16xf32>, vector<16xi1>) -> (vector<16xi1>, vector<16xf32>, vector<16xf32>)
      %sort3A_43 = arith.constant dense<true> : vector<16xi1>
      %sort3A_44, %sort3A_45, %sort3A_46 = tpu.sort %get3A_31, %get3A_31 masked %sort3A_43 : (vector<16xf32>, vector<16xf32>, vector<16xi1>) -> (vector<16xi1>, vector<16xf32>, vector<16xf32>)
      %rev3A = arith.constant 15 : i32
      %rev3A_47 = vector.broadcast %rev3A : i32 to vector<16xi32>
      %rev3A_48 = tpu.iota {dimensions = array<i32: 0>} : vector<16xi32>
      %rev3A_49 = arith.subi %rev3A_47, %rev3A_48 : vector<16xi32>
      %rev3A_50 = tpu.dynamic_gather %sort3A_37[%rev3A_49] in [0] : vector<16xf32>, vector<16xi32> -> vector<16xf32>
      %max3A = arith.maximumf %sort3A_33, %rev3A_50 : vector<16xf32>
      %sort3A_51 = arith.constant dense<true> : vector<16xi1>
      %sort3A_52, %sort3A_53, %sort3A_54 = tpu.sort %max3A, %max3A masked %sort3A_51 : (vector<16xf32>, vector<16xf32>, vector<16xi1>) -> (vector<16xi1>, vector<16xf32>, vector<16xf32>)
      %rev3A_55 = arith.constant 15 : i32
      %rev3A_56 = vector.broadcast %rev3A_55 : i32 to vector<16xi32>
      %rev3A_57 = tpu.iota {dimensions = array<i32: 0>} : vector<16xi32>
      %rev3A_58 = arith.subi %rev3A_56, %rev3A_57 : vector<16xi32>
      %rev3A_59 = tpu.dynamic_gather %sort3A_45[%rev3A_58] in [0] : vector<16xf32>, vector<16xi32> -> vector<16xf32>
      %max3A_60 = arith.maximumf %sort3A_41, %rev3A_59 : vector<16xf32>
      %sort3A_61 = arith.constant dense<true> : vector<16xi1>
      %sort3A_62, %sort3A_63, %sort3A_64 = tpu.sort %max3A_60, %max3A_60 masked %sort3A_61 : (vector<16xf32>, vector<16xf32>, vector<16xi1>) -> (vector<16xi1>, vector<16xf32>, vector<16xf32>)
      %rev3A_65 = arith.constant 15 : i32
      %rev3A_66 = vector.broadcast %rev3A_65 : i32 to vector<16xi32>
      %rev3A_67 = tpu.iota {dimensions = array<i32: 0>} : vector<16xi32>
      %rev3A_68 = arith.subi %rev3A_66, %rev3A_67 : vector<16xi32>
      %rev3A_69 = tpu.dynamic_gather %sort3A_63[%rev3A_68] in [0] : vector<16xf32>, vector<16xi32> -> vector<16xf32>
      %max3A_70 = arith.maximumf %sort3A_53, %rev3A_69 : vector<16xf32>
      %sort3A_71 = arith.constant dense<true> : vector<16xi1>
      %sort3A_72, %sort3A_73, %sort3A_74 = tpu.sort %max3A_70, %max3A_70 masked %sort3A_71 : (vector<16xf32>, vector<16xf32>, vector<16xi1>) -> (vector<16xi1>, vector<16xf32>, vector<16xf32>)
      %slice3A = vector.extract_strided_slice %sort3A_73 {offsets = [15], sizes = [1], strides = [1]} : vector<16xf32> to vector<1xf32>
      %squeeze3A = vector.extract %slice3A[0] : f32 from vector<1xf32>
      %slice3A_75 = vector.extract_strided_slice %sort3A_73 {offsets = [8], sizes = [1], strides = [1]} : vector<16xf32> to vector<1xf32>
      %squeeze3A_76 = vector.extract %slice3A_75[0] : f32 from vector<1xf32>
      %sub3A = vector.broadcast %squeeze3A : f32 to vector<16xf32>
      %sub3A_77 = arith.subf %sort3A_73, %sub3A : vector<16xf32>
      %exp3A = math.exp %sub3A_77 : vector<16xf32>
      %jit3A = arith.constant 0.000000e+00 : f32
      %broadcast_in_dim3A = vector.broadcast %jit3A : f32 to vector<16xf32>
      %select_n3A = arith.select %ge3A_6, %exp3A, %broadcast_in_dim3A : vector<16xi1>, vector<16xf32>
      %reduce_sum3A = arith.constant true
      %reduce_sum3A_78 = vector.broadcast %reduce_sum3A : i1 to vector<16xi1>
      %reduce_sum3A_79 = tpu.scan <sum>, %select_n3A masked %reduce_sum3A_78 : vector<16xf32>, vector<16xi1> -> vector<16xf32>
      %reduce_sum3A_80 = vector.extract %reduce_sum3A_79[15] : f32 from vector<16xf32>
      %broadcast_in_dim3A_81 = vector.broadcast %reduce_sum3A_80 : f32 to vector<16xf32>
      %broadcast_in_dim3A_82 = arith.constant 1.000000e+00 : f32
      %broadcast_in_dim3A_83 = vector.broadcast %broadcast_in_dim3A_82 : f32 to vector<16xf32>
      %div3A = arith.divf %broadcast_in_dim3A_83, %broadcast_in_dim3A_81 : vector<16xf32>
      %ge3A_84 = vector.broadcast %squeeze3A_76 : f32 to vector<16xf32>
      %ge3A_85 = arith.cmpf oge, %get3A_19, %ge3A_84 : vector<16xf32>
      %sub3A_86 = vector.broadcast %squeeze3A : f32 to vector<16xf32>
      %sub3A_87 = arith.subf %get3A_19, %sub3A_86 : vector<16xf32>
      %exp3A_88 = math.exp %sub3A_87 : vector<16xf32>
      %mul3A_89 = arith.mulf %exp3A_88, %div3A : vector<16xf32>
      %jit3A_90 = arith.constant 0.000000e+00 : f32
      %broadcast_in_dim3A_91 = vector.broadcast %jit3A_90 : f32 to vector<16xf32>
      %select_n3A_92 = arith.select %ge3A_85, %mul3A_89, %broadcast_in_dim3A_91 : vector<16xi1>, vector<16xf32>
      %add3A_93 = arith.constant 0 : i32
      %add3A_94 = arith.addi %mul3A_16, %add3A_93 : i32
      %swap3A = arith.index_cast %add3A_94 : i32 to index
      %swap3A_95 = tpu.vector_load %arg5[%swap3A] {strides = array<i32>} : memref<8192xf32, #tpu.memory_space<vmem>>, vector<16xf32>,
      tpu.vector_store %arg5[%swap3A], %select_n3A_92 {strides = array<i32>} : memref<8192xf32, #tpu.memory_space<vmem>>, vector<16xf32>,
      %ge3A_96 = vector.broadcast %squeeze3A_76 : f32 to vector<16xf32>
      %ge3A_97 = arith.cmpf oge, %get3A_23, %ge3A_96 : vector<16xf32>
      %sub3A_98 = vector.broadcast %squeeze3A : f32 to vector<16xf32>
      %sub3A_99 = arith.subf %get3A_23, %sub3A_98 : vector<16xf32>
      %exp3A_100 = math.exp %sub3A_99 : vector<16xf32>
      %mul3A_101 = arith.mulf %exp3A_100, %div3A : vector<16xf32>
      %jit3A_102 = arith.constant 0.000000e+00 : f32
      %broadcast_in_dim3A_103 = vector.broadcast %jit3A_102 : f32 to vector<16xf32>
      %select_n3A_104 = arith.select %ge3A_97, %mul3A_101, %broadcast_in_dim3A_103 : vector<16xi1>, vector<16xf32>
      %add3A_105 = arith.constant 16 : i32
      %add3A_106 = arith.addi %mul3A_16, %add3A_105 : i32
      %swap3A_107 = arith.index_cast %add3A_106 : i32 to index
      %swap3A_108 = tpu.vector_load %arg5[%swap3A_107] {strides = array<i32>} : memref<8192xf32, #tpu.memory_space<vmem>>, vector<16xf32>,
      tpu.vector_store %arg5[%swap3A_107], %select_n3A_104 {strides = array<i32>} : memref<8192xf32, #tpu.memory_space<vmem>>, vector<16xf32>,
      %ge3A_109 = vector.broadcast %squeeze3A_76 : f32 to vector<16xf32>
      %ge3A_110 = arith.cmpf oge, %get3A_27, %ge3A_109 : vector<16xf32>
      %sub3A_111 = vector.broadcast %squeeze3A : f32 to vector<16xf32>
      %sub3A_112 = arith.subf %get3A_27, %sub3A_111 : vector<16xf32>
      %exp3A_113 = math.exp %sub3A_112 : vector<16xf32>
      %mul3A_114 = arith.mulf %exp3A_113, %div3A : vector<16xf32>
      %jit3A_115 = arith.constant 0.000000e+00 : f32
      %broadcast_in_dim3A_116 = vector.broadcast %jit3A_115 : f32 to vector<16xf32>
      %select_n3A_117 = arith.select %ge3A_110, %mul3A_114, %broadcast_in_dim3A_116 : vector<16xi1>, vector<16xf32>
      %add3A_118 = arith.constant 32 : i32
      %add3A_119 = arith.addi %mul3A_16, %add3A_118 : i32
      %swap3A_120 = arith.index_cast %add3A_119 : i32 to index
      %swap3A_121 = tpu.vector_load %arg5[%swap3A_120] {strides = array<i32>} : memref<8192xf32, #tpu.memory_space<vmem>>, vector<16xf32>,
      tpu.vector_store %arg5[%swap3A_120], %select_n3A_117 {strides = array<i32>} : memref<8192xf32, #tpu.memory_space<vmem>>, vector<16xf32>,
      %ge3A_122 = vector.broadcast %squeeze3A_76 : f32 to vector<16xf32>
      %ge3A_123 = arith.cmpf oge, %get3A_31, %ge3A_122 : vector<16xf32>
      %sub3A_124 = vector.broadcast %squeeze3A : f32 to vector<16xf32>
      %sub3A_125 = arith.subf %get3A_31, %sub3A_124 : vector<16xf32>
      %exp3A_126 = math.exp %sub3A_125 : vector<16xf32>
      %mul3A_127 = arith.mulf %exp3A_126, %div3A : vector<16xf32>
      %jit3A_128 = arith.constant 0.000000e+00 : f32
      %broadcast_in_dim3A_129 = vector.broadcast %jit3A_128 : f32 to vector<16xf32>
      %select_n3A_130 = arith.select %ge3A_123, %mul3A_127, %broadcast_in_dim3A_129 : vector<16xi1>, vector<16xf32>
      %add3A_131 = arith.constant 48 : i32
      %add3A_132 = arith.addi %mul3A_16, %add3A_131 : i32
      %swap3A_133 = arith.index_cast %add3A_132 : i32 to index
      %swap3A_134 = tpu.vector_load %arg5[%swap3A_133] {strides = array<i32>} : memref<8192xf32, #tpu.memory_space<vmem>>, vector<16xf32>,
      tpu.vector_store %arg5[%swap3A_133], %select_n3A_130 {strides = array<i32>} : memref<8192xf32, #tpu.memory_space<vmem>>, vector<16xf32>,
    }
    %scan3A_11 = arith.constant 128 : i32
    %mul3A_12 = arith.constant 64 : i32
    %mul3A_13 = arith.muli %mul3A_2, %mul3A_12 : i32
    "tpu.region"() ({
      %run_scoped3A = tpu.sem_alloc : memref<!tpu.dma_semaphore, #tpu.memory_space<semaphore_mem>>
      %dma_start3A = tpu.memref_slice %arg3[%mul3A_13] : memref<262144xf32, #tpu.memory_space<hbm>> -> memref<8192xf32, #tpu.memory_space<hbm>>
      %dma_start3A_14 = tpu.memref_slice %arg3[%mul3A_13] : memref<262144xf32, #tpu.memory_space<hbm>> -> memref<8192xf32, #tpu.memory_space<hbm>>
      tpu.enqueue_dma source(%arg5 : memref<8192xf32, #tpu.memory_space<vmem>>) target(%dma_start3A_14 : memref<8192xf32, #tpu.memory_space<hbm>>) target_semaphore(%run_scoped3A : memref<!tpu.dma_semaphore, #tpu.memory_space<semaphore_mem>>)
      %dma_wait3A = tpu.memref_slice %arg3[%mul3A_13] : memref<262144xf32, #tpu.memory_space<hbm>> -> memref<8192xf32, #tpu.memory_space<hbm>>
      %dma_wait3A_15 = tpu.memref_slice %arg3[%mul3A_13] : memref<262144xf32, #tpu.memory_space<hbm>> -> memref<8192xf32, #tpu.memory_space<hbm>>
      tpu.wait_dma2 semaphore(%run_scoped3A : memref<!tpu.dma_semaphore, #tpu.memory_space<semaphore_mem>>) src(%arg5 : memref<8192xf32, #tpu.memory_space<vmem>>) dst(%dma_wait3A_15 : memref<8192xf32, #tpu.memory_space<hbm>>)
      tpu.yield
    }) : () -> ()
    return
  }
}

#map = affine_map<(d0, d1) -> (0)>
module attributes {stable_mosaic.version = 14 : i64} {
  func.func @_sc_gates(%arg0: i32, %arg1: i32, %arg2: memref<262144xf32, #tpu.memory_space<hbm>>, %arg3: memref<262144xf32, #tpu.memory_space<hbm>>, %arg4: memref<8192xf32, #tpu.memory_space<vmem>>, %arg5: memref<8192xf32, #tpu.memory_space<vmem>>) attributes {dimension_semantics = [#tpu.dimension_semantics<core_parallel>, #tpu.dimension_semantics<subcore_parallel>], iteration_bounds = array<i64: 2, 16>, scalar_prefetch = 0 : i64, scratch_operands = 2 : i64, tpu.core_type = #tpu.core_type<sc_vector_subcore>, window_params = [{transform_indices = #map}, {transform_indices = #map}]} {
    %mul3A = arith.constant 2 : i32
    %mul3A_0 = arith.muli %arg1, %mul3A : i32
    %add3A = arith.addi %mul3A_0, %arg0 : i32
    %mul3A_1 = arith.constant 128 : i32
    %mul3A_2 = arith.muli %add3A, %mul3A_1 : i32
    %mul3A_3 = arith.constant 64 : i32
    %mul3A_4 = arith.muli %mul3A_2, %mul3A_3 : i32
    "tpu.region"() ({
      %run_scoped3A = tpu.sem_alloc : memref<!tpu.dma_semaphore, #tpu.memory_space<semaphore_mem>>
      %dma_start3A = tpu.memref_slice %arg2[%mul3A_4] : memref<262144xf32, #tpu.memory_space<hbm>> -> memref<8192xf32, #tpu.memory_space<hbm>>
      %dma_start3A_14 = tpu.memref_slice %arg2[%mul3A_4] : memref<262144xf32, #tpu.memory_space<hbm>> -> memref<8192xf32, #tpu.memory_space<hbm>>
      tpu.enqueue_dma source(%dma_start3A_14 : memref<8192xf32, #tpu.memory_space<hbm>>) target(%arg4 : memref<8192xf32, #tpu.memory_space<vmem>>) target_semaphore(%run_scoped3A : memref<!tpu.dma_semaphore, #tpu.memory_space<semaphore_mem>>)
      %dma_wait3A = tpu.memref_slice %arg2[%mul3A_4] : memref<262144xf32, #tpu.memory_space<hbm>> -> memref<8192xf32, #tpu.memory_space<hbm>>
      %dma_wait3A_15 = tpu.memref_slice %arg2[%mul3A_4] : memref<262144xf32, #tpu.memory_space<hbm>> -> memref<8192xf32, #tpu.memory_space<hbm>>
      tpu.wait_dma2 semaphore(%run_scoped3A : memref<!tpu.dma_semaphore, #tpu.memory_space<semaphore_mem>>) src(%dma_wait3A_15 : memref<8192xf32, #tpu.memory_space<hbm>>) dst(%arg4 : memref<8192xf32, #tpu.memory_space<vmem>>)
      tpu.yield
    }) : () -> ()
    %iota3A = tpu.iota {dimensions = array<i32: 0>} : vector<16xi32>
    %ge3A = arith.constant 8 : i32
    %ge3A_5 = vector.broadcast %ge3A : i32 to vector<16xi32>
    %ge3A_6 = arith.cmpi sge, %iota3A, %ge3A_5 : vector<16xi32>
    %scan3A = arith.constant 0 : i32
    %scan3A_7 = arith.constant 0 : i32
    %scan3A_8 = arith.constant 128 : i32
    %scan3A_9 = arith.addi %scan3A_7, %scan3A_8 : i32
    %scan3A_10 = arith.constant 1 : i32
    scf.for %scan3A_14 = %scan3A_7 to %scan3A_9 step %scan3A_10  : i32 {
      %mul3A_15 = arith.constant 64 : i32
      %mul3A_16 = arith.muli %scan3A_14, %mul3A_15 : i32
      %add3A_17 = arith.constant 0 : i32
      %add3A_18 = arith.addi %mul3A_16, %add3A_17 : i32
      %get3A = arith.index_cast %add3A_18 : i32 to index
      %get3A_19 = tpu.vector_load %arg4[%get3A] {strides = array<i32>} : memref<8192xf32, #tpu.memory_space<vmem>>, vector<16xf32>,
      %add3A_20 = arith.constant 16 : i32
      %add3A_21 = arith.addi %mul3A_16, %add3A_20 : i32
      %get3A_22 = arith.index_cast %add3A_21 : i32 to index
      %get3A_23 = tpu.vector_load %arg4[%get3A_22] {strides = array<i32>} : memref<8192xf32, #tpu.memory_space<vmem>>, vector<16xf32>,
      %add3A_24 = arith.constant 32 : i32
      %add3A_25 = arith.addi %mul3A_16, %add3A_24 : i32
      %get3A_26 = arith.index_cast %add3A_25 : i32 to index
      %get3A_27 = tpu.vector_load %arg4[%get3A_26] {strides = array<i32>} : memref<8192xf32, #tpu.memory_space<vmem>>, vector<16xf32>,
      %add3A_28 = arith.constant 48 : i32
      %add3A_29 = arith.addi %mul3A_16, %add3A_28 : i32
      %get3A_30 = arith.index_cast %add3A_29 : i32 to index
      %get3A_31 = tpu.vector_load %arg4[%get3A_30] {strides = array<i32>} : memref<8192xf32, #tpu.memory_space<vmem>>, vector<16xf32>,
      %sort3A = arith.constant dense<true> : vector<16xi1>
      %sort3A_32, %sort3A_33, %sort3A_34 = tpu.sort %get3A_19, %get3A_19 masked %sort3A : (vector<16xf32>, vector<16xf32>, vector<16xi1>) -> (vector<16xi1>, vector<16xf32>, vector<16xf32>)
      %sort3A_35 = arith.constant dense<true> : vector<16xi1>
      %sort3A_36, %sort3A_37, %sort3A_38 = tpu.sort %get3A_23, %get3A_23 masked %sort3A_35 : (vector<16xf32>, vector<16xf32>, vector<16xi1>) -> (vector<16xi1>, vector<16xf32>, vector<16xf32>)
      %sort3A_39 = arith.constant dense<true> : vector<16xi1>
      %sort3A_40, %sort3A_41, %sort3A_42 = tpu.sort %get3A_27, %get3A_27 masked %sort3A_39 : (vector<16xf32>, vector<16xf32>, vector<16xi1>) -> (vector<16xi1>, vector<16xf32>, vector<16xf32>)
      %sort3A_43 = arith.constant dense<true> : vector<16xi1>
      %sort3A_44, %sort3A_45, %sort3A_46 = tpu.sort %get3A_31, %get3A_31 masked %sort3A_43 : (vector<16xf32>, vector<16xf32>, vector<16xi1>) -> (vector<16xi1>, vector<16xf32>, vector<16xf32>)
      %rev3A = arith.constant 15 : i32
      %rev3A_47 = vector.broadcast %rev3A : i32 to vector<16xi32>
      %rev3A_48 = tpu.iota {dimensions = array<i32: 0>} : vector<16xi32>
      %rev3A_49 = arith.subi %rev3A_47, %rev3A_48 : vector<16xi32>
      %rev3A_50 = tpu.dynamic_gather %sort3A_37[%rev3A_49] in [0] : vector<16xf32>, vector<16xi32> -> vector<16xf32>
      %max3A = arith.maximumf %sort3A_33, %rev3A_50 : vector<16xf32>
      %sort3A_51 = arith.constant dense<true> : vector<16xi1>
      %sort3A_52, %sort3A_53, %sort3A_54 = tpu.sort %max3A, %max3A masked %sort3A_51 : (vector<16xf32>, vector<16xf32>, vector<16xi1>) -> (vector<16xi1>, vector<16xf32>, vector<16xf32>)
      %rev3A_55 = arith.constant 15 : i32
      %rev3A_56 = vector.broadcast %rev3A_55 : i32 to vector<16xi32>
      %rev3A_57 = tpu.iota {dimensions = array<i32: 0>} : vector<16xi32>
      %rev3A_58 = arith.subi %rev3A_56, %rev3A_57 : vector<16xi32>
      %rev3A_59 = tpu.dynamic_gather %sort3A_45[%rev3A_58] in [0] : vector<16xf32>, vector<16xi32> -> vector<16xf32>
      %max3A_60 = arith.maximumf %sort3A_41, %rev3A_59 : vector<16xf32>
      %sort3A_61 = arith.constant dense<true> : vector<16xi1>
      %sort3A_62, %sort3A_63, %sort3A_64 = tpu.sort %max3A_60, %max3A_60 masked %sort3A_61 : (vector<16xf32>, vector<16xf32>, vector<16xi1>) -> (vector<16xi1>, vector<16xf32>, vector<16xf32>)
      %rev3A_65 = arith.constant 15 : i32
      %rev3A_66 = vector.broadcast %rev3A_65 : i32 to vector<16xi32>
      %rev3A_67 = tpu.iota {dimensions = array<i32: 0>} : vector<16xi32>
      %rev3A_68 = arith.subi %rev3A_66, %rev3A_67 : vector<16xi32>
      %rev3A_69 = tpu.dynamic_gather %sort3A_63[%rev3A_68] in [0] : vector<16xf32>, vector<16xi32> -> vector<16xf32>
      %max3A_70 = arith.maximumf %sort3A_53, %rev3A_69 : vector<16xf32>
      %sort3A_71 = arith.constant dense<true> : vector<16xi1>
      %sort3A_72, %sort3A_73, %sort3A_74 = tpu.sort %max3A_70, %max3A_70 masked %sort3A_71 : (vector<16xf32>, vector<16xf32>, vector<16xi1>) -> (vector<16xi1>, vector<16xf32>, vector<16xf32>)
      %slice3A = vector.extract_strided_slice %sort3A_73 {offsets = [15], sizes = [1], strides = [1]} : vector<16xf32> to vector<1xf32>
      %squeeze3A = vector.extract %slice3A[0] : f32 from vector<1xf32>
      %slice3A_75 = vector.extract_strided_slice %sort3A_73 {offsets = [8], sizes = [1], strides = [1]} : vector<16xf32> to vector<1xf32>
      %squeeze3A_76 = vector.extract %slice3A_75[0] : f32 from vector<1xf32>
      %sub3A = vector.broadcast %squeeze3A : f32 to vector<16xf32>
      %sub3A_77 = arith.subf %sort3A_73, %sub3A : vector<16xf32>
      %exp3A = math.exp %sub3A_77 : vector<16xf32>
      %jit3A = arith.constant 0.000000e+00 : f32
      %broadcast_in_dim3A = vector.broadcast %jit3A : f32 to vector<16xf32>
      %select_n3A = arith.select %ge3A_6, %exp3A, %broadcast_in_dim3A : vector<16xi1>, vector<16xf32>
      %reduce_sum3A = arith.constant true
      %reduce_sum3A_78 = vector.broadcast %reduce_sum3A : i1 to vector<16xi1>
      %reduce_sum3A_79 = tpu.scan <sum>, %select_n3A masked %reduce_sum3A_78 : vector<16xf32>, vector<16xi1> -> vector<16xf32>
      %reduce_sum3A_80 = vector.extract %reduce_sum3A_79[15] : f32 from vector<16xf32>
      %broadcast_in_dim3A_81 = vector.broadcast %reduce_sum3A_80 : f32 to vector<16xf32>
      %broadcast_in_dim3A_82 = arith.constant 1.000000e+00 : f32
      %broadcast_in_dim3A_83 = vector.broadcast %broadcast_in_dim3A_82 : f32 to vector<16xf32>
      %div3A = arith.divf %broadcast_in_dim3A_83, %broadcast_in_dim3A_81 : vector<16xf32>
      %ge3A_84 = vector.broadcast %squeeze3A_76 : f32 to vector<16xf32>
      %ge3A_85 = arith.cmpf oge, %get3A_19, %ge3A_84 : vector<16xf32>
      %sub3A_86 = vector.broadcast %squeeze3A : f32 to vector<16xf32>
      %sub3A_87 = arith.subf %get3A_19, %sub3A_86 : vector<16xf32>
      %exp3A_88 = math.exp %sub3A_87 : vector<16xf32>
      %mul3A_89 = arith.mulf %exp3A_88, %div3A : vector<16xf32>
      %jit3A_90 = arith.constant 0.000000e+00 : f32
      %broadcast_in_dim3A_91 = vector.broadcast %jit3A_90 : f32 to vector<16xf32>
      %select_n3A_92 = arith.select %ge3A_85, %mul3A_89, %broadcast_in_dim3A_91 : vector<16xi1>, vector<16xf32>
      %add3A_93 = arith.constant 0 : i32
      %add3A_94 = arith.addi %mul3A_16, %add3A_93 : i32
      %swap3A = arith.index_cast %add3A_94 : i32 to index
      %swap3A_95 = tpu.vector_load %arg5[%swap3A] {strides = array<i32>} : memref<8192xf32, #tpu.memory_space<vmem>>, vector<16xf32>,
      tpu.vector_store %arg5[%swap3A], %select_n3A_92 {strides = array<i32>} : memref<8192xf32, #tpu.memory_space<vmem>>, vector<16xf32>,
      %ge3A_96 = vector.broadcast %squeeze3A_76 : f32 to vector<16xf32>
      %ge3A_97 = arith.cmpf oge, %get3A_23, %ge3A_96 : vector<16xf32>
      %sub3A_98 = vector.broadcast %squeeze3A : f32 to vector<16xf32>
      %sub3A_99 = arith.subf %get3A_23, %sub3A_98 : vector<16xf32>
      %exp3A_100 = math.exp %sub3A_99 : vector<16xf32>
      %mul3A_101 = arith.mulf %exp3A_100, %div3A : vector<16xf32>
      %jit3A_102 = arith.constant 0.000000e+00 : f32
      %broadcast_in_dim3A_103 = vector.broadcast %jit3A_102 : f32 to vector<16xf32>
      %select_n3A_104 = arith.select %ge3A_97, %mul3A_101, %broadcast_in_dim3A_103 : vector<16xi1>, vector<16xf32>
      %add3A_105 = arith.constant 16 : i32
      %add3A_106 = arith.addi %mul3A_16, %add3A_105 : i32
      %swap3A_107 = arith.index_cast %add3A_106 : i32 to index
      %swap3A_108 = tpu.vector_load %arg5[%swap3A_107] {strides = array<i32>} : memref<8192xf32, #tpu.memory_space<vmem>>, vector<16xf32>,
      tpu.vector_store %arg5[%swap3A_107], %select_n3A_104 {strides = array<i32>} : memref<8192xf32, #tpu.memory_space<vmem>>, vector<16xf32>,
      %ge3A_109 = vector.broadcast %squeeze3A_76 : f32 to vector<16xf32>
      %ge3A_110 = arith.cmpf oge, %get3A_27, %ge3A_109 : vector<16xf32>
      %sub3A_111 = vector.broadcast %squeeze3A : f32 to vector<16xf32>
      %sub3A_112 = arith.subf %get3A_27, %sub3A_111 : vector<16xf32>
      %exp3A_113 = math.exp %sub3A_112 : vector<16xf32>
      %mul3A_114 = arith.mulf %exp3A_113, %div3A : vector<16xf32>
      %jit3A_115 = arith.constant 0.000000e+00 : f32
      %broadcast_in_dim3A_116 = vector.broadcast %jit3A_115 : f32 to vector<16xf32>
      %select_n3A_117 = arith.select %ge3A_110, %mul3A_114, %broadcast_in_dim3A_116 : vector<16xi1>, vector<16xf32>
      %add3A_118 = arith.constant 32 : i32
      %add3A_119 = arith.addi %mul3A_16, %add3A_118 : i32
      %swap3A_120 = arith.index_cast %add3A_119 : i32 to index
      %swap3A_121 = tpu.vector_load %arg5[%swap3A_120] {strides = array<i32>} : memref<8192xf32, #tpu.memory_space<vmem>>, vector<16xf32>,
      tpu.vector_store %arg5[%swap3A_120], %select_n3A_117 {strides = array<i32>} : memref<8192xf32, #tpu.memory_space<vmem>>, vector<16xf32>,
      %ge3A_122 = vector.broadcast %squeeze3A_76 : f32 to vector<16xf32>
      %ge3A_123 = arith.cmpf oge, %get3A_31, %ge3A_122 : vector<16xf32>
      %sub3A_124 = vector.broadcast %squeeze3A : f32 to vector<16xf32>
      %sub3A_125 = arith.subf %get3A_31, %sub3A_124 : vector<16xf32>
      %exp3A_126 = math.exp %sub3A_125 : vector<16xf32>
      %mul3A_127 = arith.mulf %exp3A_126, %div3A : vector<16xf32>
      %jit3A_128 = arith.constant 0.000000e+00 : f32
      %broadcast_in_dim3A_129 = vector.broadcast %jit3A_128 : f32 to vector<16xf32>
      %select_n3A_130 = arith.select %ge3A_123, %mul3A_127, %broadcast_in_dim3A_129 : vector<16xi1>, vector<16xf32>
      %add3A_131 = arith.constant 48 : i32
      %add3A_132 = arith.addi %mul3A_16, %add3A_131 : i32
      %swap3A_133 = arith.index_cast %add3A_132 : i32 to index
      %swap3A_134 = tpu.vector_load %arg5[%swap3A_133] {strides = array<i32>} : memref<8192xf32, #tpu.memory_space<vmem>>, vector<16xf32>,
      tpu.vector_store %arg5[%swap3A_133], %select_n3A_130 {strides = array<i32>} : memref<8192xf32, #tpu.memory_space<vmem>>, vector<16xf32>,
    }
    %scan3A_11 = arith.constant 128 : i32
    %mul3A_12 = arith.constant 64 : i32
    %mul3A_13 = arith.muli %mul3A_2, %mul3A_12 : i32
    "tpu.region"() ({
      %run_scoped3A = tpu.sem_alloc : memref<!tpu.dma_semaphore, #tpu.memory_space<semaphore_mem>>
      %dma_start3A = tpu.memref_slice %arg3[%mul3A_13] : memref<262144xf32, #tpu.memory_space<hbm>> -> memref<8192xf32, #tpu.memory_space<hbm>>
      %dma_start3A_14 = tpu.memref_slice %arg3[%mul3A_13] : memref<262144xf32, #tpu.memory_space<hbm>> -> memref<8192xf32, #tpu.memory_space<hbm>>
      tpu.enqueue_dma source(%arg5 : memref<8192xf32, #tpu.memory_space<vmem>>) target(%dma_start3A_14 : memref<8192xf32, #tpu.memory_space<hbm>>) target_semaphore(%run_scoped3A : memref<!tpu.dma_semaphore, #tpu.memory_space<semaphore_mem>>)
      %dma_wait3A = tpu.memref_slice %arg3[%mul3A_13] : memref<262144xf32, #tpu.memory_space<hbm>> -> memref<8192xf32, #tpu.memory_space<hbm>>
      %dma_wait3A_15 = tpu.memref_slice %arg3[%mul3A_13] : memref<262144xf32, #tpu.memory_space<hbm>> -> memref<8192xf32, #tpu.memory_space<hbm>>
      tpu.wait_dma2 semaphore(%run_scoped3A : memref<!tpu.dma_semaphore, #tpu.memory_space<semaphore_mem>>) src(%arg5 : memref<8192xf32, #tpu.memory_space<vmem>>) dst(%dma_wait3A_15 : memref<8192xf32, #tpu.memory_space<hbm>>)
      tpu.yield
    }) : () -> ()
    return
  }
}

#map = affine_map<(d0, d1) -> (0)>
module attributes {stable_mosaic.version = 14 : i64} {
  func.func @_sc_gates(%arg0: i32, %arg1: i32, %arg2: memref<262144xf32, #tpu.memory_space<hbm>>, %arg3: memref<262144xf32, #tpu.memory_space<hbm>>, %arg4: memref<8192xf32, #tpu.memory_space<vmem>>, %arg5: memref<8192xf32, #tpu.memory_space<vmem>>) attributes {dimension_semantics = [#tpu.dimension_semantics<core_parallel>, #tpu.dimension_semantics<subcore_parallel>], iteration_bounds = array<i64: 2, 16>, scalar_prefetch = 0 : i64, scratch_operands = 2 : i64, tpu.core_type = #tpu.core_type<sc_vector_subcore>, window_params = [{transform_indices = #map}, {transform_indices = #map}]} {
    %mul3A = arith.constant 2 : i32
    %mul3A_0 = arith.muli %arg1, %mul3A : i32
    %add3A = arith.addi %mul3A_0, %arg0 : i32
    %mul3A_1 = arith.constant 128 : i32
    %mul3A_2 = arith.muli %add3A, %mul3A_1 : i32
    %mul3A_3 = arith.constant 64 : i32
    %mul3A_4 = arith.muli %mul3A_2, %mul3A_3 : i32
    "tpu.region"() ({
      %run_scoped3A = tpu.sem_alloc : memref<!tpu.dma_semaphore, #tpu.memory_space<semaphore_mem>>
      %dma_start3A = tpu.memref_slice %arg2[%mul3A_4] : memref<262144xf32, #tpu.memory_space<hbm>> -> memref<8192xf32, #tpu.memory_space<hbm>>
      %dma_start3A_14 = tpu.memref_slice %arg2[%mul3A_4] : memref<262144xf32, #tpu.memory_space<hbm>> -> memref<8192xf32, #tpu.memory_space<hbm>>
      tpu.enqueue_dma source(%dma_start3A_14 : memref<8192xf32, #tpu.memory_space<hbm>>) target(%arg4 : memref<8192xf32, #tpu.memory_space<vmem>>) target_semaphore(%run_scoped3A : memref<!tpu.dma_semaphore, #tpu.memory_space<semaphore_mem>>)
      %dma_wait3A = tpu.memref_slice %arg2[%mul3A_4] : memref<262144xf32, #tpu.memory_space<hbm>> -> memref<8192xf32, #tpu.memory_space<hbm>>
      %dma_wait3A_15 = tpu.memref_slice %arg2[%mul3A_4] : memref<262144xf32, #tpu.memory_space<hbm>> -> memref<8192xf32, #tpu.memory_space<hbm>>
      tpu.wait_dma2 semaphore(%run_scoped3A : memref<!tpu.dma_semaphore, #tpu.memory_space<semaphore_mem>>) src(%dma_wait3A_15 : memref<8192xf32, #tpu.memory_space<hbm>>) dst(%arg4 : memref<8192xf32, #tpu.memory_space<vmem>>)
      tpu.yield
    }) : () -> ()
    %iota3A = tpu.iota {dimensions = array<i32: 0>} : vector<16xi32>
    %ge3A = arith.constant 8 : i32
    %ge3A_5 = vector.broadcast %ge3A : i32 to vector<16xi32>
    %ge3A_6 = arith.cmpi sge, %iota3A, %ge3A_5 : vector<16xi32>
    %scan3A = arith.constant 0 : i32
    %scan3A_7 = arith.constant 0 : i32
    %scan3A_8 = arith.constant 128 : i32
    %scan3A_9 = arith.addi %scan3A_7, %scan3A_8 : i32
    %scan3A_10 = arith.constant 1 : i32
    scf.for %scan3A_14 = %scan3A_7 to %scan3A_9 step %scan3A_10  : i32 {
      %mul3A_15 = arith.constant 64 : i32
      %mul3A_16 = arith.muli %scan3A_14, %mul3A_15 : i32
      %add3A_17 = arith.constant 0 : i32
      %add3A_18 = arith.addi %mul3A_16, %add3A_17 : i32
      %get3A = arith.index_cast %add3A_18 : i32 to index
      %get3A_19 = tpu.vector_load %arg4[%get3A] {strides = array<i32>} : memref<8192xf32, #tpu.memory_space<vmem>>, vector<16xf32>,
      %add3A_20 = arith.constant 16 : i32
      %add3A_21 = arith.addi %mul3A_16, %add3A_20 : i32
      %get3A_22 = arith.index_cast %add3A_21 : i32 to index
      %get3A_23 = tpu.vector_load %arg4[%get3A_22] {strides = array<i32>} : memref<8192xf32, #tpu.memory_space<vmem>>, vector<16xf32>,
      %add3A_24 = arith.constant 32 : i32
      %add3A_25 = arith.addi %mul3A_16, %add3A_24 : i32
      %get3A_26 = arith.index_cast %add3A_25 : i32 to index
      %get3A_27 = tpu.vector_load %arg4[%get3A_26] {strides = array<i32>} : memref<8192xf32, #tpu.memory_space<vmem>>, vector<16xf32>,
      %add3A_28 = arith.constant 48 : i32
      %add3A_29 = arith.addi %mul3A_16, %add3A_28 : i32
      %get3A_30 = arith.index_cast %add3A_29 : i32 to index
      %get3A_31 = tpu.vector_load %arg4[%get3A_30] {strides = array<i32>} : memref<8192xf32, #tpu.memory_space<vmem>>, vector<16xf32>,
      %sort3A = arith.constant dense<true> : vector<16xi1>
      %sort3A_32, %sort3A_33, %sort3A_34 = tpu.sort %get3A_19, %get3A_19 masked %sort3A : (vector<16xf32>, vector<16xf32>, vector<16xi1>) -> (vector<16xi1>, vector<16xf32>, vector<16xf32>)
      %sort3A_35 = arith.constant dense<true> : vector<16xi1>
      %sort3A_36, %sort3A_37, %sort3A_38 = tpu.sort %get3A_23, %get3A_23 masked %sort3A_35 : (vector<16xf32>, vector<16xf32>, vector<16xi1>) -> (vector<16xi1>, vector<16xf32>, vector<16xf32>)
      %sort3A_39 = arith.constant dense<true> : vector<16xi1>
      %sort3A_40, %sort3A_41, %sort3A_42 = tpu.sort %get3A_27, %get3A_27 masked %sort3A_39 : (vector<16xf32>, vector<16xf32>, vector<16xi1>) -> (vector<16xi1>, vector<16xf32>, vector<16xf32>)
      %sort3A_43 = arith.constant dense<true> : vector<16xi1>
      %sort3A_44, %sort3A_45, %sort3A_46 = tpu.sort %get3A_31, %get3A_31 masked %sort3A_43 : (vector<16xf32>, vector<16xf32>, vector<16xi1>) -> (vector<16xi1>, vector<16xf32>, vector<16xf32>)
      %rev3A = arith.constant 15 : i32
      %rev3A_47 = vector.broadcast %rev3A : i32 to vector<16xi32>
      %rev3A_48 = tpu.iota {dimensions = array<i32: 0>} : vector<16xi32>
      %rev3A_49 = arith.subi %rev3A_47, %rev3A_48 : vector<16xi32>
      %rev3A_50 = tpu.dynamic_gather %sort3A_37[%rev3A_49] in [0] : vector<16xf32>, vector<16xi32> -> vector<16xf32>
      %max3A = arith.maximumf %sort3A_33, %rev3A_50 : vector<16xf32>
      %sort3A_51 = arith.constant dense<true> : vector<16xi1>
      %sort3A_52, %sort3A_53, %sort3A_54 = tpu.sort %max3A, %max3A masked %sort3A_51 : (vector<16xf32>, vector<16xf32>, vector<16xi1>) -> (vector<16xi1>, vector<16xf32>, vector<16xf32>)
      %rev3A_55 = arith.constant 15 : i32
      %rev3A_56 = vector.broadcast %rev3A_55 : i32 to vector<16xi32>
      %rev3A_57 = tpu.iota {dimensions = array<i32: 0>} : vector<16xi32>
      %rev3A_58 = arith.subi %rev3A_56, %rev3A_57 : vector<16xi32>
      %rev3A_59 = tpu.dynamic_gather %sort3A_45[%rev3A_58] in [0] : vector<16xf32>, vector<16xi32> -> vector<16xf32>
      %max3A_60 = arith.maximumf %sort3A_41, %rev3A_59 : vector<16xf32>
      %sort3A_61 = arith.constant dense<true> : vector<16xi1>
      %sort3A_62, %sort3A_63, %sort3A_64 = tpu.sort %max3A_60, %max3A_60 masked %sort3A_61 : (vector<16xf32>, vector<16xf32>, vector<16xi1>) -> (vector<16xi1>, vector<16xf32>, vector<16xf32>)
      %rev3A_65 = arith.constant 15 : i32
      %rev3A_66 = vector.broadcast %rev3A_65 : i32 to vector<16xi32>
      %rev3A_67 = tpu.iota {dimensions = array<i32: 0>} : vector<16xi32>
      %rev3A_68 = arith.subi %rev3A_66, %rev3A_67 : vector<16xi32>
      %rev3A_69 = tpu.dynamic_gather %sort3A_63[%rev3A_68] in [0] : vector<16xf32>, vector<16xi32> -> vector<16xf32>
      %max3A_70 = arith.maximumf %sort3A_53, %rev3A_69 : vector<16xf32>
      %sort3A_71 = arith.constant dense<true> : vector<16xi1>
      %sort3A_72, %sort3A_73, %sort3A_74 = tpu.sort %max3A_70, %max3A_70 masked %sort3A_71 : (vector<16xf32>, vector<16xf32>, vector<16xi1>) -> (vector<16xi1>, vector<16xf32>, vector<16xf32>)
      %slice3A = vector.extract_strided_slice %sort3A_73 {offsets = [15], sizes = [1], strides = [1]} : vector<16xf32> to vector<1xf32>
      %squeeze3A = vector.extract %slice3A[0] : f32 from vector<1xf32>
      %slice3A_75 = vector.extract_strided_slice %sort3A_73 {offsets = [8], sizes = [1], strides = [1]} : vector<16xf32> to vector<1xf32>
      %squeeze3A_76 = vector.extract %slice3A_75[0] : f32 from vector<1xf32>
      %sub3A = vector.broadcast %squeeze3A : f32 to vector<16xf32>
      %sub3A_77 = arith.subf %sort3A_73, %sub3A : vector<16xf32>
      %exp3A = math.exp %sub3A_77 : vector<16xf32>
      %jit3A = arith.constant 0.000000e+00 : f32
      %broadcast_in_dim3A = vector.broadcast %jit3A : f32 to vector<16xf32>
      %select_n3A = arith.select %ge3A_6, %exp3A, %broadcast_in_dim3A : vector<16xi1>, vector<16xf32>
      %reduce_sum3A = arith.constant true
      %reduce_sum3A_78 = vector.broadcast %reduce_sum3A : i1 to vector<16xi1>
      %reduce_sum3A_79 = tpu.scan <sum>, %select_n3A masked %reduce_sum3A_78 : vector<16xf32>, vector<16xi1> -> vector<16xf32>
      %reduce_sum3A_80 = vector.extract %reduce_sum3A_79[15] : f32 from vector<16xf32>
      %broadcast_in_dim3A_81 = vector.broadcast %reduce_sum3A_80 : f32 to vector<16xf32>
      %broadcast_in_dim3A_82 = arith.constant 1.000000e+00 : f32
      %broadcast_in_dim3A_83 = vector.broadcast %broadcast_in_dim3A_82 : f32 to vector<16xf32>
      %div3A = arith.divf %broadcast_in_dim3A_83, %broadcast_in_dim3A_81 : vector<16xf32>
      %ge3A_84 = vector.broadcast %squeeze3A_76 : f32 to vector<16xf32>
      %ge3A_85 = arith.cmpf oge, %get3A_19, %ge3A_84 : vector<16xf32>
      %sub3A_86 = vector.broadcast %squeeze3A : f32 to vector<16xf32>
      %sub3A_87 = arith.subf %get3A_19, %sub3A_86 : vector<16xf32>
      %exp3A_88 = math.exp %sub3A_87 : vector<16xf32>
      %mul3A_89 = arith.mulf %exp3A_88, %div3A : vector<16xf32>
      %jit3A_90 = arith.constant 0.000000e+00 : f32
      %broadcast_in_dim3A_91 = vector.broadcast %jit3A_90 : f32 to vector<16xf32>
      %select_n3A_92 = arith.select %ge3A_85, %mul3A_89, %broadcast_in_dim3A_91 : vector<16xi1>, vector<16xf32>
      %add3A_93 = arith.constant 0 : i32
      %add3A_94 = arith.addi %mul3A_16, %add3A_93 : i32
      %swap3A = arith.index_cast %add3A_94 : i32 to index
      %swap3A_95 = tpu.vector_load %arg5[%swap3A] {strides = array<i32>} : memref<8192xf32, #tpu.memory_space<vmem>>, vector<16xf32>,
      tpu.vector_store %arg5[%swap3A], %select_n3A_92 {strides = array<i32>} : memref<8192xf32, #tpu.memory_space<vmem>>, vector<16xf32>,
      %ge3A_96 = vector.broadcast %squeeze3A_76 : f32 to vector<16xf32>
      %ge3A_97 = arith.cmpf oge, %get3A_23, %ge3A_96 : vector<16xf32>
      %sub3A_98 = vector.broadcast %squeeze3A : f32 to vector<16xf32>
      %sub3A_99 = arith.subf %get3A_23, %sub3A_98 : vector<16xf32>
      %exp3A_100 = math.exp %sub3A_99 : vector<16xf32>
      %mul3A_101 = arith.mulf %exp3A_100, %div3A : vector<16xf32>
      %jit3A_102 = arith.constant 0.000000e+00 : f32
      %broadcast_in_dim3A_103 = vector.broadcast %jit3A_102 : f32 to vector<16xf32>
      %select_n3A_104 = arith.select %ge3A_97, %mul3A_101, %broadcast_in_dim3A_103 : vector<16xi1>, vector<16xf32>
      %add3A_105 = arith.constant 16 : i32
      %add3A_106 = arith.addi %mul3A_16, %add3A_105 : i32
      %swap3A_107 = arith.index_cast %add3A_106 : i32 to index
      %swap3A_108 = tpu.vector_load %arg5[%swap3A_107] {strides = array<i32>} : memref<8192xf32, #tpu.memory_space<vmem>>, vector<16xf32>,
      tpu.vector_store %arg5[%swap3A_107], %select_n3A_104 {strides = array<i32>} : memref<8192xf32, #tpu.memory_space<vmem>>, vector<16xf32>,
      %ge3A_109 = vector.broadcast %squeeze3A_76 : f32 to vector<16xf32>
      %ge3A_110 = arith.cmpf oge, %get3A_27, %ge3A_109 : vector<16xf32>
      %sub3A_111 = vector.broadcast %squeeze3A : f32 to vector<16xf32>
      %sub3A_112 = arith.subf %get3A_27, %sub3A_111 : vector<16xf32>
      %exp3A_113 = math.exp %sub3A_112 : vector<16xf32>
      %mul3A_114 = arith.mulf %exp3A_113, %div3A : vector<16xf32>
      %jit3A_115 = arith.constant 0.000000e+00 : f32
      %broadcast_in_dim3A_116 = vector.broadcast %jit3A_115 : f32 to vector<16xf32>
      %select_n3A_117 = arith.select %ge3A_110, %mul3A_114, %broadcast_in_dim3A_116 : vector<16xi1>, vector<16xf32>
      %add3A_118 = arith.constant 32 : i32
      %add3A_119 = arith.addi %mul3A_16, %add3A_118 : i32
      %swap3A_120 = arith.index_cast %add3A_119 : i32 to index
      %swap3A_121 = tpu.vector_load %arg5[%swap3A_120] {strides = array<i32>} : memref<8192xf32, #tpu.memory_space<vmem>>, vector<16xf32>,
      tpu.vector_store %arg5[%swap3A_120], %select_n3A_117 {strides = array<i32>} : memref<8192xf32, #tpu.memory_space<vmem>>, vector<16xf32>,
      %ge3A_122 = vector.broadcast %squeeze3A_76 : f32 to vector<16xf32>
      %ge3A_123 = arith.cmpf oge, %get3A_31, %ge3A_122 : vector<16xf32>
      %sub3A_124 = vector.broadcast %squeeze3A : f32 to vector<16xf32>
      %sub3A_125 = arith.subf %get3A_31, %sub3A_124 : vector<16xf32>
      %exp3A_126 = math.exp %sub3A_125 : vector<16xf32>
      %mul3A_127 = arith.mulf %exp3A_126, %div3A : vector<16xf32>
      %jit3A_128 = arith.constant 0.000000e+00 : f32
      %broadcast_in_dim3A_129 = vector.broadcast %jit3A_128 : f32 to vector<16xf32>
      %select_n3A_130 = arith.select %ge3A_123, %mul3A_127, %broadcast_in_dim3A_129 : vector<16xi1>, vector<16xf32>
      %add3A_131 = arith.constant 48 : i32
      %add3A_132 = arith.addi %mul3A_16, %add3A_131 : i32
      %swap3A_133 = arith.index_cast %add3A_132 : i32 to index
      %swap3A_134 = tpu.vector_load %arg5[%swap3A_133] {strides = array<i32>} : memref<8192xf32, #tpu.memory_space<vmem>>, vector<16xf32>,
      tpu.vector_store %arg5[%swap3A_133], %select_n3A_130 {strides = array<i32>} : memref<8192xf32, #tpu.memory_space<vmem>>, vector<16xf32>,
    }
    %scan3A_11 = arith.constant 128 : i32
    %mul3A_12 = arith.constant 64 : i32
    %mul3A_13 = arith.muli %mul3A_2, %mul3A_12 : i32
    "tpu.region"() ({
      %run_scoped3A = tpu.sem_alloc : memref<!tpu.dma_semaphore, #tpu.memory_space<semaphore_mem>>
      %dma_start3A = tpu.memref_slice %arg3[%mul3A_13] : memref<262144xf32, #tpu.memory_space<hbm>> -> memref<8192xf32, #tpu.memory_space<hbm>>
      %dma_start3A_14 = tpu.memref_slice %arg3[%mul3A_13] : memref<262144xf32, #tpu.memory_space<hbm>> -> memref<8192xf32, #tpu.memory_space<hbm>>
      tpu.enqueue_dma source(%arg5 : memref<8192xf32, #tpu.memory_space<vmem>>) target(%dma_start3A_14 : memref<8192xf32, #tpu.memory_space<hbm>>) target_semaphore(%run_scoped3A : memref<!tpu.dma_semaphore, #tpu.memory_space<semaphore_mem>>)
      %dma_wait3A = tpu.memref_slice %arg3[%mul3A_13] : memref<262144xf32, #tpu.memory_space<hbm>> -> memref<8192xf32, #tpu.memory_space<hbm>>
      %dma_wait3A_15 = tpu.memref_slice %arg3[%mul3A_13] : memref<262144xf32, #tpu.memory_space<hbm>> -> memref<8192xf32, #tpu.memory_space<hbm>>
      tpu.wait_dma2 semaphore(%run_scoped3A : memref<!tpu.dma_semaphore, #tpu.memory_space<semaphore_mem>>) src(%arg5 : memref<8192xf32, #tpu.memory_space<vmem>>) dst(%dma_wait3A_15 : memref<8192xf32, #tpu.memory_space<hbm>>)
      tpu.yield
    }) : () -> ()
    return
  }
}

module attributes {stable_mosaic.version = 14 : i64} {
  func.func @_mm_block(%arg0: i32, %arg1: memref<1024x4096xf32, #tpu.memory_space<vmem>>, %arg2: memref<4096x64xf32, #tpu.memory_space<vmem>>, %arg3: memref<1x64xf32, #tpu.memory_space<vmem>>, %arg4: memref<1024x64xf32, #tpu.memory_space<vmem>>) attributes {dimension_semantics = [#tpu.dimension_semantics<arbitrary>], iteration_bounds = array<i64: 4>, scalar_prefetch = 0 : i64, scratch_operands = 0 : i64, tpu.core_type = #tpu.core_type<tc>, window_params = [{transform_indices = @transform_0, window_bounds = array<i64: 1024, 4096>}, {pipeline_mode = #tpu.pipeline_mode<synchronous>, transform_indices = @transform_1, window_bounds = array<i64: 4096, 64>}, {pipeline_mode = #tpu.pipeline_mode<synchronous>, transform_indices = @transform_2, window_bounds = array<i64: 1, 64>}, {transform_indices = @transform_3, window_bounds = array<i64: 1024, 64>}]} {
    %get3A = arith.constant 0 : index
    %get3A_0 = arith.constant 0 : index
    %get3A_1 = vector.load %arg1[%get3A, %get3A_0] : memref<1024x4096xf32, #tpu.memory_space<vmem>>, vector<1024x4096xf32>
    %get3A_2 = arith.constant 0 : index
    %get3A_3 = arith.constant 0 : index
    %get3A_4 = vector.load %arg2[%get3A_2, %get3A_3] : memref<4096x64xf32, #tpu.memory_space<vmem>>, vector<4096x64xf32>
    %dot_general3A = arith.constant dense<0.000000e+00> : vector<1024x64xf32>
    %dot_general3A_5 = tpu.matmul %get3A_1, %get3A_4, %dot_general3A {dimension_numbers = #tpu.dot_dimension_numbers<[1], [0], [0], [1], [0, 0, 1, 1], [], []>, transpose_lhs_hint = false} : vector<1024x4096xf32>, vector<4096x64xf32>, vector<1024x64xf32> -> vector<1024x64xf32>
    %get3A_6 = arith.constant 0 : index
    %get3A_7 = arith.constant 0 : index
    %get3A_8 = vector.load %arg3[%get3A_6, %get3A_7] : memref<1x64xf32, #tpu.memory_space<vmem>>, vector<1x64xf32>
    %add3A = vector.broadcast %get3A_8 : vector<1x64xf32> to vector<1024x64xf32>
    %add3A_9 = arith.addf %dot_general3A_5, %add3A : vector<1024x64xf32>
    %swap3A = arith.constant 0 : index
    %swap3A_10 = arith.constant 0 : index
    %swap3A_11 = vector.load %arg4[%swap3A, %swap3A_10] : memref<1024x64xf32, #tpu.memory_space<vmem>>, vector<1024x64xf32>
    tpu.vector_store %arg4[%swap3A, %swap3A_10], %add3A_9 {strides = array<i32>} : memref<1024x64xf32, #tpu.memory_space<vmem>>, vector<1024x64xf32>,
    return
  }
  func.func @transform_0(%arg0: i32) -> (i32, i32) {
    %add3A = arith.constant 8 : i32
    %add3A_0 = arith.addi %add3A, %arg0 : i32
    %c0_i32 = arith.constant 0 : i32
    %c0_i32_1 = arith.constant 0 : i32
    return %add3A_0, %c0_i32 : i32, i32
  }
  func.func @transform_1(%arg0: i32) -> (i32, i32) {
    %c0_i32 = arith.constant 0 : i32
    %c0_i32_0 = arith.constant 0 : i32
    %c0_i32_1 = arith.constant 0 : i32
    return %c0_i32, %c0_i32_0 : i32, i32
  }
  func.func @transform_2(%arg0: i32) -> (i32, i32) {
    %c0_i32 = arith.constant 0 : i32
    %c0_i32_0 = arith.constant 0 : i32
    %c0_i32_1 = arith.constant 0 : i32
    return %c0_i32, %c0_i32_0 : i32, i32
  }
  func.func @transform_3(%arg0: i32) -> (i32, i32) {
    %c0_i32 = arith.constant 0 : i32
    %c0_i32_0 = arith.constant 0 : i32
    return %arg0, %c0_i32 : i32, i32
  }
}

module attributes {stable_mosaic.version = 14 : i64} {
  func.func @_mm_block(%arg0: i32, %arg1: memref<1024x4096xf32, #tpu.memory_space<vmem>>, %arg2: memref<4096x64xf32, #tpu.memory_space<vmem>>, %arg3: memref<1x64xf32, #tpu.memory_space<vmem>>, %arg4: memref<1024x64xf32, #tpu.memory_space<vmem>>) attributes {dimension_semantics = [#tpu.dimension_semantics<arbitrary>], iteration_bounds = array<i64: 4>, scalar_prefetch = 0 : i64, scratch_operands = 0 : i64, tpu.core_type = #tpu.core_type<tc>, window_params = [{transform_indices = @transform_0, window_bounds = array<i64: 1024, 4096>}, {pipeline_mode = #tpu.pipeline_mode<synchronous>, transform_indices = @transform_1, window_bounds = array<i64: 4096, 64>}, {pipeline_mode = #tpu.pipeline_mode<synchronous>, transform_indices = @transform_2, window_bounds = array<i64: 1, 64>}, {transform_indices = @transform_3, window_bounds = array<i64: 1024, 64>}]} {
    %get3A = arith.constant 0 : index
    %get3A_0 = arith.constant 0 : index
    %get3A_1 = vector.load %arg1[%get3A, %get3A_0] : memref<1024x4096xf32, #tpu.memory_space<vmem>>, vector<1024x4096xf32>
    %get3A_2 = arith.constant 0 : index
    %get3A_3 = arith.constant 0 : index
    %get3A_4 = vector.load %arg2[%get3A_2, %get3A_3] : memref<4096x64xf32, #tpu.memory_space<vmem>>, vector<4096x64xf32>
    %dot_general3A = arith.constant dense<0.000000e+00> : vector<1024x64xf32>
    %dot_general3A_5 = tpu.matmul %get3A_1, %get3A_4, %dot_general3A {dimension_numbers = #tpu.dot_dimension_numbers<[1], [0], [0], [1], [0, 0, 1, 1], [], []>, transpose_lhs_hint = false} : vector<1024x4096xf32>, vector<4096x64xf32>, vector<1024x64xf32> -> vector<1024x64xf32>
    %get3A_6 = arith.constant 0 : index
    %get3A_7 = arith.constant 0 : index
    %get3A_8 = vector.load %arg3[%get3A_6, %get3A_7] : memref<1x64xf32, #tpu.memory_space<vmem>>, vector<1x64xf32>
    %add3A = vector.broadcast %get3A_8 : vector<1x64xf32> to vector<1024x64xf32>
    %add3A_9 = arith.addf %dot_general3A_5, %add3A : vector<1024x64xf32>
    %swap3A = arith.constant 0 : index
    %swap3A_10 = arith.constant 0 : index
    %swap3A_11 = vector.load %arg4[%swap3A, %swap3A_10] : memref<1024x64xf32, #tpu.memory_space<vmem>>, vector<1024x64xf32>
    tpu.vector_store %arg4[%swap3A, %swap3A_10], %add3A_9 {strides = array<i32>} : memref<1024x64xf32, #tpu.memory_space<vmem>>, vector<1024x64xf32>,
    return
  }
  func.func @transform_0(%arg0: i32) -> (i32, i32) {
    %add3A = arith.constant 12 : i32
    %add3A_0 = arith.addi %add3A, %arg0 : i32
    %c0_i32 = arith.constant 0 : i32
    %c0_i32_1 = arith.constant 0 : i32
    return %add3A_0, %c0_i32 : i32, i32
  }
  func.func @transform_1(%arg0: i32) -> (i32, i32) {
    %c0_i32 = arith.constant 0 : i32
    %c0_i32_0 = arith.constant 0 : i32
    %c0_i32_1 = arith.constant 0 : i32
    return %c0_i32, %c0_i32_0 : i32, i32
  }
  func.func @transform_2(%arg0: i32) -> (i32, i32) {
    %c0_i32 = arith.constant 0 : i32
    %c0_i32_0 = arith.constant 0 : i32
    %c0_i32_1 = arith.constant 0 : i32
    return %c0_i32, %c0_i32_0 : i32, i32
  }
  func.func @transform_3(%arg0: i32) -> (i32, i32) {
    %c0_i32 = arith.constant 0 : i32
    %c0_i32_0 = arith.constant 0 : i32
    return %arg0, %c0_i32 : i32, i32
  }
}

module attributes {stable_mosaic.version = 14 : i64} {
  func.func @_mm_block(%arg0: i32, %arg1: memref<1024x4096xf32, #tpu.memory_space<vmem>>, %arg2: memref<4096x64xf32, #tpu.memory_space<vmem>>, %arg3: memref<1x64xf32, #tpu.memory_space<vmem>>, %arg4: memref<1024x64xf32, #tpu.memory_space<vmem>>) attributes {dimension_semantics = [#tpu.dimension_semantics<arbitrary>], iteration_bounds = array<i64: 4>, scalar_prefetch = 0 : i64, scratch_operands = 0 : i64, tpu.core_type = #tpu.core_type<tc>, window_params = [{transform_indices = @transform_0, window_bounds = array<i64: 1024, 4096>}, {pipeline_mode = #tpu.pipeline_mode<synchronous>, transform_indices = @transform_1, window_bounds = array<i64: 4096, 64>}, {pipeline_mode = #tpu.pipeline_mode<synchronous>, transform_indices = @transform_2, window_bounds = array<i64: 1, 64>}, {transform_indices = @transform_3, window_bounds = array<i64: 1024, 64>}]} {
    %get3A = arith.constant 0 : index
    %get3A_0 = arith.constant 0 : index
    %get3A_1 = vector.load %arg1[%get3A, %get3A_0] : memref<1024x4096xf32, #tpu.memory_space<vmem>>, vector<1024x4096xf32>
    %get3A_2 = arith.constant 0 : index
    %get3A_3 = arith.constant 0 : index
    %get3A_4 = vector.load %arg2[%get3A_2, %get3A_3] : memref<4096x64xf32, #tpu.memory_space<vmem>>, vector<4096x64xf32>
    %dot_general3A = arith.constant dense<0.000000e+00> : vector<1024x64xf32>
    %dot_general3A_5 = tpu.matmul %get3A_1, %get3A_4, %dot_general3A {dimension_numbers = #tpu.dot_dimension_numbers<[1], [0], [0], [1], [0, 0, 1, 1], [], []>, transpose_lhs_hint = false} : vector<1024x4096xf32>, vector<4096x64xf32>, vector<1024x64xf32> -> vector<1024x64xf32>
    %get3A_6 = arith.constant 0 : index
    %get3A_7 = arith.constant 0 : index
    %get3A_8 = vector.load %arg3[%get3A_6, %get3A_7] : memref<1x64xf32, #tpu.memory_space<vmem>>, vector<1x64xf32>
    %add3A = vector.broadcast %get3A_8 : vector<1x64xf32> to vector<1024x64xf32>
    %add3A_9 = arith.addf %dot_general3A_5, %add3A : vector<1024x64xf32>
    %swap3A = arith.constant 0 : index
    %swap3A_10 = arith.constant 0 : index
    %swap3A_11 = vector.load %arg4[%swap3A, %swap3A_10] : memref<1024x64xf32, #tpu.memory_space<vmem>>, vector<1024x64xf32>
    tpu.vector_store %arg4[%swap3A, %swap3A_10], %add3A_9 {strides = array<i32>} : memref<1024x64xf32, #tpu.memory_space<vmem>>, vector<1024x64xf32>,
    return
  }
  func.func @transform_0(%arg0: i32) -> (i32, i32) {
    %add3A = arith.constant 4 : i32
    %add3A_0 = arith.addi %add3A, %arg0 : i32
    %c0_i32 = arith.constant 0 : i32
    %c0_i32_1 = arith.constant 0 : i32
    return %add3A_0, %c0_i32 : i32, i32
  }
  func.func @transform_1(%arg0: i32) -> (i32, i32) {
    %c0_i32 = arith.constant 0 : i32
    %c0_i32_0 = arith.constant 0 : i32
    %c0_i32_1 = arith.constant 0 : i32
    return %c0_i32, %c0_i32_0 : i32, i32
  }
  func.func @transform_2(%arg0: i32) -> (i32, i32) {
    %c0_i32 = arith.constant 0 : i32
    %c0_i32_0 = arith.constant 0 : i32
    %c0_i32_1 = arith.constant 0 : i32
    return %c0_i32, %c0_i32_0 : i32, i32
  }
  func.func @transform_3(%arg0: i32) -> (i32, i32) {
    %c0_i32 = arith.constant 0 : i32
    %c0_i32_0 = arith.constant 0 : i32
    return %arg0, %c0_i32 : i32, i32
  }
}

module attributes {stable_mosaic.version = 14 : i64} {
  func.func @_mm_block(%arg0: i32, %arg1: memref<1024x4096xf32, #tpu.memory_space<vmem>>, %arg2: memref<4096x64xf32, #tpu.memory_space<vmem>>, %arg3: memref<1x64xf32, #tpu.memory_space<vmem>>, %arg4: memref<1024x64xf32, #tpu.memory_space<vmem>>) attributes {dimension_semantics = [#tpu.dimension_semantics<arbitrary>], iteration_bounds = array<i64: 4>, scalar_prefetch = 0 : i64, scratch_operands = 0 : i64, tpu.core_type = #tpu.core_type<tc>, window_params = [{transform_indices = @transform_0, window_bounds = array<i64: 1024, 4096>}, {pipeline_mode = #tpu.pipeline_mode<synchronous>, transform_indices = @transform_1, window_bounds = array<i64: 4096, 64>}, {pipeline_mode = #tpu.pipeline_mode<synchronous>, transform_indices = @transform_2, window_bounds = array<i64: 1, 64>}, {transform_indices = @transform_3, window_bounds = array<i64: 1024, 64>}]} {
    %get3A = arith.constant 0 : index
    %get3A_0 = arith.constant 0 : index
    %get3A_1 = vector.load %arg1[%get3A, %get3A_0] : memref<1024x4096xf32, #tpu.memory_space<vmem>>, vector<1024x4096xf32>
    %get3A_2 = arith.constant 0 : index
    %get3A_3 = arith.constant 0 : index
    %get3A_4 = vector.load %arg2[%get3A_2, %get3A_3] : memref<4096x64xf32, #tpu.memory_space<vmem>>, vector<4096x64xf32>
    %dot_general3A = arith.constant dense<0.000000e+00> : vector<1024x64xf32>
    %dot_general3A_5 = tpu.matmul %get3A_1, %get3A_4, %dot_general3A {dimension_numbers = #tpu.dot_dimension_numbers<[1], [0], [0], [1], [0, 0, 1, 1], [], []>, transpose_lhs_hint = false} : vector<1024x4096xf32>, vector<4096x64xf32>, vector<1024x64xf32> -> vector<1024x64xf32>
    %get3A_6 = arith.constant 0 : index
    %get3A_7 = arith.constant 0 : index
    %get3A_8 = vector.load %arg3[%get3A_6, %get3A_7] : memref<1x64xf32, #tpu.memory_space<vmem>>, vector<1x64xf32>
    %add3A = vector.broadcast %get3A_8 : vector<1x64xf32> to vector<1024x64xf32>
    %add3A_9 = arith.addf %dot_general3A_5, %add3A : vector<1024x64xf32>
    %swap3A = arith.constant 0 : index
    %swap3A_10 = arith.constant 0 : index
    %swap3A_11 = vector.load %arg4[%swap3A, %swap3A_10] : memref<1024x64xf32, #tpu.memory_space<vmem>>, vector<1024x64xf32>
    tpu.vector_store %arg4[%swap3A, %swap3A_10], %add3A_9 {strides = array<i32>} : memref<1024x64xf32, #tpu.memory_space<vmem>>, vector<1024x64xf32>,
    return
  }
  func.func @transform_0(%arg0: i32) -> (i32, i32) {
    %add3A = arith.constant 0 : i32
    %add3A_0 = arith.addi %add3A, %arg0 : i32
    %c0_i32 = arith.constant 0 : i32
    %c0_i32_1 = arith.constant 0 : i32
    return %add3A_0, %c0_i32 : i32, i32
  }
  func.func @transform_1(%arg0: i32) -> (i32, i32) {
    %c0_i32 = arith.constant 0 : i32
    %c0_i32_0 = arith.constant 0 : i32
    %c0_i32_1 = arith.constant 0 : i32
    return %c0_i32, %c0_i32_0 : i32, i32
  }
  func.func @transform_2(%arg0: i32) -> (i32, i32) {
    %c0_i32 = arith.constant 0 : i32
    %c0_i32_0 = arith.constant 0 : i32
    %c0_i32_1 = arith.constant 0 : i32
    return %c0_i32, %c0_i32_0 : i32, i32
  }
  func.func @transform_3(%arg0: i32) -> (i32, i32) {
    %c0_i32 = arith.constant 0 : i32
    %c0_i32_0 = arith.constant 0 : i32
    return %arg0, %c0_i32 : i32, i32
  }
}

</mosaic_0001>

<sc_bundles>
// kernel: kernel.10.cloned.1.call-start
scs
__scs_entry_jumppad:
0x0: {  	(pc) =	sbr.rel $0x88, $3  }
0x1: {  	(tag) =	ssettag $0x0;
	lr =	simm.s32 $0x1  }
0x2: {  	[smem:$0x3F9E] =	sst lr;
	_ =	strace $0xD0000000  }
0x3: {  	_ = 	snop  }
0x4: {  	_ = 	snop  }
0x5: {  	_ = 	snop  }
0x6: {  	_ = 	snop  }
0x7: {  	_ = 	snop  }
__scs_overlays_trampoline_lowered:
0x8: {  	[smem:$0x3FAD] =	sst s0  }
0x9: {  	[smem:$0x3FAE] =	sst s1  }
0xa: {  	[smem:$0x3FAF] =	sst s2  }
0xb: {  	[smem:$0x3FB0] =	sst s3  }
0xc: {  	[smem:$0x3FB1] =	sst s4  }
0xd: {  	[smem:$0x3FB2] =	sst s5  }
0xe: {  	[smem:$0x3FB3] =	sst s6  }
0xf: {  	[smem:$0x3FB4] =	sst s7  }
0x10: {  	[smem:$0x3FB5] =	sst s8  }
0x11: {  	[smem:$0x3FB6] =	sst s9;
	s0 =	simm.s32 @!p0 $0x0  }
0x12: {  	s1 =	sld [smem:$0x3F9C];
	s0 =	simm.s32 @p0 $0x1  }
0x13: {  	[smem:$0x3FB7] =	sst s0;
	s0 =	simm.s32 @!p1 $0x0  }
0x14: {  	s2 =	sld [smem:$0x3F9B];
	s0 =	simm.s32 @p1 $0x1  }
0x15: {  	[smem:$0x3FB8] =	sst s0;
	s0 =	simm.s32 @!p2 $0x0  }
0x16: {  	s3 =	sld [smem:$0x3FDB];
	s0 =	simm.s32 @p2 $0x1  }
0x17: {  	s4 =	simm.s32 $0x1BF5;
	[smem:$0x3FBA] =	sst s0  }
0x18: {  	s0 =	sld [smem:$0x3F9D];
	_ =	swait.ge [sflag:s4], $0x0  }
0x19: {  	s7 =	sld [smem:$0x3F9E]  }
0x1a: {  	s8 =	sadd.s32 $0xFFFFE003, lr  }
0x1b: {  	s9 =	sadd.s32 $0xFFFFFEF7, lr;
	s5 =	simm.s32 $0xFFFFFFFF;
	p2 =	slt.u32 s8, $0xFFFFF086  }
0x1c: {  	p1 =	slt.u32 s9, $0xF7A;
	s5 =	simm.s32 @!p2 $0x0  }
0x1d: {  	s5 =	simm.s32 @p1 $0x1;
	p0 =	seq.s32 s7, s2  }
0x1e: {  	s7 =	smul.u32 @!p0 $0xF7A, s2;
	p2 =	seq.s32 @!p0 s5, $0x0  }
0x1f: {  	s9 =	smul.u32 $0xF7A, s1;
	s8 =	simm.s32 @!p0 $0x1BF5;
	p2 =	por !p2, p0  }
0x20: {  	[sflag:s8] =	ssyncset.s32 @!p0 $0xFFFFF086;
	s6 =	sadd.s32 @!p0 s3, s7;
	s7 =	simm.s32 @!p0 $0x108  }
0x21: {  	s3 =	sadd.s32 s3, s9;
	s6 =	sadd.s32 @!p0 $0x88, s6;
	s7 =	simm.s32 @p2 $0x1082  }
0x22: {  	[simem:s7], [sflag:s8] =	dma.local @!p0 [hbm:s6], $0xF7A  }
0x23: {  	s9 =	sor.u32 $0xD0000000, s2;
	s6 =	simm.s32 $0x108;
	_ =	swait.ge @!p0 [sflag:s8], $0x0  }
0x24: {  	s3 =	sadd.s32 $0x88, s3;
	s6 =	simm.s32 @!p1 $0x1082;
	[sflag:s4] =	ssyncset.s32 $0xFFFFF086  }
0x25: {  	[simem:s6], [sflag:s4] =	dma.local [hbm:s3], $0xF7A  }
0x26: {  	[smem:$0x3F9E] =	sst s1;
	(tag) =	ssettag s2;
	_ =	strace s9  }
0x27: {  	s1 =	sld [smem:$0x3FAE]  }
0x28: {  	s2 =	sld [smem:$0x3FAF]  }
0x29: {  	s4 =	sld [smem:$0x3FB1]  }
0x2a: {  	p0 =	seq.s32 s5, $0x0;
	s5 =	sld [smem:$0x3FB2]  }
0x2b: {  	s6 =	sld [smem:$0x3FB3]  }
0x2c: {  	s7 =	sld [smem:$0x3FB4]  }
0x2d: {  	s3 =	simm.s32 $0x108;
	s8 =	sld [smem:$0x3FB5]  }
0x2e: {  	s3 =	simm.s32 @!p0 $0x1082;
	s9 =	sld [smem:$0x3FB6]  }
0x2f: {  	lr =	sadd.s32 s0, s3;
	s0 =	sld [smem:$0x3FAD]  }
0x30: {  	s3 =	sld [smem:$0x3FB0]  }
0x31: {  	[smem:$0x3FB9] =	sst s10  }
0x32: {  	s10 =	sld [smem:$0x3FB7];
	_ =	sdelay $0x3  }
0x33: {  	p0 =	seq.s32 s10, $0x1;
	s10 =	sld [smem:$0x3FB9];
	_ =	sdelay $0x3  }
0x34: {  	[smem:$0x3FB9] =	sst s10  }
0x35: {  	s10 =	sld [smem:$0x3FB8];
	_ =	sdelay $0x3  }
0x36: {  	p1 =	seq.s32 s10, $0x1;
	s10 =	sld [smem:$0x3FB9];
	_ =	sdelay $0x3  }
0x37: {  	[smem:$0x3FB9] =	sst s10  }
0x38: {  	s10 =	sld [smem:$0x3FBA]  }
0x39: {  	_ = 	snop;
	(pc) =	sbr.ind lr, $3  }
0x3a: {  	_ = 	snop  }
0x3b: {  	_ = 	snop  }
0x3c: {  	p2 =	seq.s32 s10, $0x1;
	s10 =	sld [smem:$0x3FB9]  }
0x3d: {  	_ =	shalt  }
0x3e: {  	_ =	shalt  }
0x3f: {  	_ =	shalt  }
0x40: {  	_ =	shalt  }
0x41: {  	_ =	shalt  }
0x42: {  	_ =	shalt  }
0x43: {  	_ =	shalt  }
0x44: {  	_ =	shalt  }
0x45: {  	_ =	shalt  }
0x46: {  	_ =	shalt  }
0x47: {  	_ =	shalt  }
0x48: {  	_ =	shalt  }
0x49: {  	_ =	shalt  }
0x4a: {  	_ =	shalt  }
0x4b: {  	_ =	shalt  }
0x4c: {  	_ =	shalt  }
0x4d: {  	_ =	shalt  }
0x4e: {  	_ =	shalt  }
0x4f: {  	_ =	shalt  }
0x50: {  	_ =	shalt  }
0x51: {  	_ =	shalt  }
0x52: {  	_ =	shalt  }
0x53: {  	_ =	shalt  }
0x54: {  	_ =	shalt  }
0x55: {  	_ =	shalt  }
0x56: {  	_ =	shalt  }
0x57: {  	_ =	shalt  }
0x58: {  	_ =	shalt  }
0x59: {  	_ =	shalt  }
0x5a: {  	_ =	shalt  }
0x5b: {  	_ =	shalt  }
0x5c: {  	_ =	shalt  }
0x5d: {  	_ =	shalt  }
0x5e: {  	_ =	shalt  }
0x5f: {  	_ =	shalt  }
0x60: {  	_ =	shalt  }
0x61: {  	_ =	shalt  }
0x62: {  	_ =	shalt  }
0x63: {  	_ =	shalt  }
0x64: {  	_ =	shalt  }
0x65: {  	_ =	shalt  }
0x66: {  	_ =	shalt  }
0x67: {  	_ =	shalt  }
0x68: {  	_ =	shalt  }
0x69: {  	_ =	shalt  }
0x6a: {  	_ =	shalt  }
0x6b: {  	_ =	shalt  }
0x6c: {  	_ =	shalt  }
0x6d: {  	_ =	shalt  }
0x6e: {  	_ =	shalt  }
0x6f: {  	_ =	shalt  }
0x70: {  	_ =	shalt  }
0x71: {  	_ =	shalt  }
0x72: {  	_ =	shalt  }
0x73: {  	_ =	shalt  }
0x74: {  	_ =	shalt  }
0x75: {  	_ =	shalt  }
0x76: {  	_ =	shalt  }
0x77: {  	_ =	shalt  }
0x78: {  	_ =	shalt  }
0x79: {  	_ =	shalt  }
0x7a: {  	_ =	shalt  }
0x7b: {  	_ =	shalt  }
0x7c: {  	_ =	shalt  }
0x7d: {  	_ =	shalt  }
0x7e: {  	_ =	shalt  }
0x7f: {  	_ =	shalt  }
0x80: {  	_ =	shalt  }
0x81: {  	_ =	shalt  }
0x82: {  	_ =	shalt  }
0x83: {  	_ =	shalt  }
0x84: {  	_ =	shalt  }
0x85: {  	_ =	shalt  }
0x86: {  	_ =	shalt  }
0x87: {  	_ =	shalt  }
.Lfunc_end0:
.L_simem_size_0:
called_computation_lowered:
.L_overlay_start_0:
0x88: {  	s2 =	sld [smem:$0x3FD9]  }
0x89: {  	s3 =	sld [smem:$0x3FFE];
	_ =	sdelay $0x1  }
0x8a: {  	s1 =	srdreg.scid  }
0x8b: {  	s0 =	sand.u32 $0x1, s1  }
0x8c: {  	s17 =	sshll.u32 s0, $0xA;
	s2 =	sadd.s32 s3, s2  }
0x8d: {  	s2 =	sadd.s32 s2, s17  }
0x8e: {  	[smem:$0x3FC5] =	sst s2  }
0x8f: {  	_ = 	snop  }
0x90: {  	(tm) =	ssettm $0x1  }
0x91: {  	s18 =	sld [smem:$0x3FFB];
	_ =	sdelay $0x3  }
0x92: {  	_ =	strace s18  }
0x93: {  	s2 =	sld [smem:$0x3FFC];
	_ =	sdelay $0x3  }
0x94: {  	_ =	strace s2  }
0x95: {  	s2 =	sld [smem:$0x3FFD];
	_ =	sdelay $0x3  }
0x96: {  	_ =	strace s2  }
0x97: {  	_ =	strace $0x8FFFFFFF  }
0x98: {  	s19 =	sld [smem:$0x3FDB];
	_ =	sdelay $0x1  }
0x99: {  	s20 =	simm.s32 $_scs_section_size  }
0x9a: {  	s4 =	simm.s32 $_size__tile_overlayer_lowered;
	s5 =	simm.s32 $_tile_overlayer_lowered  }
0x9b: {  	s6 =	simm.s32 $0x1BFF;
	s21 =	sshll.u32 s5, $0x1;
	s3 =	sadd.s32 s20, s19  }
0x9c: {  	s22 =	simm.s32 $0x0;
	s4 =	sshll.u32 s4, $0x1;
	s5 =	sadd.s32 s21, s3  }
0x9d: {  	[timem:s22], [sflag:s6] =	dma.local [hbm:s5], s4  }
0x9e: {  	_ =	swait.ge [sflag:s6], s4  }
0x9f: {  	s4 =	ssub.s32 $0x0, s4;
	[sflag:s6] =	ssyncset.done $0x0  }
0xa0: {  	[sflag:s6] =	ssyncadd.s32 s4;
	_ =	sdelay $0x1  }
0xa1: {  	s23 =	simm.s32 $0x1B8B  }
0xa2: {  	_ =	swait.ge [sflag:s23], $0x1  }
0xa3: {  	[sflag:s23] =	ssyncset.done $0x0  }
0xa4: {  	[sflag:s23] =	ssyncadd.s32 $0xFFFFFFFF  }
0xa5: {  	s4 =	sld [smem:$0x0]  }
0xa6: {  	s5 =	sand.u32 $0xFFFFFFFE, s1  }
0xa7: {  	p0 =	sne.s32 s1, s5  }
0xa8: {  	s5 =	sshll.u32 @p0 s5, $0xE  }
0xa9: {  	s5 =	sadd.s32 @p0 $0x11B8D, s5;
	s6 =	sshll.u32 @p0 s4, $0x11  }
0xaa: {  	s5 =	sor.u32 @p0 s6, s5  }
0xab: {  	[sflag:s5] =	ssyncadd.remote.s32 @p0 $0x1;
	_ =	sdelay $0x1  }
0xac: {  	s5 =	simm.s32 @p0 $0x1B8D  }
0xad: {  	_ =	swait.eq @p0 [sflag:s5], $0x1  }
0xae: {  	[sflag:s5] =	ssyncadd.s32 @p0 $0xFFFFFFFF  }
0xaf: {  	s6 =	sshll.u32 @!p0 s1, $0xE  }
0xb0: {  	s6 =	sor.u32 @!p0 $0x4000, s6;
	s5 =	simm.s32 @!p0 $0x1B8D  }
0xb1: {  	s4 =	sshll.u32 @!p0 s4, $0x11;
	s6 =	sadd.s32 @!p0 $0x11B8D, s6;
	_ =	swait.eq @!p0 [sflag:s5], $0x1  }
0xb2: {  	s4 =	sor.u32 @!p0 s4, s6;
	[sflag:s5] =	ssyncadd.s32 @!p0 $0xFFFFFFFF  }
0xb3: {  	s25 =	simm.s32 $0x1B8E;
	s24 =	sld [smem:$0x3FFE];
	[sflag:s4] =	ssyncadd.remote.s32 @!p0 $0x1  }
0xb4: {  	s26 =	simm.s32 $execute0_lowered;
	[smem:$0x3FD2] =	sst s25  }
0xb5: {  	s5 =	sshll.u32 s26, $0x1;
	_ =	strace $0x8000004F;
	[dreg:$0x1] =	wrdreg $0xFFFFFFFF  }
0xb6: {  	s28 =	simm.s32 $_size_execute0_lowered;
	s3 =	sadd.s32 s3, s5;
	[dreg:$0x0] =	wrdreg $0x0  }
0xb7: {  	s5 =	sshll.u32 s28, $0x1;
	[dreg:$0x2] =	wrdreg s3  }
0xb8: {  	[dreg:$0x3] =	wrdreg s5  }
0xb9: {  	[dreg:$0x4] =	wrdreg $0xC0  }
0xba: {  	_ =	task [dreg:s22], $0x5FFFF  }
0xbb: {  	[dreg:$0x1] =	wrdreg $0xFFFFFFFF  }
0xbc: {  	[dreg:$0x0] =	wrdreg $0x60  }
0xbd: {  	[dreg:$0x2] =	wrdreg s24  }
0xbe: {  	[dreg:$0x3] =	wrdreg $0x9  }
0xbf: {  	_ =	task.clear_ibuf [dreg:s22], $0x4FFFF;
	_ =	strace $0x9000004F  }
0xc0: {  	s29 =	simm.s32 $0x9;
	_ =	strace $0x80000051  }
0xc1: {  	_ =	swait.ge [sflag:s29], $0x1  }
0xc2: {  	[sflag:s29] =	ssyncadd.s32 $0xFFFFFFFF  }
0xc3: {  	_ =	strace $0x90000051  }
0xc4: {  	_ =	sfence  }
0xc5: {  	s30 =	sld [smem:$0x0];
	_ =	sdelay $0x2  }
0xc6: {  	s31 =	sshll.u32 s1, $0xD;
	s1 =	sshrl.u32 s1, $0x2  }
0xc7: {  	s4 =	sand.u32 $0x4000, s31;
	s1 =	sadd.s32 s1, s30  }
0xc8: {  	s0 =	sor.u32 s4, s0;
	s1 =	sshll.u32 s1, $0x11  }
0xc9: {  	s0 =	sor.u32 s1, s0  }
0xca: {  	s0 =	sadd.s32 $0x8F2B, s0  }
0xcb: {  	[sflag:s0] =	ssyncadd.remote.s32 $0x1  }
0xcc: {  	_ =	sfence.sel $0xFFFF  }
0xcd: {  	[dreg:$0x0] =	wrdreg $0xFFFFFFFF;
	(pc) =	sbr.abs _section_cstart, $3  }
0xce: {  	[dreg:$0x1] =	wrdreg $0xFFFFFFFF  }
0xcf: {  	_ =	task.clear_ibuf [dreg:s22], $0x2FFFF;
	_ =	strace $0x9FFFFFFF  }
0xd0: {  	(tm) =	ssettm $0x7FFFFFFF  }
0xd1: {  	_ =	shalt  }
tec
execute0_lowered:
.L_overlay_start_1:
0x0: {  	(tag) =	ssettag $0x1  }
0x1: {  	s3 =	rddreg [dreg:$0x0]  }
0x2: {  	s0 =	rddreg [dreg:$0x1];
	s4 =	srdreg.scid  }
0x3: {  	s2 =	simm.s32 $0x0;
	s1 =	stileid.u32;
	s4 =	sand.u32 $0x1, s4  }
0x4: {  	s7 =	simm.s32 $0x2000;
	s5 =	sshll.u32 s1, $0xB;
	s6 =	sshll.u32 s4, $0xA  }
0x5: {  	v0 =	vlaneseq.u32;
	s8 =	simm.s32 $0x0;
	s4 =	ssub.s32 $0x2, s4;
	s5 =	sor.u32 s6, s5  }
0x6: {  	[smem:$0x7FF] =	sst s2;
	v0 =	vmul.u32 $0xFFFFFFFF, v0;
	s31 =	sshrl.u32 s4, $0x1;
	s5 =	sadd.s32 s5, s3  }
0x7: {  	_ =	strace $0x80000050;
	s6 =	ssub.s32 s4, s31;
	s3 =	sadd.s32 $0x31A00, s5  }
0x8: {  	vm0 =	vmmov $0xff;
	v0 =	vadd.s32 $0xF, v0;
	s4 =	sadd.s32 $0x39A00, s5;
	s5 =	smax.u32 s6, $0x1;
	s6 =	simm.s32 $0x1  }
.LBB2_1:
0x9: {  	[tilespmem:s2], [sflag:$0x1] =	stream.linear.gather [hbm4b:s3+s2], $0x2000, $0x38;
	[tilespmem:$0x4000] =	vst v63  }
0xa: {  	_ =	swait.ge [sflag:s6], $0x2000  }
0xb: {  	[sflag:s6] =	ssyncset.done $0x0  }
0xc: {  	s13 =	simm.s32 $0x0;
	[sflag:s6] =	ssyncadd.s32 $0xFFFFE000  }
0xd: {  	v18 =	vld [tilespmem:s13+$0x30];
	_ =	sdelay $0x1  }
0xe: {  	v19 =	vld [tilespmem:s13+$0x20];
	_ =	sdelay $0x2  }
0xf: {  	(xrf1) =	vsort.ascd.msk.f32 $0xffff, v18, v18;
	_ =	sdelay $0x1  }
0x10: {  	(xrf1) =	vsort.ascd.msk.f32 $0xffff, v19, v19;
	_ =	sdelay $0x4  }
0x11: {  	v1 =	vld [tilespmem:s13+$0x0]  }
0x12: {  	v23 =	vld [tilespmem:s13+$0x10];
	_ =	sdelay $0x2  }
0x13: {  	s10 =	simm.s32 $0x40  }
0x14: {  	v13 =	vld [tilespmem:s10+$0x30];
	(xrf1) =	vsort.ascd.msk.f32 $0xffff, v1, v1  }
0x15: {  	(xrf1) =	vsort.ascd.msk.f32 $0xffff, v23, v23  }
0x16: {  	v14 =	vld [tilespmem:s10+$0x20];
	v2, _, _ =	vpop (xrf1)  }
0x17: {  	v2 =	vperm.xlane v2, v0  }
0x18: {  	v3, _, _ =	vpop (xrf1)  }
0x19: {  	(xrf1) =	vsort.ascd.msk.f32 $0xffff, v13, v13;
	v2 =	vmax.f32 v3, v2  }
0x1a: {  	(xrf1) =	vsort.ascd.msk.f32 $0xffff, v2, v2  }
0x1b: {  	(xrf1) =	vsort.ascd.msk.f32 $0xffff, v14, v14;
	_ =	sdelay $0x3  }
0x1c: {  	v17 =	vld [tilespmem:s10+$0x0]  }
0x1d: {  	v15 =	vld [tilespmem:s10+$0x10];
	_ =	sdelay $0x1  }
0x1e: {  	v2, _, _ =	vpop (xrf1)  }
0x1f: {  	v3, _, _ =	vpop (xrf1)  }
0x20: {  	s9 =	simm.s32 $0x80;
	(xrf1) =	vsort.ascd.msk.f32 $0xffff, v17, v17;
	v3 =	vperm.xlane v3, v0  }
0x21: {  	v16 =	vld [tilespmem:s9+$0x30];
	(xrf1) =	vsort.ascd.msk.f32 $0xffff, v15, v15  }
0x22: {  	v2 =	vmax.f32 v2, v3  }
0x23: {  	v20 =	vld [tilespmem:s9+$0x20];
	v4, _, _ =	vpop (xrf1)  }
0x24: {  	v3 =	vperm.xlane v4, v0;
	v4, _, _ =	vpop (xrf1)  }
0x25: {  	(xrf1) =	vsort.ascd.msk.f32 $0xffff, v2, v2;
	v2, _, _ =	vpop (xrf1)  }
0x26: {  	(xrf1) =	vsort.ascd.msk.f32 $0xffff, v16, v16;
	v2 =	vmax.f32 v2, v3  }
0x27: {  	(xrf1) =	vsort.ascd.msk.f32 $0xffff, v2, v2  }
0x28: {  	(xrf1) =	vsort.ascd.msk.f32 $0xffff, v20, v20;
	_ =	sdelay $0x2  }
0x29: {  	v22 =	vld [tilespmem:s9+$0x0]  }
0x2a: {  	v21 =	vld [tilespmem:s9+$0x10];
	_ =	sdelay $0x1  }
0x2b: {  	v2, _, _ =	vpop (xrf1)  }
0x2c: {  	v3, _, _ =	vpop (xrf1)  }
0x2d: {  	(xrf1) =	vsort.ascd.msk.f32 $0xffff, v22, v22;
	v3 =	vperm.xlane v3, v0  }
0x2e: {  	s11 =	simm.s32 $0xC0;
	(xrf1) =	vsort.ascd.msk.f32 $0xffff, v21, v21  }
0x2f: {  	v5 =	vld [tilespmem:s11+$0x30]  }
0x30: {  	v4 =	vperm.xlane v4, v0;
	v6, _, _ =	vpop (xrf1)  }
0x31: {  	v10 =	vld [tilespmem:s11+$0x20];
	v2 =	vmax.f32 v2, v3;
	v3, _, _ =	vpop (xrf1)  }
0x32: {  	(xrf1) =	vsort.ascd.msk.f32 $0xffff, v2, v2;
	v4 =	vmax.f32 v6, v4;
	v2 =	vperm.xlane v3, v0;
	v6, _, _ =	vpop (xrf1)  }
0x33: {  	(xrf1) =	vsort.ascd.msk.f32 $0xffff, v4, v4;
	v3, _, _ =	vpop (xrf1)  }
0x34: {  	(xrf1) =	vsort.ascd.msk.f32 $0xffff, v5, v5;
	v2 =	vmax.f32 v3, v2  }
0x35: {  	(xrf1) =	vsort.ascd.msk.f32 $0xffff, v2, v2  }
0x36: {  	(xrf1) =	vsort.ascd.msk.f32 $0xffff, v10, v10  }
0x37: {  	v11 =	vld [tilespmem:s11+$0x0]  }
0x38: {  	v12 =	vld [tilespmem:s11+$0x10];
	_ =	sdelay $0x2  }
0x39: {  	v2, _, _ =	vpop (xrf1)  }
0x3a: {  	(xrf1) =	vsort.ascd.msk.f32 $0xffff, v11, v11;
	v3, _, _ =	vpop (xrf1)  }
0x3b: {  	(xrf1) =	vsort.ascd.msk.f32 $0xffff, v12, v12;
	v4 =	vperm.xlane v3, v0;
	_ =	sdelay $0x1  }
0x3c: {  	s12 =	simm.s32 $0x100;
	v2 =	vmax.f32 v2, v4  }
0x3d: {  	v7, _, _ =	vpop (xrf1);
	v3 =	vld [tilespmem:s12+$0x30]  }
0x3e: {  	v6 =	vperm.xlane v6, v0;
	v8, _, _ =	vpop (xrf1)  }
0x3f: {  	v4 =	vld [tilespmem:s12+$0x20];
	(xrf1) =	vsort.ascd.msk.f32 $0xffff, v2, v2;
	v2, _, _ =	vpop (xrf1);
	v24 =	vbroadcast v8, $0xF  }
0x40: {  	v6 =	vmax.f32 v7, v6;
	v2 =	vperm.xlane v2, v0;
	v9, _, _ =	vpop (xrf1)  }
0x41: {  	(xrf1) =	vsort.ascd.msk.f32 $0xffff, v6, v6;
	v26 =	vsub.f32 v8, v24;
	v25, _, _ =	vpop (xrf1)  }
0x42: {  	v7 =	vld [tilespmem:s12+$0x0];
	(xrf1) =	vsort.ascd.msk.f32 $0xffff, v3, v3;
	v2 =	vmax.f32 v25, v2  }
0x43: {  	v6 =	vld [tilespmem:s12+$0x10];
	(xrf1) =	vsort.ascd.msk.f32 $0xffff, v2, v2;
	v2 =	vmul.f32 $1.442695020e+00, v26  }
0x44: {  	(xrf1) =	vsort.ascd.msk.f32 $0xffff, v4, v4  }
0x45: {  	(erf) = vpow2.f32 v2;
	_ =	sdelay $0x1  }
0x46: {  	(xrf1) =	vsort.ascd.msk.f32 $0xffff, v7, v7;
	v2, _, _ =	vpop (xrf1)  }
0x47: {  	v25, _, _ =	vpop (xrf1);
	(xrf1) =	vsort.ascd.msk.f32 $0xffff, v6, v6  }
0x48: {  	v25 =	vperm.xlane v25, v0;
	_ =	sdelay $0x2  }
0x49: {  	v9 =	vperm.xlane v9, v0;
	v2 =	vmax.f32 v2, v25  }
0x4a: {  	s14 =	simm.s32 $0x140;
	(xrf1) =	vsort.ascd.msk.f32 $0xffff, v2, v2;
	v25, _, _ =	vpop (xrf1)  }
0x4b: {  	v31 =	vsub.f32 v1, v24;
	v26 =	vsub.f32 v19, v24;
	v2 =	vld [tilespmem:s14+$0x30];
	v27 =	vpop (erf)  }
0x4c: {  	v28 =	vbroadcast v8, $0x8;
	v30, _, _ =	vpop (xrf1);
	v27 =	vsel vm0, $0x0, v27  }
0x4d: {  	v29 =	vsub.f32 v18, v24;
	v8 =	vld [tilespmem:s14+$0x20];
	v26 =	vmul.f32 $1.442695020e+00, v26;
	v25 =	vmax.f32 v25, v9;
	v9, _, _ =	vpop (xrf1);
	(xrf2) =	vadd.scan.msk.f32 $0xffff, v27  }
0x4e: {  	v33 =	vbroadcast v30, $0xF;
	(xrf1) =	vsort.ascd.msk.f32 $0xffff, v25, v25;
	v27 =	vperm.xlane v9, v0;
	v9 =	vld [tilespmem:s14+$0x0];
	v32, _, _ =	vpop (xrf1)  }
0x4f: {  	vm1 =	vge.f32 v1, v28;
	v1 =	vld [tilespmem:s14+$0x10];
	v25 =	vmul.f32 $1.442695020e+00, v29;
	v29 =	vmul.f32 $1.442695020e+00, v31;
	v31, _, _ =	vpop (xrf1)  }
0x50: {  	(erf) = vpow2.f32 v26;
	(xrf1) =	vsort.ascd.msk.f32 $0xffff, v2, v2;
	v26 =	vmax.f32 v31, v27;
	v27 =	vsub.f32 v30, v33  }
0x51: {  	vm2 =	vge.f32 v23, v28;
	v23 =	vsub.f32 v23, v24;
	(erf) = vpow2.f32 v29;
	(xrf1) =	vsort.ascd.msk.f32 $0xffff, v26, v26  }
0x52: {  	vm3 =	vge.f32 v19, v28;
	(erf) = vpow2.f32 v25;
	v19, _, _ =	vpop (xrf1);
	v24 =	vmul.f32 $1.442695020e+00, v27;
	(xrf1) =	vsort.ascd.msk.f32 $0xffff, v8, v8  }
0x53: {  	vm4 =	vge.f32 v18, v28;
	vm1 =	vmmov vm1;
	vm5 =	vmmov vm2;
	v18, _, _ =	vpop (xrf1);
	(xrf1) =	vsort.ascd.msk.f32 $0xffff, v9, v9  }
0x54: {  	vm3 =	vmmov vm3;
	v18 =	vperm.xlane v18, v0;
	(xrf1) =	vsort.ascd.msk.f32 $0xffff, v1, v1;
	(erf) = vpow2.f32 v24  }
0x55: {  	vm4 =	vmmov vm4;
	v23 =	vmul.f32 $1.442695020e+00, v23;
	v25 =	vbroadcast v30, $0x8  }
0x56: {  	vm11 =	vmmov vm1;
	v26 =	vsub.f32 v14, v33;
	v18 =	vmax.f32 v19, v18  }
0x57: {  	vm10 =	vmmov vm5;
	vm2 =	vge.f32 v17, v25;
	v17 =	vsub.f32 v17, v33;
	(xrf1) =	vsort.ascd.msk.f32 $0xffff, v18, v18;
	v19, _, _ =	vpop (xrf2)  }
0x58: {  	vm7 =	vge.f32 v14, v25;
	v26 =	vmul.f32 $1.442695020e+00, v26;
	v14, _, _ =	vpop (xrf1);
	v28 =	vbroadcast v19, $0xF  }
0x59: {  	vm12 =	vmmov vm3;
	vm6 =	vge.f32 v15, v25;
	v15 =	vsub.f32 v15, v33;
	v18 =	vpop (erf)  }
0x5a: {  	v27 =	vperm.xlane v32, v0;
	v24 =	vsub.f32 v13, v33;
	(erf) = vpow2.f32 v26;
	v61 =	vpop (erf)  }
0x5b: {  	vm8 =	vge.f32 v13, v25;
	v25 =	vmul.f32 $1.442695020e+00, v17;
	(erf) = vrcp.f32 v28;
	v17 =	vpop (erf)  }
0x5c: {  	s15 =	simm.s32 $0x180;
	vm9 =	vmmov vm4;
	vm1 =	vmmov vm6;
	v24 =	vmul.f32 $1.442695020e+00, v24;
	v28, _, _ =	vpop (xrf1)  }
0x5d: {  	v13 =	vld [tilespmem:s15+$0x30];
	v26 =	vmax.f32 v14, v27;
	v19 =	vmul.f32 $1.442695020e+00, v15;
	(erf) = vpow2.f32 v23;
	v15 =	vpop (erf)  }
0x5e: {  	(erf) = vpow2.f32 v25;
	v29 =	vbroadcast v28, $0x8;
	v23, _, _ =	vpop (xrf1);
	v27 =	vsel vm0, $0x0, v15  }
0x5f: {  	vm3 =	vmmov vm7;
	v14 =	vld [tilespmem:s15+$0x20];
	(xrf1) =	vsort.ascd.msk.f32 $0xffff, v26, v26;
	v30 =	vbroadcast v28, $0xF;
	v23 =	vperm.xlane v23, v0;
	v31, _, _ =	vpop (xrf1)  }
0x60: {  	v15 =	vld [tilespmem:s15+$0x0];
	vm5 =	vge.f32 v22, v29;
	vm7 =	vge.f32 v21, v29;
	vm4 =	vge.f32 v20, v29;
	(xrf2) =	vadd.scan.msk.f32 $0xffff, v27;
	v62, _, _ =	vpop (xrf1)  }
0x61: {  	v28 =	vsub.f32 v28, v30;
	v63 =	vsub.f32 v16, v30;
	vm6 =	vge.f32 v16, v29;
	v16 =	vld [tilespmem:s15+$0x10];
	v27, _, _ =	vpop (xrf1)  }
0x62: {  	vm2 =	vmmov vm2;
	v25 =	vsub.f32 v22, v30;
	v26 =	vmax.f32 v62, v23;
	(xrf1) =	vsort.ascd.msk.f32 $0xffff, v13, v13;
	v34, _, _ =	vpop (xrf1)  }
0x63: {  	(erf) = vpow2.f32 v24;
	v29 =	vperm.xlane v31, v0;
	(xrf1) =	vsort.ascd.msk.f32 $0xffff, v26, v26;
	v26 =	vsub.f32 v20, v30;
	v20 =	vpop (erf)  }
0x64: {  	v23 =	vsub.f32 v21, v30;
	v28 =	vmul.f32 $1.442695020e+00, v28;
	(xrf1) =	vsort.ascd.msk.f32 $0xffff, v14, v14;
	v30 =	vperm.xlane v34, v0;
	v22 =	vpop (erf)  }
0x65: {  	s16 =	simm.s32 $0x700;
	vm8 =	vmmov vm8;
	v21 =	vmul.f32 $1.442695020e+00, v63;
	(xrf1) =	vsort.ascd.msk.f32 $0xffff, v15, v15;
	v24 =	vmul.f32 v22, v61;
	v31, _, _ =	vpop (xrf1)  }
.LBB2_2:
0x66: {  	(xrf1) =	vsort.ascd.msk.f32 $0xffff, v16, v16;
	v27 =	vmax.f32 v27, v30;
	(erf) = vpow2.f32 v28;
	v18 =	vmul.f32 v22, v18;
	v28 =	vpop (erf)  }
0x67: {  	p0 =	sne.s32 s16, $0x7F00;
	v32 =	vmovc v2;
	v2 =	vmovc v13;
	v30 =	vmov v10;
	v10 =	vmov v4;
	v4 =	vmov v8;
	s17 =	smov.u32 s16;
	s16 =	sadd.s32 $0x100, s16  }
0x68: {  	v17 =	vmul.f32 v22, v17;
	v29 =	vmax.f32 v31, v29;
	v33 =	vpop (erf);
	v13 =	vmul.f32 v22, v28  }
0x69: {  	v8 =	vmovc v14;
	v22 =	vmul.f32 $1.442695020e+00, v25;
	v24 =	vnsel vm11, $0x0, v24;
	v28 =	vmovc v12;
	v18 =	vnsel vm12, $0x0, v18  }
0x6a: {  	v14 =	vmul.f32 $1.442695020e+00, v23;
	(xrf1) =	vsort.ascd.msk.f32 $0xffff, v27, v27;
	v12, _, _ =	vpop (xrf2);
	v13 =	vnsel vm10, $0x0, v13;
	v27 =	vnsel vm9, $0x0, v17  }
0x6b: {  	v23 =	vmul.f32 $1.442695020e+00, v26;
	v25 =	vbroadcast v12, $0xF;
	[tilespmem:s13+$0x2030] =	vst v27;
	v12 =	vmovc v6;
	v6 =	vmovc v1;
	v1 =	vmov v16  }
0x6c: {  	v26 =	vmov v11;
	v11 =	vmov v7;
	v7 =	vmov v9;
	v17 =	vpop (erf);
	[tilespmem:s13+$0x2010] =	vst v13  }
0x6d: {  	v9 =	vmovc v15;
	vm11 =	vmmov vm2;
	vm2 =	vmmov vm5;
	(erf) = vpow2.f32 v23;
	[tilespmem:s13+$0x2020] =	vst v18;
	v18 =	vmovc v20  }
0x6e: {  	vm10 =	vmmov vm1;
	vm1 =	vmmov vm7;
	(erf) = vrcp.f32 v25;
	[tilespmem:s13+$0x2000] =	vst v24;
	s13 =	smov.u32 s10;
	s10 =	smov.u32 s9;
	s9 =	smov.u32 s11  }
0x6f: {  	s17 =	sshra.s32 s17, $0x2;
	vm12 =	vmmov vm3;
	vm3 =	vmmov vm4;
	vm9 =	vmmov vm8;
	s11 =	smov.u32 s12;
	s12 =	smov.u32 s14;
	v20, _, _ =	vpop (xrf1)  }
0x70: {  	s14 =	smov.u32 s15;
	s15 =	smov.u32 s17;
	v13 =	vld [tilespmem:s17+$0x30];
	v24 =	vbroadcast v20, $0x8;
	v15 =	vpop (erf);
	(erf) = vpow2.f32 v19;
	v19 =	vmov v14  }
0x71: {  	vm8 =	vmmov vm6;
	v14 =	vld [tilespmem:s15+$0x20];
	v23, _, _ =	vpop (xrf1);
	v15 =	vsel vm0, $0x0, v15;
	(erf) = vpow2.f32 v22  }
0x72: {  	v34 =	vbroadcast v20, $0xF;
	v16 =	vld [tilespmem:s15+$0x10];
	v22 =	vperm.xlane v23, v0;
	v31, _, _ =	vpop (xrf1);
	vm5 =	vge.f32 v26, v24;
	(xrf2) =	vadd.scan.msk.f32 $0xffff, v15  }
0x73: {  	vm7 =	vge.f32 v28, v24;
	vm4 =	vge.f32 v30, v24;
	v15 =	vld [tilespmem:s15+$0x0];
	v23, _, _ =	vpop (xrf1);
	(xrf1) =	vsort.ascd.msk.f32 $0xffff, v29, v29  }
.Ltmp0:
0x74: {  	v36 =	vsub.f32 v20, v34;
	v29 =	vsub.f32 v5, v34;
	v22 =	vmax.f32 v23, v22;
	v27, _, _ =	vpop (xrf1);
	(pc) =	sbr.rel @p0 .LBB2_2-.Ltmp0, $4  }
0x75: {  	v25 =	vsub.f32 v26, v34;
	v23 =	vsub.f32 v28, v34;
	(xrf1) =	vsort.ascd.msk.f32 $0xffff, v13, v13;
	v35, _, _ =	vpop (xrf1);
	(erf) = vpow2.f32 v21  }
0x76: {  	v26 =	vsub.f32 v30, v34;
	v28 =	vmul.f32 $1.442695020e+00, v36;
	v21 =	vmul.f32 $1.442695020e+00, v29;
	(xrf1) =	vsort.ascd.msk.f32 $0xffff, v22, v22;
	v20 =	vpop (erf)  }
0x77: {  	vm6 =	vge.f32 v5, v24;
	v5 =	vmov v3;
	v30 =	vperm.xlane v35, v0;
	(xrf1) =	vsort.ascd.msk.f32 $0xffff, v14, v14;
	v22 =	vpop (erf)  }
0x78: {  	v3 =	vmov v32;
	v29 =	vperm.xlane v31, v0;
	(xrf1) =	vsort.ascd.msk.f32 $0xffff, v15, v15;
	v31, _, _ =	vpop (xrf1);
	v24 =	vmul.f32 v22, v33  }
0x79: {  	(erf) = vpow2.f32 v28;
	(xrf1) =	vsort.ascd.msk.f32 $0xffff, v16, v16;
	_ =	sdelay $0x3  }
0x7a: {  	v27 =	vmax.f32 v27, v30;
	v28 =	vpop (erf)  }
0x7b: {  	(xrf1) =	vsort.ascd.msk.f32 $0xffff, v27, v27;
	v62 =	vmax.f32 v31, v29;
	v63 =	vpop (erf)  }
0x7c: {  	(xrf1) =	vsort.ascd.msk.f32 $0xffff, v62, v62;
	v32, _, _ =	vpop (xrf2)  }
0x7d: {  	v30 =	vpop (erf)  }
0x7e: {  	v42, _, _ =	vpop (xrf1)  }
0x7f: {  	v41 =	vpop (erf)  }
0x80: {  	v26 =	vmul.f32 $1.442695020e+00, v26;
	v27 =	vsel vm0, $0x0, v41;
	v43, _, _ =	vpop (xrf1)  }
0x81: {  	v32 =	vbroadcast v32, $0xF;
	(xrf2) =	vadd.scan.msk.f32 $0xffff, v27;
	v33, _, _ =	vpop (xrf1)  }
0x82: {  	(erf) = vpow2.f32 v26;
	v44 =	vbroadcast v42, $0xF;
	v34, _, _ =	vpop (xrf1)  }
0x83: {  	(erf) = vrcp.f32 v32;
	v27 =	vperm.xlane v43, v0;
	v35, _, _ =	vpop (xrf1)  }
0x84: {  	v25 =	vmul.f32 $1.442695020e+00, v25;
	(erf) = vpow2.f32 v19;
	v45, _, _ =	vpop (xrf1)  }
0x85: {  	v46 =	vsub.f32 v42, v44;
	v27 =	vmax.f32 v34, v27;
	v47 =	vperm.xlane v45, v0  }
0x86: {  	(erf) = vpow2.f32 v25;
	(xrf1) =	vsort.ascd.msk.f32 $0xffff, v27, v27  }
0x87: {  	v48 =	vsub.f32 v10, v44;
	v19 =	vmul.f32 $1.442695020e+00, v46;
	v27 =	vmax.f32 v35, v47  }
0x88: {  	(erf) = vpow2.f32 v21;
	(xrf1) =	vsort.ascd.msk.f32 $0xffff, v27, v27  }
0x89: {  	v25 =	vmul.f32 $1.442695020e+00, v48;
	v49, _, _ =	vpop (xrf1);
	(erf) = vpow2.f32 v19  }
0x8a: {  	v32, _, _ =	vpop (xrf1)  }
0x8b: {  	v52 =	vsub.f32 v11, v44;
	v33 =	vperm.xlane v33, v0;
	(erf) = vpow2.f32 v25;
	v50, _, _ =	vpop (xrf2)  }
0x8c: {  	v53 =	vbroadcast v32, $0xF;
	v19 =	vbroadcast v50, $0xF  }
0x8d: {  	v23 =	vmul.f32 $1.442695020e+00, v23;
	v51 =	vsub.f32 v5, v44;
	v34 =	vmul.f32 $1.442695020e+00, v52;
	v27 =	vpop (erf)  }
0x8e: {  	v58 =	vmax.f32 v49, v33;
	v55 =	vsub.f32 v32, v53;
	v36 =	vpop (erf);
	(erf) = vrcp.f32 v19  }
0x8f: {  	v54 =	vmul.f32 $1.442695020e+00, v51;
	(xrf1) =	vsort.ascd.msk.f32 $0xffff, v58, v58;
	v56 =	vpop (erf);
	(erf) = vpow2.f32 v23  }
0x90: {  	v57 =	vmul.f32 $1.442695020e+00, v55;
	v35 =	vpop (erf);
	(erf) = vpow2.f32 v34  }
0x91: {  	v33 =	vpop (erf);
	(erf) = vpow2.f32 v54  }
0x92: {  	v59 =	vpop (erf);
	(erf) = vpow2.f32 v57  }
0x93: {  	v21 =	vsel vm0, $0x0, v59  }
0x94: {  	(xrf2) =	vadd.scan.msk.f32 $0xffff, v21;
	v60, _, _ =	vpop (xrf1)  }
0x95: {  	v19 =	vpop (erf);
	v34 =	vperm.xlane v60, v0  }
0x96: {  	v61, _, _ =	vpop (xrf1)  }
0x97: {  	v37 =	vpop (erf);
	v34 =	vmax.f32 v61, v34  }
0x98: {  	v38 =	vpop (erf);
	(xrf1) =	vsort.ascd.msk.f32 $0xffff, v34, v34  }
0x99: {  	v39 =	vpop (erf)  }
0x9a: {  	v18 =	vmul.f32 v22, v18;
	v17 =	vmul.f32 v22, v17;
	vm2 =	vmmov vm2;
	v21 =	vpop (erf)  }
0x9b: {  	v28 =	vmul.f32 v22, v28;
	v31 =	vbroadcast v42, $0x8;
	v44 =	vsub.f32 v12, v44;
	v62 =	vpop (erf)  }
0x9c: {  	v22 =	vnsel vm11, $0x0, v24;
	v40 =	vsub.f32 v4, v53;
	v34 =	vsel vm0, $0x0, v62  }
0x9d: {  	v24 =	vnsel vm10, $0x0, v28;
	vm11 =	vge.f32 v12, v31;
	v12 =	vmul.f32 $1.442695020e+00, v44;
	v46, _, _ =	vpop (xrf1);
	(xrf2) =	vadd.scan.msk.f32 $0xffff, v34  }
0x9e: {  	v47 =	vsub.f32 v7, v53;
	v28 =	vmul.f32 $1.442695020e+00, v40;
	v43, _, _ =	vpop (xrf2);
	v34 =	vbroadcast v46, $0xF  }
0x9f: {  	v48 =	vsub.f32 v3, v53;
	v45 =	vmul.f32 v36, v30;
	v23 =	vbroadcast v43, $0xF  }
0xa0: {  	v30 =	vmul.f32 $1.442695020e+00, v47;
	(erf) = vpow2.f32 v28;
	v50 =	vsub.f32 v8, v34  }
0xa1: {  	v28 =	vmul.f32 $1.442695020e+00, v48;
	(erf) = vrcp.f32 v23;
	v49 =	vsub.f32 v46, v34  }
0xa2: {  	vm13 =	vmmov vm3;
	(erf) = vpow2.f32 v12;
	v12 =	vmul.f32 $1.442695020e+00, v50  }
0xa3: {  	vm4 =	vmmov vm4;
	(erf) = vpow2.f32 v30;
	v23 =	vmul.f32 $1.442695020e+00, v49  }
0xa4: {  	vm1 =	vmmov vm1;
	vm15 =	vmmov vm4;
	(erf) = vpow2.f32 v28  }
0xa5: {  	v18 =	vnsel vm12, $0x0, v18;
	v25 =	vsub.f32 v6, v53;
	(erf) = vpow2.f32 v23  }
0xa6: {  	v17 =	vnsel vm9, $0x0, v17;
	vm12 =	vge.f32 v11, v31;
	(erf) = vpow2.f32 v12;
	v12, _, _ =	vpop (xrf1)  }
0xa7: {  	vm9 =	vge.f32 v5, v31;
	v53 =	vmul.f32 $1.442695020e+00, v25;
	v63 =	vmul.f32 v36, v63;
	v51, _, _ =	vpop (xrf2)  }
0xa8: {  	v54 =	vsub.f32 v9, v34;
	v5 =	vbroadcast v12, $0xF;
	v52 =	vbroadcast v51, $0xF  }
0xa9: {  	v42 =	vmul.f32 v36, v56;
	v56 =	vbroadcast v32, $0x8;
	v55 =	vsub.f32 v2, v34  }
0xaa: {  	v25 =	vmul.f32 $1.442695020e+00, v54;
	v57 =	vsub.f32 v12, v5;
	(erf) = vrcp.f32 v52  }
0xab: {  	vm10 =	vge.f32 v10, v31;
	v28 =	vmul.f32 $1.442695020e+00, v55;
	(erf) = vpow2.f32 v53  }
0xac: {  	vm3 =	vge.f32 v7, v56;
	v7 =	vpop (erf);
	v23 =	vmul.f32 $1.442695020e+00, v57;
	(erf) = vpow2.f32 v25  }
0xad: {  	vm10 =	vmmov vm10;
	v41 =	vmul.f32 v36, v20;
	v58 =	vpop (erf);
	(erf) = vpow2.f32 v28  }
0xae: {  	vm10 =	vmmov vm10;
	v11 =	vnsel vm2, $0x0, v63;
	v59 =	vpop (erf);
	(erf) = vpow2.f32 v23  }
0xaf: {  	v10 =	vnsel vm13, $0x0, v41;
	vm2 =	vmmov vm8;
	v20 =	vnsel vm1, $0x0, v42;
	v60 =	vpop (erf)  }
0xb0: {  	vm8 =	vge.f32 v6, v56;
	vm13 =	vge.f32 v3, v56;
	vm1 =	vmmov vm5;
	v3 =	vpop (erf)  }
0xb1: {  	vm14 =	vge.f32 v4, v56;
	vm5 =	vmmov vm6;
	vm1 =	vmmov vm1;
	v36 =	vpop (erf)  }
0xb2: {  	vm5 =	vmmov vm5;
	vm3 =	vmmov vm3;
	v41 =	vpop (erf);
	v43 =	vsel vm0, $0x0, v36  }
0xb3: {  	vm14 =	vmmov vm14;
	v61 =	vnsel vm2, $0x0, v45;
	v63 =	vbroadcast v46, $0x8;
	(xrf2) =	vadd.scan.msk.f32 $0xffff, v43;
	v42 =	vpop (erf)  }
0xb4: {  	vm2 =	vmmov vm7;
	v27 =	vmul.f32 v37, v27;
	v38 =	vmul.f32 v37, v38;
	v44 =	vpop (erf)  }
0xb5: {  	v40 =	vmul.f32 v37, v33;
	vm2 =	vmmov vm2;
	vm4 =	vge.f32 v9, v63;
	v45 =	vpop (erf)  }
0xb6: {  	v27 =	vnsel vm15, $0x0, v27;
	v30 =	vnsel vm2, $0x0, v38;
	vm2 =	vge.f32 v2, v63;
	v2 =	vpop (erf)  }
0xb7: {  	vm15 =	vmmov vm12;
	vm12 =	vmmov vm11;
	v31 =	vnsel vm5, $0x0, v40;
	v46 =	vpop (erf)  }
0xb8: {  	vm5 =	vge.f32 v1, v63;
	vm11 =	vmmov vm9;
	v28 =	vsel vm0, $0x0, v46  }
0xb9: {  	vm9 =	vmmov vm8;
	vm8 =	vmmov vm14;
	v1 =	vsub.f32 v1, v34;
	(xrf2) =	vadd.scan.msk.f32 $0xffff, v28  }
0xba: {  	[tilespmem:s13+$0x2000] =	vst v22;
	vm6 =	vmmov vm15;
	vm12 =	vmmov vm12;
	vm11 =	vmmov vm11  }
0xbb: {  	[tilespmem:s13+$0x2030] =	vst v17;
	v62 =	vmul.f32 v37, v35;
	v1 =	vmul.f32 $1.442695020e+00, v1;
	v49 =	vsub.f32 v14, v5  }
0xbc: {  	[tilespmem:s13+$0x2020] =	vst v18;
	vm15 =	vmmov vm13;
	v55 =	vbroadcast v12, $0x8;
	v47 =	vmul.f32 v58, v39  }
0xbd: {  	[tilespmem:s13+$0x2010] =	vst v24;
	v26 =	vnsel vm1, $0x0, v62;
	v19 =	vmul.f32 v58, v19;
	v52 =	vmul.f32 $1.442695020e+00, v49;
	v50, _, _ =	vpop (xrf2)  }
0xbe: {  	[tilespmem:s10+$0x2020] =	vst v10;
	vm1 =	vge.f32 v8, v63;
	v48 =	vmul.f32 v58, v21;
	v54 =	vbroadcast v50, $0xF  }
0xbf: {  	[tilespmem:s10+$0x2000] =	vst v11;
	v6 =	vmul.f32 v58, v59;
	v56 =	vsub.f32 v13, v5;
	(erf) = vpow2.f32 v52  }
0xc0: {  	[tilespmem:s10+$0x2010] =	vst v20;
	v17 =	vnsel vm6, $0x0, v47;
	v53 =	vsub.f32 v15, v5;
	(erf) = vrcp.f32 v54  }
0xc1: {  	[tilespmem:s10+$0x2030] =	vst v61;
	v19 =	vnsel vm10, $0x0, v19;
	v5 =	vsub.f32 v16, v5;
	(erf) = vpow2.f32 v1  }
0xc2: {  	[tilespmem:s9+$0x2030] =	vst v31;
	v51 =	vnsel vm11, $0x0, v48;
	vm6 =	vmmov vm3;
	v57 =	vmul.f32 $1.442695020e+00, v53  }
0xc3: {  	[tilespmem:s9+$0x2020] =	vst v27;
	vm3 =	vmmov vm4;
	v12 =	vmul.f32 $1.442695020e+00, v56;
	v5 =	vmul.f32 $1.442695020e+00, v5;
	v1, _, _ =	vpop (xrf2)  }
0xc4: {  	[tilespmem:s9+$0x2000] =	vst v26;
	vm4 =	vmmov vm9;
	(erf) = vpow2.f32 v57;
	v1 =	vbroadcast v1, $0xF  }
0xc5: {  	[tilespmem:s9+$0x2010] =	vst v30;
	vm9 =	vmmov vm5;
	v3 =	vmul.f32 v42, v3;
	(erf) = vpow2.f32 v12  }
0xc6: {  	vm5 =	vmmov vm1;
	vm1 =	vmmov vm15;
	[tilespmem:s11+$0x2030] =	vst v51;
	(erf) = vrcp.f32 v1  }
0xc7: {  	vm2 =	vmmov vm2;
	[tilespmem:s11+$0x2020] =	vst v19;
	v3 =	vnsel vm1, $0x0, v3;
	(erf) = vpow2.f32 v5  }
0xc8: {  	vm2 =	vmmov vm2;
	v6 =	vnsel vm12, $0x0, v6;
	[tilespmem:s11+$0x2000] =	vst v17;
	v1 =	vmul.f32 v42, v60;
	v60 =	vpop (erf)  }
0xc9: {  	vm7 =	vge.f32 v15, v55;
	vm10 =	vge.f32 v16, v55;
	[tilespmem:s11+$0x2010] =	vst v6;
	v58 =	vmul.f32 v42, v7;
	v61 =	vpop (erf)  }
0xca: {  	vm11 =	vge.f32 v14, v55;
	v59 =	vmul.f32 v42, v44;
	[tilespmem:s12+$0x2030] =	vst v3;
	v3 =	vpop (erf);
	v2 =	vmul.f32 v61, v2  }
0xcb: {  	vm12 =	vge.f32 v13, v55;
	v4 =	vnsel vm8, $0x0, v58;
	v3 =	vmul.f32 v61, v3  }
0xcc: {  	vm9 =	vmmov vm9;
	[tilespmem:s12+$0x2020] =	vst v4;
	v5 =	vnsel vm4, $0x0, v59;
	v2 =	vnsel vm2, $0x0, v2  }
0xcd: {  	vm3 =	vmmov vm3;
	v1 =	vnsel vm6, $0x0, v1;
	[tilespmem:s12+$0x2010] =	vst v5;
	v62 =	vpop (erf);
	v3 =	vnsel vm9, $0x0, v3  }
0xce: {  	vm13 =	vmmov vm10;
	vm5 =	vmmov vm5;
	[tilespmem:s12+$0x2000] =	vst v1;
	v1 =	vmul.f32 v61, v41;
	v63 =	vpop (erf)  }
0xcf: {  	vm14 =	vmmov vm12;
	vm15 =	vmmov vm13;
	v7 =	vmul.f32 v61, v45;
	[tilespmem:s14+$0x2030] =	vst v2;
	v2 =	vpop (erf)  }
0xd0: {  	vm1 =	vmmov vm7;
	v1 =	vnsel vm5, $0x0, v1;
	[tilespmem:s14+$0x2010] =	vst v3;
	v3 =	vpop (erf);
	v5 =	vmul.f32 v2, v63  }
0xd1: {  	v7 =	vnsel vm3, $0x0, v7;
	vm3 =	vmmov vm14;
	[tilespmem:s14+$0x2020] =	vst v1;
	v1 =	vmul.f32 v2, v3  }
0xd2: {  	vm2 =	vmmov vm11;
	[tilespmem:s14+$0x2000] =	vst v7;
	v3 =	vmul.f32 v2, v60;
	v5 =	vnsel vm3, $0x0, v5  }
0xd3: {  	vm2 =	vmmov vm2;
	v2 =	vmul.f32 v2, v62;
	v1 =	vnsel vm15, $0x0, v1;
	[tilespmem:s15+$0x2030] =	vst v5  }
0xd4: {  	s8 =	sadd.s32 $0x1, s8;
	vm1 =	vmmov vm1;
	v3 =	vnsel vm2, $0x0, v3;
	[tilespmem:s15+$0x2010] =	vst v1  }
0xd5: {  	p0 =	sne.s32 s8, s5;
	v1 =	vnsel vm1, $0x0, v2;
	[tilespmem:s15+$0x2020] =	vst v3  }
.Ltmp1:
0xd6: {  	[tilespmem:s15+$0x2000] =	vst v1;
	(pc) =	sbr.rel @p0 .LBB2_1-.Ltmp1, $4  }
0xd7: {  	[hbm4b:s4+s2] =	stream.linear.scatter [tilespmem:s7], [sflag:$0x1], $0x2000, $0x38;
	[tilespmem:$0x4000] =	vst v63  }
0xd8: {  	_ =	swait.ge [sflag:s6], $0x2000  }
0xd9: {  	[sflag:s6] =	ssyncset.done $0x0  }
0xda: {  	[sflag:s6] =	ssyncadd.s32 $0xFFFFE000  }
0xdb: {  	_ =	sfence.sel $0x180000  }
0xdc: {  	[bflag:$0x0] =	sbarrier.arrive $0xFFFF  }
0xdd: {  	p0 =	sne.s32 s1, $0x0;
	_ =	strace $0x90000050  }
0xde: {  	s0 =	sadd.s32 @!p0 $0x100000, s0;
	[bflag:$0x2] =	sbarrier.arrive $0xFFFF  }
0xdf: {  	[sflag:s0] =	ssyncadd.tile.s32 @!p0 $0x1;
	_ =	shalt  }
.Lfunc_end2:
_tile_overlayer_lowered:
.L_overlay_start_2:
0xe0: {  	(tag) =	ssettag $0x2  }
0xe1: {  	s0 =	rddreg [dreg:$0x0];
	s2 =	stileid.u32  }
0xe2: {  	s1 =	rddreg [dreg:$0x1];
	p0 =	sne.s32 s2, $0x0  }
0xe3: {  	s3 =	rddreg [dreg:$0x2];
	[bflag:$0x3] =	sbarrier.arrive $0xFFFF;
	s2 =	simm.s32 @!p0 $0x1C01  }
0xe4: {  	[timem:s3], [sflag:s2] =	dma.local @!p0 [hbm:s0], s1  }
0xe5: {  	s0 =	simm.s32 @!p0 $0x1  }
0xe6: {  	_ =	swait.ge @!p0 [sflag:s0], s1  }
0xe7: {  	s1 =	ssub.s32 @!p0 $0x0, s1;
	[sflag:s0] =	ssyncset.done @!p0 $0x0  }
0xe8: {  	[sflag:s0] =	ssyncadd.s32 @!p0 s1  }
0xe9: {  	[bflag:$0x3] =	sbarrier.arrive $0xFFFF  }
0xea: {  	_ =	shalt  }

// kernel: kernel.13.cloned.1.call-start
scs
__scs_entry_jumppad:
0x0: {  	(pc) =	sbr.rel $0x88, $3  }
0x1: {  	(tag) =	ssettag $0x0;
	lr =	simm.s32 $0x1  }
0x2: {  	[smem:$0x3F9E] =	sst lr;
	_ =	strace $0xD0000000  }
0x3: {  	_ = 	snop  }
0x4: {  	_ = 	snop  }
0x5: {  	_ = 	snop  }
0x6: {  	_ = 	snop  }
0x7: {  	_ = 	snop  }
__scs_overlays_trampoline_lowered:
0x8: {  	[smem:$0x3FAD] =	sst s0  }
0x9: {  	[smem:$0x3FAE] =	sst s1  }
0xa: {  	[smem:$0x3FAF] =	sst s2  }
0xb: {  	[smem:$0x3FB0] =	sst s3  }
0xc: {  	[smem:$0x3FB1] =	sst s4  }
0xd: {  	[smem:$0x3FB2] =	sst s5  }
0xe: {  	[smem:$0x3FB3] =	sst s6  }
0xf: {  	[smem:$0x3FB4] =	sst s7  }
0x10: {  	[smem:$0x3FB5] =	sst s8  }
0x11: {  	[smem:$0x3FB6] =	sst s9;
	s0 =	simm.s32 @!p0 $0x0  }
0x12: {  	s1 =	sld [smem:$0x3F9C];
	s0 =	simm.s32 @p0 $0x1  }
0x13: {  	[smem:$0x3FB7] =	sst s0;
	s0 =	simm.s32 @!p1 $0x0  }
0x14: {  	s2 =	sld [smem:$0x3F9B];
	s0 =	simm.s32 @p1 $0x1  }
0x15: {  	[smem:$0x3FB8] =	sst s0;
	s0 =	simm.s32 @!p2 $0x0  }
0x16: {  	s3 =	sld [smem:$0x3FDB];
	s0 =	simm.s32 @p2 $0x1  }
0x17: {  	s4 =	simm.s32 $0x1BF5;
	[smem:$0x3FBA] =	sst s0  }
0x18: {  	s0 =	sld [smem:$0x3F9D];
	_ =	swait.ge [sflag:s4], $0x0  }
0x19: {  	s7 =	sld [smem:$0x3F9E]  }
0x1a: {  	s8 =	sadd.s32 $0xFFFFE003, lr  }
0x1b: {  	s9 =	sadd.s32 $0xFFFFFEF7, lr;
	s5 =	simm.s32 $0xFFFFFFFF;
	p2 =	slt.u32 s8, $0xFFFFF086  }
0x1c: {  	p1 =	slt.u32 s9, $0xF7A;
	s5 =	simm.s32 @!p2 $0x0  }
0x1d: {  	s5 =	simm.s32 @p1 $0x1;
	p0 =	seq.s32 s7, s2  }
0x1e: {  	s7 =	smul.u32 @!p0 $0xF7A, s2;
	p2 =	seq.s32 @!p0 s5, $0x0  }
0x1f: {  	s9 =	smul.u32 $0xF7A, s1;
	s8 =	simm.s32 @!p0 $0x1BF5;
	p2 =	por !p2, p0  }
0x20: {  	[sflag:s8] =	ssyncset.s32 @!p0 $0xFFFFF086;
	s6 =	sadd.s32 @!p0 s3, s7;
	s7 =	simm.s32 @!p0 $0x108  }
0x21: {  	s3 =	sadd.s32 s3, s9;
	s6 =	sadd.s32 @!p0 $0x88, s6;
	s7 =	simm.s32 @p2 $0x1082  }
0x22: {  	[simem:s7], [sflag:s8] =	dma.local @!p0 [hbm:s6], $0xF7A  }
0x23: {  	s9 =	sor.u32 $0xD0000000, s2;
	s6 =	simm.s32 $0x108;
	_ =	swait.ge @!p0 [sflag:s8], $0x0  }
0x24: {  	s3 =	sadd.s32 $0x88, s3;
	s6 =	simm.s32 @!p1 $0x1082;
	[sflag:s4] =	ssyncset.s32 $0xFFFFF086  }
0x25: {  	[simem:s6], [sflag:s4] =	dma.local [hbm:s3], $0xF7A  }
0x26: {  	[smem:$0x3F9E] =	sst s1;
	(tag) =	ssettag s2;
	_ =	strace s9  }
0x27: {  	s1 =	sld [smem:$0x3FAE]  }
0x28: {  	s2 =	sld [smem:$0x3FAF]  }
0x29: {  	s4 =	sld [smem:$0x3FB1]  }
0x2a: {  	p0 =	seq.s32 s5, $0x0;
	s5 =	sld [smem:$0x3FB2]  }
0x2b: {  	s6 =	sld [smem:$0x3FB3]  }
0x2c: {  	s7 =	sld [smem:$0x3FB4]  }
0x2d: {  	s3 =	simm.s32 $0x108;
	s8 =	sld [smem:$0x3FB5]  }
0x2e: {  	s3 =	simm.s32 @!p0 $0x1082;
	s9 =	sld [smem:$0x3FB6]  }
0x2f: {  	lr =	sadd.s32 s0, s3;
	s0 =	sld [smem:$0x3FAD]  }
0x30: {  	s3 =	sld [smem:$0x3FB0]  }
0x31: {  	[smem:$0x3FB9] =	sst s10  }
0x32: {  	s10 =	sld [smem:$0x3FB7];
	_ =	sdelay $0x3  }
0x33: {  	p0 =	seq.s32 s10, $0x1;
	s10 =	sld [smem:$0x3FB9];
	_ =	sdelay $0x3  }
0x34: {  	[smem:$0x3FB9] =	sst s10  }
0x35: {  	s10 =	sld [smem:$0x3FB8];
	_ =	sdelay $0x3  }
0x36: {  	p1 =	seq.s32 s10, $0x1;
	s10 =	sld [smem:$0x3FB9];
	_ =	sdelay $0x3  }
0x37: {  	[smem:$0x3FB9] =	sst s10  }
0x38: {  	s10 =	sld [smem:$0x3FBA]  }
0x39: {  	_ = 	snop;
	(pc) =	sbr.ind lr, $3  }
0x3a: {  	_ = 	snop  }
0x3b: {  	_ = 	snop  }
0x3c: {  	p2 =	seq.s32 s10, $0x1;
	s10 =	sld [smem:$0x3FB9]  }
0x3d: {  	_ =	shalt  }
0x3e: {  	_ =	shalt  }
0x3f: {  	_ =	shalt  }
0x40: {  	_ =	shalt  }
0x41: {  	_ =	shalt  }
0x42: {  	_ =	shalt  }
0x43: {  	_ =	shalt  }
0x44: {  	_ =	shalt  }
0x45: {  	_ =	shalt  }
0x46: {  	_ =	shalt  }
0x47: {  	_ =	shalt  }
0x48: {  	_ =	shalt  }
0x49: {  	_ =	shalt  }
0x4a: {  	_ =	shalt  }
0x4b: {  	_ =	shalt  }
0x4c: {  	_ =	shalt  }
0x4d: {  	_ =	shalt  }
0x4e: {  	_ =	shalt  }
0x4f: {  	_ =	shalt  }
0x50: {  	_ =	shalt  }
0x51: {  	_ =	shalt  }
0x52: {  	_ =	shalt  }
0x53: {  	_ =	shalt  }
0x54: {  	_ =	shalt  }
0x55: {  	_ =	shalt  }
0x56: {  	_ =	shalt  }
0x57: {  	_ =	shalt  }
0x58: {  	_ =	shalt  }
0x59: {  	_ =	shalt  }
0x5a: {  	_ =	shalt  }
0x5b: {  	_ =	shalt  }
0x5c: {  	_ =	shalt  }
0x5d: {  	_ =	shalt  }
0x5e: {  	_ =	shalt  }
0x5f: {  	_ =	shalt  }
0x60: {  	_ =	shalt  }
0x61: {  	_ =	shalt  }
0x62: {  	_ =	shalt  }
0x63: {  	_ =	shalt  }
0x64: {  	_ =	shalt  }
0x65: {  	_ =	shalt  }
0x66: {  	_ =	shalt  }
0x67: {  	_ =	shalt  }
0x68: {  	_ =	shalt  }
0x69: {  	_ =	shalt  }
0x6a: {  	_ =	shalt  }
0x6b: {  	_ =	shalt  }
0x6c: {  	_ =	shalt  }
0x6d: {  	_ =	shalt  }
0x6e: {  	_ =	shalt  }
0x6f: {  	_ =	shalt  }
0x70: {  	_ =	shalt  }
0x71: {  	_ =	shalt  }
0x72: {  	_ =	shalt  }
0x73: {  	_ =	shalt  }
0x74: {  	_ =	shalt  }
0x75: {  	_ =	shalt  }
0x76: {  	_ =	shalt  }
0x77: {  	_ =	shalt  }
0x78: {  	_ =	shalt  }
0x79: {  	_ =	shalt  }
0x7a: {  	_ =	shalt  }
0x7b: {  	_ =	shalt  }
0x7c: {  	_ =	shalt  }
0x7d: {  	_ =	shalt  }
0x7e: {  	_ =	shalt  }
0x7f: {  	_ =	shalt  }
0x80: {  	_ =	shalt  }
0x81: {  	_ =	shalt  }
0x82: {  	_ =	shalt  }
0x83: {  	_ =	shalt  }
0x84: {  	_ =	shalt  }
0x85: {  	_ =	shalt  }
0x86: {  	_ =	shalt  }
0x87: {  	_ =	shalt  }
.Lfunc_end0:
.L_simem_size_0:
called_computation.1_lowered:
.L_overlay_start_0:
0x88: {  	s2 =	sld [smem:$0x3FD9]  }
0x89: {  	s3 =	sld [smem:$0x3FFE];
	_ =	sdelay $0x1  }
0x8a: {  	s1 =	srdreg.scid  }
0x8b: {  	s0 =	sand.u32 $0x1, s1  }
0x8c: {  	s17 =	sshll.u32 s0, $0xA;
	s2 =	sadd.s32 s3, s2  }
0x8d: {  	s2 =	sadd.s32 s2, s17  }
0x8e: {  	[smem:$0x3FC5] =	sst s2  }
0x8f: {  	_ = 	snop  }
0x90: {  	(tm) =	ssettm $0x1  }
0x91: {  	s18 =	sld [smem:$0x3FFB];
	_ =	sdelay $0x3  }
0x92: {  	_ =	strace s18  }
0x93: {  	s2 =	sld [smem:$0x3FFC];
	_ =	sdelay $0x3  }
0x94: {  	_ =	strace s2  }
0x95: {  	s2 =	sld [smem:$0x3FFD];
	_ =	sdelay $0x3  }
0x96: {  	_ =	strace s2  }
0x97: {  	_ =	strace $0x8FFFFFFF  }
0x98: {  	s19 =	sld [smem:$0x3FDB];
	_ =	sdelay $0x1  }
0x99: {  	s20 =	simm.s32 $_scs_section_size  }
0x9a: {  	s4 =	simm.s32 $_size__tile_overlayer_lowered;
	s5 =	simm.s32 $_tile_overlayer_lowered  }
0x9b: {  	s6 =	simm.s32 $0x1BFF;
	s21 =	sshll.u32 s5, $0x1;
	s3 =	sadd.s32 s20, s19  }
0x9c: {  	s22 =	simm.s32 $0x0;
	s4 =	sshll.u32 s4, $0x1;
	s5 =	sadd.s32 s21, s3  }
0x9d: {  	[timem:s22], [sflag:s6] =	dma.local [hbm:s5], s4  }
0x9e: {  	_ =	swait.ge [sflag:s6], s4  }
0x9f: {  	s4 =	ssub.s32 $0x0, s4;
	[sflag:s6] =	ssyncset.done $0x0  }
0xa0: {  	[sflag:s6] =	ssyncadd.s32 s4;
	_ =	sdelay $0x1  }
0xa1: {  	s23 =	simm.s32 $0x1B8B  }
0xa2: {  	_ =	swait.ge [sflag:s23], $0x1  }
0xa3: {  	[sflag:s23] =	ssyncset.done $0x0  }
0xa4: {  	[sflag:s23] =	ssyncadd.s32 $0xFFFFFFFF  }
0xa5: {  	s4 =	sld [smem:$0x0]  }
0xa6: {  	s5 =	sand.u32 $0xFFFFFFFE, s1  }
0xa7: {  	p0 =	sne.s32 s1, s5  }
0xa8: {  	s5 =	sshll.u32 @p0 s5, $0xE  }
0xa9: {  	s5 =	sadd.s32 @p0 $0x11B8D, s5;
	s6 =	sshll.u32 @p0 s4, $0x11  }
0xaa: {  	s5 =	sor.u32 @p0 s6, s5  }
0xab: {  	[sflag:s5] =	ssyncadd.remote.s32 @p0 $0x1;
	_ =	sdelay $0x1  }
0xac: {  	s5 =	simm.s32 @p0 $0x1B8D  }
0xad: {  	_ =	swait.eq @p0 [sflag:s5], $0x1  }
0xae: {  	[sflag:s5] =	ssyncadd.s32 @p0 $0xFFFFFFFF  }
0xaf: {  	s6 =	sshll.u32 @!p0 s1, $0xE  }
0xb0: {  	s6 =	sor.u32 @!p0 $0x4000, s6;
	s5 =	simm.s32 @!p0 $0x1B8D  }
0xb1: {  	s4 =	sshll.u32 @!p0 s4, $0x11;
	s6 =	sadd.s32 @!p0 $0x11B8D, s6;
	_ =	swait.eq @!p0 [sflag:s5], $0x1  }
0xb2: {  	s4 =	sor.u32 @!p0 s4, s6;
	[sflag:s5] =	ssyncadd.s32 @!p0 $0xFFFFFFFF  }
0xb3: {  	s25 =	simm.s32 $0x1B8E;
	s24 =	sld [smem:$0x3FFE];
	[sflag:s4] =	ssyncadd.remote.s32 @!p0 $0x1  }
0xb4: {  	s26 =	simm.s32 $execute0_lowered;
	[smem:$0x3FD2] =	sst s25  }
0xb5: {  	s5 =	sshll.u32 s26, $0x1;
	_ =	strace $0x8000004C;
	[dreg:$0x1] =	wrdreg $0xFFFFFFFF  }
0xb6: {  	s28 =	simm.s32 $_size_execute0_lowered;
	s3 =	sadd.s32 s3, s5;
	[dreg:$0x0] =	wrdreg $0x0  }
0xb7: {  	s5 =	sshll.u32 s28, $0x1;
	[dreg:$0x2] =	wrdreg s3  }
0xb8: {  	[dreg:$0x3] =	wrdreg s5  }
0xb9: {  	[dreg:$0x4] =	wrdreg $0xC0  }
0xba: {  	_ =	task [dreg:s22], $0x5FFFF  }
0xbb: {  	[dreg:$0x1] =	wrdreg $0xFFFFFFFF  }
0xbc: {  	[dreg:$0x0] =	wrdreg $0x60  }
0xbd: {  	[dreg:$0x2] =	wrdreg s24  }
0xbe: {  	[dreg:$0x3] =	wrdreg $0xA  }
0xbf: {  	_ =	task.clear_ibuf [dreg:s22], $0x4FFFF;
	_ =	strace $0x9000004C  }
0xc0: {  	s29 =	simm.s32 $0xA;
	_ =	strace $0x8000004E  }
0xc1: {  	_ =	swait.ge [sflag:s29], $0x1  }
0xc2: {  	[sflag:s29] =	ssyncadd.s32 $0xFFFFFFFF  }
0xc3: {  	_ =	strace $0x9000004E  }
0xc4: {  	_ =	sfence  }
0xc5: {  	s30 =	sld [smem:$0x0];
	_ =	sdelay $0x2  }
0xc6: {  	s31 =	sshll.u32 s1, $0xD;
	s1 =	sshrl.u32 s1, $0x2  }
0xc7: {  	s4 =	sand.u32 $0x4000, s31;
	s1 =	sadd.s32 s1, s30  }
0xc8: {  	s0 =	sor.u32 s4, s0;
	s1 =	sshll.u32 s1, $0x11  }
0xc9: {  	s0 =	sor.u32 s1, s0  }
0xca: {  	s0 =	sadd.s32 $0x8F2B, s0  }
0xcb: {  	[sflag:s0] =	ssyncadd.remote.s32 $0x1  }
0xcc: {  	_ =	sfence.sel $0xFFFF  }
0xcd: {  	[dreg:$0x0] =	wrdreg $0xFFFFFFFF;
	(pc) =	sbr.abs _section_cstart, $3  }
0xce: {  	[dreg:$0x1] =	wrdreg $0xFFFFFFFF  }
0xcf: {  	_ =	task.clear_ibuf [dreg:s22], $0x2FFFF;
	_ =	strace $0x9FFFFFFF  }
0xd0: {  	(tm) =	ssettm $0x7FFFFFFF  }
0xd1: {  	_ =	shalt  }
tec
execute0_lowered:
.L_overlay_start_1:
0x0: {  	(tag) =	ssettag $0x1  }
0x1: {  	s3 =	rddreg [dreg:$0x0]  }
0x2: {  	s0 =	rddreg [dreg:$0x1];
	s4 =	srdreg.scid  }
0x3: {  	s2 =	simm.s32 $0x0;
	s1 =	stileid.u32;
	s4 =	sand.u32 $0x1, s4  }
0x4: {  	s7 =	simm.s32 $0x2000;
	s5 =	sshll.u32 s1, $0xB;
	s6 =	sshll.u32 s4, $0xA  }
0x5: {  	v0 =	vlaneseq.u32;
	s8 =	simm.s32 $0x0;
	s4 =	ssub.s32 $0x2, s4;
	s5 =	sor.u32 s6, s5  }
0x6: {  	[smem:$0x7FF] =	sst s2;
	v0 =	vmul.u32 $0xFFFFFFFF, v0;
	s31 =	sshrl.u32 s4, $0x1;
	s5 =	sadd.s32 s5, s3  }
0x7: {  	_ =	strace $0x8000004D;
	s6 =	ssub.s32 s4, s31;
	s3 =	sadd.s32 $0x21A00, s5  }
0x8: {  	vm0 =	vmmov $0xff;
	v0 =	vadd.s32 $0xF, v0;
	s4 =	sadd.s32 $0x29A00, s5;
	s5 =	smax.u32 s6, $0x1;
	s6 =	simm.s32 $0x1  }
.LBB2_1:
0x9: {  	[tilespmem:s2], [sflag:$0x1] =	stream.linear.gather [hbm4b:s3+s2], $0x2000, $0x38;
	[tilespmem:$0x4000] =	vst v63  }
0xa: {  	_ =	swait.ge [sflag:s6], $0x2000  }
0xb: {  	[sflag:s6] =	ssyncset.done $0x0  }
0xc: {  	s13 =	simm.s32 $0x0;
	[sflag:s6] =	ssyncadd.s32 $0xFFFFE000  }
0xd: {  	v18 =	vld [tilespmem:s13+$0x30];
	_ =	sdelay $0x1  }
0xe: {  	v19 =	vld [tilespmem:s13+$0x20];
	_ =	sdelay $0x2  }
0xf: {  	(xrf1) =	vsort.ascd.msk.f32 $0xffff, v18, v18;
	_ =	sdelay $0x1  }
0x10: {  	(xrf1) =	vsort.ascd.msk.f32 $0xffff, v19, v19;
	_ =	sdelay $0x4  }
0x11: {  	v1 =	vld [tilespmem:s13+$0x0]  }
0x12: {  	v23 =	vld [tilespmem:s13+$0x10];
	_ =	sdelay $0x2  }
0x13: {  	s10 =	simm.s32 $0x40  }
0x14: {  	v13 =	vld [tilespmem:s10+$0x30];
	(xrf1) =	vsort.ascd.msk.f32 $0xffff, v1, v1  }
0x15: {  	(xrf1) =	vsort.ascd.msk.f32 $0xffff, v23, v23  }
0x16: {  	v14 =	vld [tilespmem:s10+$0x20];
	v2, _, _ =	vpop (xrf1)  }
0x17: {  	v2 =	vperm.xlane v2, v0  }
0x18: {  	v3, _, _ =	vpop (xrf1)  }
0x19: {  	(xrf1) =	vsort.ascd.msk.f32 $0xffff, v13, v13;
	v2 =	vmax.f32 v3, v2  }
0x1a: {  	(xrf1) =	vsort.ascd.msk.f32 $0xffff, v2, v2  }
0x1b: {  	(xrf1) =	vsort.ascd.msk.f32 $0xffff, v14, v14;
	_ =	sdelay $0x3  }
0x1c: {  	v17 =	vld [tilespmem:s10+$0x0]  }
0x1d: {  	v15 =	vld [tilespmem:s10+$0x10];
	_ =	sdelay $0x1  }
0x1e: {  	v2, _, _ =	vpop (xrf1)  }
0x1f: {  	v3, _, _ =	vpop (xrf1)  }
0x20: {  	s9 =	simm.s32 $0x80;
	(xrf1) =	vsort.ascd.msk.f32 $0xffff, v17, v17;
	v3 =	vperm.xlane v3, v0  }
0x21: {  	v16 =	vld [tilespmem:s9+$0x30];
	(xrf1) =	vsort.ascd.msk.f32 $0xffff, v15, v15  }
0x22: {  	v2 =	vmax.f32 v2, v3  }
0x23: {  	v20 =	vld [tilespmem:s9+$0x20];
	v4, _, _ =	vpop (xrf1)  }
0x24: {  	v3 =	vperm.xlane v4, v0;
	v4, _, _ =	vpop (xrf1)  }
0x25: {  	(xrf1) =	vsort.ascd.msk.f32 $0xffff, v2, v2;
	v2, _, _ =	vpop (xrf1)  }
0x26: {  	(xrf1) =	vsort.ascd.msk.f32 $0xffff, v16, v16;
	v2 =	vmax.f32 v2, v3  }
0x27: {  	(xrf1) =	vsort.ascd.msk.f32 $0xffff, v2, v2  }
0x28: {  	(xrf1) =	vsort.ascd.msk.f32 $0xffff, v20, v20;
	_ =	sdelay $0x2  }
0x29: {  	v22 =	vld [tilespmem:s9+$0x0]  }
0x2a: {  	v21 =	vld [tilespmem:s9+$0x10];
	_ =	sdelay $0x1  }
0x2b: {  	v2, _, _ =	vpop (xrf1)  }
0x2c: {  	v3, _, _ =	vpop (xrf1)  }
0x2d: {  	(xrf1) =	vsort.ascd.msk.f32 $0xffff, v22, v22;
	v3 =	vperm.xlane v3, v0  }
0x2e: {  	s11 =	simm.s32 $0xC0;
	(xrf1) =	vsort.ascd.msk.f32 $0xffff, v21, v21  }
0x2f: {  	v5 =	vld [tilespmem:s11+$0x30]  }
0x30: {  	v4 =	vperm.xlane v4, v0;
	v6, _, _ =	vpop (xrf1)  }
0x31: {  	v10 =	vld [tilespmem:s11+$0x20];
	v2 =	vmax.f32 v2, v3;
	v3, _, _ =	vpop (xrf1)  }
0x32: {  	(xrf1) =	vsort.ascd.msk.f32 $0xffff, v2, v2;
	v4 =	vmax.f32 v6, v4;
	v2 =	vperm.xlane v3, v0;
	v6, _, _ =	vpop (xrf1)  }
0x33: {  	(xrf1) =	vsort.ascd.msk.f32 $0xffff, v4, v4;
	v3, _, _ =	vpop (xrf1)  }
0x34: {  	(xrf1) =	vsort.ascd.msk.f32 $0xffff, v5, v5;
	v2 =	vmax.f32 v3, v2  }
0x35: {  	(xrf1) =	vsort.ascd.msk.f32 $0xffff, v2, v2  }
0x36: {  	(xrf1) =	vsort.ascd.msk.f32 $0xffff, v10, v10  }
0x37: {  	v11 =	vld [tilespmem:s11+$0x0]  }
0x38: {  	v12 =	vld [tilespmem:s11+$0x10];
	_ =	sdelay $0x2  }
0x39: {  	v2, _, _ =	vpop (xrf1)  }
0x3a: {  	(xrf1) =	vsort.ascd.msk.f32 $0xffff, v11, v11;
	v3, _, _ =	vpop (xrf1)  }
0x3b: {  	(xrf1) =	vsort.ascd.msk.f32 $0xffff, v12, v12;
	v4 =	vperm.xlane v3, v0;
	_ =	sdelay $0x1  }
0x3c: {  	s12 =	simm.s32 $0x100;
	v2 =	vmax.f32 v2, v4  }
0x3d: {  	v7, _, _ =	vpop (xrf1);
	v3 =	vld [tilespmem:s12+$0x30]  }
0x3e: {  	v6 =	vperm.xlane v6, v0;
	v8, _, _ =	vpop (xrf1)  }
0x3f: {  	v4 =	vld [tilespmem:s12+$0x20];
	(xrf1) =	vsort.ascd.msk.f32 $0xffff, v2, v2;
	v2, _, _ =	vpop (xrf1);
	v24 =	vbroadcast v8, $0xF  }
0x40: {  	v6 =	vmax.f32 v7, v6;
	v2 =	vperm.xlane v2, v0;
	v9, _, _ =	vpop (xrf1)  }
0x41: {  	(xrf1) =	vsort.ascd.msk.f32 $0xffff, v6, v6;
	v26 =	vsub.f32 v8, v24;
	v25, _, _ =	vpop (xrf1)  }
0x42: {  	v7 =	vld [tilespmem:s12+$0x0];
	(xrf1) =	vsort.ascd.msk.f32 $0xffff, v3, v3;
	v2 =	vmax.f32 v25, v2  }
0x43: {  	v6 =	vld [tilespmem:s12+$0x10];
	(xrf1) =	vsort.ascd.msk.f32 $0xffff, v2, v2;
	v2 =	vmul.f32 $1.442695020e+00, v26  }
0x44: {  	(xrf1) =	vsort.ascd.msk.f32 $0xffff, v4, v4  }
0x45: {  	(erf) = vpow2.f32 v2;
	_ =	sdelay $0x1  }
0x46: {  	(xrf1) =	vsort.ascd.msk.f32 $0xffff, v7, v7;
	v2, _, _ =	vpop (xrf1)  }
0x47: {  	v25, _, _ =	vpop (xrf1);
	(xrf1) =	vsort.ascd.msk.f32 $0xffff, v6, v6  }
0x48: {  	v25 =	vperm.xlane v25, v0;
	_ =	sdelay $0x2  }
0x49: {  	v9 =	vperm.xlane v9, v0;
	v2 =	vmax.f32 v2, v25  }
0x4a: {  	s14 =	simm.s32 $0x140;
	(xrf1) =	vsort.ascd.msk.f32 $0xffff, v2, v2;
	v25, _, _ =	vpop (xrf1)  }
0x4b: {  	v31 =	vsub.f32 v1, v24;
	v26 =	vsub.f32 v19, v24;
	v2 =	vld [tilespmem:s14+$0x30];
	v27 =	vpop (erf)  }
0x4c: {  	v28 =	vbroadcast v8, $0x8;
	v30, _, _ =	vpop (xrf1);
	v27 =	vsel vm0, $0x0, v27  }
0x4d: {  	v29 =	vsub.f32 v18, v24;
	v8 =	vld [tilespmem:s14+$0x20];
	v26 =	vmul.f32 $1.442695020e+00, v26;
	v25 =	vmax.f32 v25, v9;
	v9, _, _ =	vpop (xrf1);
	(xrf2) =	vadd.scan.msk.f32 $0xffff, v27  }
0x4e: {  	v33 =	vbroadcast v30, $0xF;
	(xrf1) =	vsort.ascd.msk.f32 $0xffff, v25, v25;
	v27 =	vperm.xlane v9, v0;
	v9 =	vld [tilespmem:s14+$0x0];
	v32, _, _ =	vpop (xrf1)  }
0x4f: {  	vm1 =	vge.f32 v1, v28;
	v1 =	vld [tilespmem:s14+$0x10];
	v25 =	vmul.f32 $1.442695020e+00, v29;
	v29 =	vmul.f32 $1.442695020e+00, v31;
	v31, _, _ =	vpop (xrf1)  }
0x50: {  	(erf) = vpow2.f32 v26;
	(xrf1) =	vsort.ascd.msk.f32 $0xffff, v2, v2;
	v26 =	vmax.f32 v31, v27;
	v27 =	vsub.f32 v30, v33  }
0x51: {  	vm2 =	vge.f32 v23, v28;
	v23 =	vsub.f32 v23, v24;
	(erf) = vpow2.f32 v29;
	(xrf1) =	vsort.ascd.msk.f32 $0xffff, v26, v26  }
0x52: {  	vm3 =	vge.f32 v19, v28;
	(erf) = vpow2.f32 v25;
	v19, _, _ =	vpop (xrf1);
	v24 =	vmul.f32 $1.442695020e+00, v27;
	(xrf1) =	vsort.ascd.msk.f32 $0xffff, v8, v8  }
0x53: {  	vm4 =	vge.f32 v18, v28;
	vm1 =	vmmov vm1;
	vm5 =	vmmov vm2;
	v18, _, _ =	vpop (xrf1);
	(xrf1) =	vsort.ascd.msk.f32 $0xffff, v9, v9  }
0x54: {  	vm3 =	vmmov vm3;
	v18 =	vperm.xlane v18, v0;
	(xrf1) =	vsort.ascd.msk.f32 $0xffff, v1, v1;
	(erf) = vpow2.f32 v24  }
0x55: {  	vm4 =	vmmov vm4;
	v23 =	vmul.f32 $1.442695020e+00, v23;
	v25 =	vbroadcast v30, $0x8  }
0x56: {  	vm11 =	vmmov vm1;
	v26 =	vsub.f32 v14, v33;
	v18 =	vmax.f32 v19, v18  }
0x57: {  	vm10 =	vmmov vm5;
	vm2 =	vge.f32 v17, v25;
	v17 =	vsub.f32 v17, v33;
	(xrf1) =	vsort.ascd.msk.f32 $0xffff, v18, v18;
	v19, _, _ =	vpop (xrf2)  }
0x58: {  	vm7 =	vge.f32 v14, v25;
	v26 =	vmul.f32 $1.442695020e+00, v26;
	v14, _, _ =	vpop (xrf1);
	v28 =	vbroadcast v19, $0xF  }
0x59: {  	vm12 =	vmmov vm3;
	vm6 =	vge.f32 v15, v25;
	v15 =	vsub.f32 v15, v33;
	v18 =	vpop (erf)  }
0x5a: {  	v27 =	vperm.xlane v32, v0;
	v24 =	vsub.f32 v13, v33;
	(erf) = vpow2.f32 v26;
	v61 =	vpop (erf)  }
0x5b: {  	vm8 =	vge.f32 v13, v25;
	v25 =	vmul.f32 $1.442695020e+00, v17;
	(erf) = vrcp.f32 v28;
	v17 =	vpop (erf)  }
0x5c: {  	s15 =	simm.s32 $0x180;
	vm9 =	vmmov vm4;
	vm1 =	vmmov vm6;
	v24 =	vmul.f32 $1.442695020e+00, v24;
	v28, _, _ =	vpop (xrf1)  }
0x5d: {  	v13 =	vld [tilespmem:s15+$0x30];
	v26 =	vmax.f32 v14, v27;
	v19 =	vmul.f32 $1.442695020e+00, v15;
	(erf) = vpow2.f32 v23;
	v15 =	vpop (erf)  }
0x5e: {  	(erf) = vpow2.f32 v25;
	v29 =	vbroadcast v28, $0x8;
	v23, _, _ =	vpop (xrf1);
	v27 =	vsel vm0, $0x0, v15  }
0x5f: {  	vm3 =	vmmov vm7;
	v14 =	vld [tilespmem:s15+$0x20];
	(xrf1) =	vsort.ascd.msk.f32 $0xffff, v26, v26;
	v30 =	vbroadcast v28, $0xF;
	v23 =	vperm.xlane v23, v0;
	v31, _, _ =	vpop (xrf1)  }
0x60: {  	v15 =	vld [tilespmem:s15+$0x0];
	vm5 =	vge.f32 v22, v29;
	vm7 =	vge.f32 v21, v29;
	vm4 =	vge.f32 v20, v29;
	(xrf2) =	vadd.scan.msk.f32 $0xffff, v27;
	v62, _, _ =	vpop (xrf1)  }
0x61: {  	v28 =	vsub.f32 v28, v30;
	v63 =	vsub.f32 v16, v30;
	vm6 =	vge.f32 v16, v29;
	v16 =	vld [tilespmem:s15+$0x10];
	v27, _, _ =	vpop (xrf1)  }
0x62: {  	vm2 =	vmmov vm2;
	v25 =	vsub.f32 v22, v30;
	v26 =	vmax.f32 v62, v23;
	(xrf1) =	vsort.ascd.msk.f32 $0xffff, v13, v13;
	v34, _, _ =	vpop (xrf1)  }
0x63: {  	(erf) = vpow2.f32 v24;
	v29 =	vperm.xlane v31, v0;
	(xrf1) =	vsort.ascd.msk.f32 $0xffff, v26, v26;
	v26 =	vsub.f32 v20, v30;
	v20 =	vpop (erf)  }
0x64: {  	v23 =	vsub.f32 v21, v30;
	v28 =	vmul.f32 $1.442695020e+00, v28;
	(xrf1) =	vsort.ascd.msk.f32 $0xffff, v14, v14;
	v30 =	vperm.xlane v34, v0;
	v22 =	vpop (erf)  }
0x65: {  	s16 =	simm.s32 $0x700;
	vm8 =	vmmov vm8;
	v21 =	vmul.f32 $1.442695020e+00, v63;
	(xrf1) =	vsort.ascd.msk.f32 $0xffff, v15, v15;
	v24 =	vmul.f32 v22, v61;
	v31, _, _ =	vpop (xrf1)  }
.LBB2_2:
0x66: {  	(xrf1) =	vsort.ascd.msk.f32 $0xffff, v16, v16;
	v27 =	vmax.f32 v27, v30;
	(erf) = vpow2.f32 v28;
	v18 =	vmul.f32 v22, v18;
	v28 =	vpop (erf)  }
0x67: {  	p0 =	sne.s32 s16, $0x7F00;
	v32 =	vmovc v2;
	v2 =	vmovc v13;
	v30 =	vmov v10;
	v10 =	vmov v4;
	v4 =	vmov v8;
	s17 =	smov.u32 s16;
	s16 =	sadd.s32 $0x100, s16  }
0x68: {  	v17 =	vmul.f32 v22, v17;
	v29 =	vmax.f32 v31, v29;
	v33 =	vpop (erf);
	v13 =	vmul.f32 v22, v28  }
0x69: {  	v8 =	vmovc v14;
	v22 =	vmul.f32 $1.442695020e+00, v25;
	v24 =	vnsel vm11, $0x0, v24;
	v28 =	vmovc v12;
	v18 =	vnsel vm12, $0x0, v18  }
0x6a: {  	v14 =	vmul.f32 $1.442695020e+00, v23;
	(xrf1) =	vsort.ascd.msk.f32 $0xffff, v27, v27;
	v12, _, _ =	vpop (xrf2);
	v13 =	vnsel vm10, $0x0, v13;
	v27 =	vnsel vm9, $0x0, v17  }
0x6b: {  	v23 =	vmul.f32 $1.442695020e+00, v26;
	v25 =	vbroadcast v12, $0xF;
	[tilespmem:s13+$0x2030] =	vst v27;
	v12 =	vmovc v6;
	v6 =	vmovc v1;
	v1 =	vmov v16  }
0x6c: {  	v26 =	vmov v11;
	v11 =	vmov v7;
	v7 =	vmov v9;
	v17 =	vpop (erf);
	[tilespmem:s13+$0x2010] =	vst v13  }
0x6d: {  	v9 =	vmovc v15;
	vm11 =	vmmov vm2;
	vm2 =	vmmov vm5;
	(erf) = vpow2.f32 v23;
	[tilespmem:s13+$0x2020] =	vst v18;
	v18 =	vmovc v20  }
0x6e: {  	vm10 =	vmmov vm1;
	vm1 =	vmmov vm7;
	(erf) = vrcp.f32 v25;
	[tilespmem:s13+$0x2000] =	vst v24;
	s13 =	smov.u32 s10;
	s10 =	smov.u32 s9;
	s9 =	smov.u32 s11  }
0x6f: {  	s17 =	sshra.s32 s17, $0x2;
	vm12 =	vmmov vm3;
	vm3 =	vmmov vm4;
	vm9 =	vmmov vm8;
	s11 =	smov.u32 s12;
	s12 =	smov.u32 s14;
	v20, _, _ =	vpop (xrf1)  }
0x70: {  	s14 =	smov.u32 s15;
	s15 =	smov.u32 s17;
	v13 =	vld [tilespmem:s17+$0x30];
	v24 =	vbroadcast v20, $0x8;
	v15 =	vpop (erf);
	(erf) = vpow2.f32 v19;
	v19 =	vmov v14  }
0x71: {  	vm8 =	vmmov vm6;
	v14 =	vld [tilespmem:s15+$0x20];
	v23, _, _ =	vpop (xrf1);
	v15 =	vsel vm0, $0x0, v15;
	(erf) = vpow2.f32 v22  }
0x72: {  	v34 =	vbroadcast v20, $0xF;
	v16 =	vld [tilespmem:s15+$0x10];
	v22 =	vperm.xlane v23, v0;
	v31, _, _ =	vpop (xrf1);
	vm5 =	vge.f32 v26, v24;
	(xrf2) =	vadd.scan.msk.f32 $0xffff, v15  }
0x73: {  	vm7 =	vge.f32 v28, v24;
	vm4 =	vge.f32 v30, v24;
	v15 =	vld [tilespmem:s15+$0x0];
	v23, _, _ =	vpop (xrf1);
	(xrf1) =	vsort.ascd.msk.f32 $0xffff, v29, v29  }
.Ltmp0:
0x74: {  	v36 =	vsub.f32 v20, v34;
	v29 =	vsub.f32 v5, v34;
	v22 =	vmax.f32 v23, v22;
	v27, _, _ =	vpop (xrf1);
	(pc) =	sbr.rel @p0 .LBB2_2-.Ltmp0, $4  }
0x75: {  	v25 =	vsub.f32 v26, v34;
	v23 =	vsub.f32 v28, v34;
	(xrf1) =	vsort.ascd.msk.f32 $0xffff, v13, v13;
	v35, _, _ =	vpop (xrf1);
	(erf) = vpow2.f32 v21  }
0x76: {  	v26 =	vsub.f32 v30, v34;
	v28 =	vmul.f32 $1.442695020e+00, v36;
	v21 =	vmul.f32 $1.442695020e+00, v29;
	(xrf1) =	vsort.ascd.msk.f32 $0xffff, v22, v22;
	v20 =	vpop (erf)  }
0x77: {  	vm6 =	vge.f32 v5, v24;
	v5 =	vmov v3;
	v30 =	vperm.xlane v35, v0;
	(xrf1) =	vsort.ascd.msk.f32 $0xffff, v14, v14;
	v22 =	vpop (erf)  }
0x78: {  	v3 =	vmov v32;
	v29 =	vperm.xlane v31, v0;
	(xrf1) =	vsort.ascd.msk.f32 $0xffff, v15, v15;
	v31, _, _ =	vpop (xrf1);
	v24 =	vmul.f32 v22, v33  }
0x79: {  	(erf) = vpow2.f32 v28;
	(xrf1) =	vsort.ascd.msk.f32 $0xffff, v16, v16;
	_ =	sdelay $0x3  }
0x7a: {  	v27 =	vmax.f32 v27, v30;
	v28 =	vpop (erf)  }
0x7b: {  	(xrf1) =	vsort.ascd.msk.f32 $0xffff, v27, v27;
	v62 =	vmax.f32 v31, v29;
	v63 =	vpop (erf)  }
0x7c: {  	(xrf1) =	vsort.ascd.msk.f32 $0xffff, v62, v62;
	v32, _, _ =	vpop (xrf2)  }
0x7d: {  	v30 =	vpop (erf)  }
0x7e: {  	v42, _, _ =	vpop (xrf1)  }
0x7f: {  	v41 =	vpop (erf)  }
0x80: {  	v26 =	vmul.f32 $1.442695020e+00, v26;
	v27 =	vsel vm0, $0x0, v41;
	v43, _, _ =	vpop (xrf1)  }
0x81: {  	v32 =	vbroadcast v32, $0xF;
	(xrf2) =	vadd.scan.msk.f32 $0xffff, v27;
	v33, _, _ =	vpop (xrf1)  }
0x82: {  	(erf) = vpow2.f32 v26;
	v44 =	vbroadcast v42, $0xF;
	v34, _, _ =	vpop (xrf1)  }
0x83: {  	(erf) = vrcp.f32 v32;
	v27 =	vperm.xlane v43, v0;
	v35, _, _ =	vpop (xrf1)  }
0x84: {  	v25 =	vmul.f32 $1.442695020e+00, v25;
	(erf) = vpow2.f32 v19;
	v45, _, _ =	vpop (xrf1)  }
0x85: {  	v46 =	vsub.f32 v42, v44;
	v27 =	vmax.f32 v34, v27;
	v47 =	vperm.xlane v45, v0  }
0x86: {  	(erf) = vpow2.f32 v25;
	(xrf1) =	vsort.ascd.msk.f32 $0xffff, v27, v27  }
0x87: {  	v48 =	vsub.f32 v10, v44;
	v19 =	vmul.f32 $1.442695020e+00, v46;
	v27 =	vmax.f32 v35, v47  }
0x88: {  	(erf) = vpow2.f32 v21;
	(xrf1) =	vsort.ascd.msk.f32 $0xffff, v27, v27  }
0x89: {  	v25 =	vmul.f32 $1.442695020e+00, v48;
	v49, _, _ =	vpop (xrf1);
	(erf) = vpow2.f32 v19  }
0x8a: {  	v32, _, _ =	vpop (xrf1)  }
0x8b: {  	v52 =	vsub.f32 v11, v44;
	v33 =	vperm.xlane v33, v0;
	(erf) = vpow2.f32 v25;
	v50, _, _ =	vpop (xrf2)  }
0x8c: {  	v53 =	vbroadcast v32, $0xF;
	v19 =	vbroadcast v50, $0xF  }
0x8d: {  	v23 =	vmul.f32 $1.442695020e+00, v23;
	v51 =	vsub.f32 v5, v44;
	v34 =	vmul.f32 $1.442695020e+00, v52;
	v27 =	vpop (erf)  }
0x8e: {  	v58 =	vmax.f32 v49, v33;
	v55 =	vsub.f32 v32, v53;
	v36 =	vpop (erf);
	(erf) = vrcp.f32 v19  }
0x8f: {  	v54 =	vmul.f32 $1.442695020e+00, v51;
	(xrf1) =	vsort.ascd.msk.f32 $0xffff, v58, v58;
	v56 =	vpop (erf);
	(erf) = vpow2.f32 v23  }
0x90: {  	v57 =	vmul.f32 $1.442695020e+00, v55;
	v35 =	vpop (erf);
	(erf) = vpow2.f32 v34  }
0x91: {  	v33 =	vpop (erf);
	(erf) = vpow2.f32 v54  }
0x92: {  	v59 =	vpop (erf);
	(erf) = vpow2.f32 v57  }
0x93: {  	v21 =	vsel vm0, $0x0, v59  }
0x94: {  	(xrf2) =	vadd.scan.msk.f32 $0xffff, v21;
	v60, _, _ =	vpop (xrf1)  }
0x95: {  	v19 =	vpop (erf);
	v34 =	vperm.xlane v60, v0  }
0x96: {  	v61, _, _ =	vpop (xrf1)  }
0x97: {  	v37 =	vpop (erf);
	v34 =	vmax.f32 v61, v34  }
0x98: {  	v38 =	vpop (erf);
	(xrf1) =	vsort.ascd.msk.f32 $0xffff, v34, v34  }
0x99: {  	v39 =	vpop (erf)  }
0x9a: {  	v18 =	vmul.f32 v22, v18;
	v17 =	vmul.f32 v22, v17;
	vm2 =	vmmov vm2;
	v21 =	vpop (erf)  }
0x9b: {  	v28 =	vmul.f32 v22, v28;
	v31 =	vbroadcast v42, $0x8;
	v44 =	vsub.f32 v12, v44;
	v62 =	vpop (erf)  }
0x9c: {  	v22 =	vnsel vm11, $0x0, v24;
	v40 =	vsub.f32 v4, v53;
	v34 =	vsel vm0, $0x0, v62  }
0x9d: {  	v24 =	vnsel vm10, $0x0, v28;
	vm11 =	vge.f32 v12, v31;
	v12 =	vmul.f32 $1.442695020e+00, v44;
	v46, _, _ =	vpop (xrf1);
	(xrf2) =	vadd.scan.msk.f32 $0xffff, v34  }
0x9e: {  	v47 =	vsub.f32 v7, v53;
	v28 =	vmul.f32 $1.442695020e+00, v40;
	v43, _, _ =	vpop (xrf2);
	v34 =	vbroadcast v46, $0xF  }
0x9f: {  	v48 =	vsub.f32 v3, v53;
	v45 =	vmul.f32 v36, v30;
	v23 =	vbroadcast v43, $0xF  }
0xa0: {  	v30 =	vmul.f32 $1.442695020e+00, v47;
	(erf) = vpow2.f32 v28;
	v50 =	vsub.f32 v8, v34  }
0xa1: {  	v28 =	vmul.f32 $1.442695020e+00, v48;
	(erf) = vrcp.f32 v23;
	v49 =	vsub.f32 v46, v34  }
0xa2: {  	vm13 =	vmmov vm3;
	(erf) = vpow2.f32 v12;
	v12 =	vmul.f32 $1.442695020e+00, v50  }
0xa3: {  	vm4 =	vmmov vm4;
	(erf) = vpow2.f32 v30;
	v23 =	vmul.f32 $1.442695020e+00, v49  }
0xa4: {  	vm1 =	vmmov vm1;
	vm15 =	vmmov vm4;
	(erf) = vpow2.f32 v28  }
0xa5: {  	v18 =	vnsel vm12, $0x0, v18;
	v25 =	vsub.f32 v6, v53;
	(erf) = vpow2.f32 v23  }
0xa6: {  	v17 =	vnsel vm9, $0x0, v17;
	vm12 =	vge.f32 v11, v31;
	(erf) = vpow2.f32 v12;
	v12, _, _ =	vpop (xrf1)  }
0xa7: {  	vm9 =	vge.f32 v5, v31;
	v53 =	vmul.f32 $1.442695020e+00, v25;
	v63 =	vmul.f32 v36, v63;
	v51, _, _ =	vpop (xrf2)  }
0xa8: {  	v54 =	vsub.f32 v9, v34;
	v5 =	vbroadcast v12, $0xF;
	v52 =	vbroadcast v51, $0xF  }
0xa9: {  	v42 =	vmul.f32 v36, v56;
	v56 =	vbroadcast v32, $0x8;
	v55 =	vsub.f32 v2, v34  }
0xaa: {  	v25 =	vmul.f32 $1.442695020e+00, v54;
	v57 =	vsub.f32 v12, v5;
	(erf) = vrcp.f32 v52  }
0xab: {  	vm10 =	vge.f32 v10, v31;
	v28 =	vmul.f32 $1.442695020e+00, v55;
	(erf) = vpow2.f32 v53  }
0xac: {  	vm3 =	vge.f32 v7, v56;
	v7 =	vpop (erf);
	v23 =	vmul.f32 $1.442695020e+00, v57;
	(erf) = vpow2.f32 v25  }
0xad: {  	vm10 =	vmmov vm10;
	v41 =	vmul.f32 v36, v20;
	v58 =	vpop (erf);
	(erf) = vpow2.f32 v28  }
0xae: {  	vm10 =	vmmov vm10;
	v11 =	vnsel vm2, $0x0, v63;
	v59 =	vpop (erf);
	(erf) = vpow2.f32 v23  }
0xaf: {  	v10 =	vnsel vm13, $0x0, v41;
	vm2 =	vmmov vm8;
	v20 =	vnsel vm1, $0x0, v42;
	v60 =	vpop (erf)  }
0xb0: {  	vm8 =	vge.f32 v6, v56;
	vm13 =	vge.f32 v3, v56;
	vm1 =	vmmov vm5;
	v3 =	vpop (erf)  }
0xb1: {  	vm14 =	vge.f32 v4, v56;
	vm5 =	vmmov vm6;
	vm1 =	vmmov vm1;
	v36 =	vpop (erf)  }
0xb2: {  	vm5 =	vmmov vm5;
	vm3 =	vmmov vm3;
	v41 =	vpop (erf);
	v43 =	vsel vm0, $0x0, v36  }
0xb3: {  	vm14 =	vmmov vm14;
	v61 =	vnsel vm2, $0x0, v45;
	v63 =	vbroadcast v46, $0x8;
	(xrf2) =	vadd.scan.msk.f32 $0xffff, v43;
	v42 =	vpop (erf)  }
0xb4: {  	vm2 =	vmmov vm7;
	v27 =	vmul.f32 v37, v27;
	v38 =	vmul.f32 v37, v38;
	v44 =	vpop (erf)  }
0xb5: {  	v40 =	vmul.f32 v37, v33;
	vm2 =	vmmov vm2;
	vm4 =	vge.f32 v9, v63;
	v45 =	vpop (erf)  }
0xb6: {  	v27 =	vnsel vm15, $0x0, v27;
	v30 =	vnsel vm2, $0x0, v38;
	vm2 =	vge.f32 v2, v63;
	v2 =	vpop (erf)  }
0xb7: {  	vm15 =	vmmov vm12;
	vm12 =	vmmov vm11;
	v31 =	vnsel vm5, $0x0, v40;
	v46 =	vpop (erf)  }
0xb8: {  	vm5 =	vge.f32 v1, v63;
	vm11 =	vmmov vm9;
	v28 =	vsel vm0, $0x0, v46  }
0xb9: {  	vm9 =	vmmov vm8;
	vm8 =	vmmov vm14;
	v1 =	vsub.f32 v1, v34;
	(xrf2) =	vadd.scan.msk.f32 $0xffff, v28  }
0xba: {  	[tilespmem:s13+$0x2000] =	vst v22;
	vm6 =	vmmov vm15;
	vm12 =	vmmov vm12;
	vm11 =	vmmov vm11  }
0xbb: {  	[tilespmem:s13+$0x2030] =	vst v17;
	v62 =	vmul.f32 v37, v35;
	v1 =	vmul.f32 $1.442695020e+00, v1;
	v49 =	vsub.f32 v14, v5  }
0xbc: {  	[tilespmem:s13+$0x2020] =	vst v18;
	vm15 =	vmmov vm13;
	v55 =	vbroadcast v12, $0x8;
	v47 =	vmul.f32 v58, v39  }
0xbd: {  	[tilespmem:s13+$0x2010] =	vst v24;
	v26 =	vnsel vm1, $0x0, v62;
	v19 =	vmul.f32 v58, v19;
	v52 =	vmul.f32 $1.442695020e+00, v49;
	v50, _, _ =	vpop (xrf2)  }
0xbe: {  	[tilespmem:s10+$0x2020] =	vst v10;
	vm1 =	vge.f32 v8, v63;
	v48 =	vmul.f32 v58, v21;
	v54 =	vbroadcast v50, $0xF  }
0xbf: {  	[tilespmem:s10+$0x2000] =	vst v11;
	v6 =	vmul.f32 v58, v59;
	v56 =	vsub.f32 v13, v5;
	(erf) = vpow2.f32 v52  }
0xc0: {  	[tilespmem:s10+$0x2010] =	vst v20;
	v17 =	vnsel vm6, $0x0, v47;
	v53 =	vsub.f32 v15, v5;
	(erf) = vrcp.f32 v54  }
0xc1: {  	[tilespmem:s10+$0x2030] =	vst v61;
	v19 =	vnsel vm10, $0x0, v19;
	v5 =	vsub.f32 v16, v5;
	(erf) = vpow2.f32 v1  }
0xc2: {  	[tilespmem:s9+$0x2030] =	vst v31;
	v51 =	vnsel vm11, $0x0, v48;
	vm6 =	vmmov vm3;
	v57 =	vmul.f32 $1.442695020e+00, v53  }
0xc3: {  	[tilespmem:s9+$0x2020] =	vst v27;
	vm3 =	vmmov vm4;
	v12 =	vmul.f32 $1.442695020e+00, v56;
	v5 =	vmul.f32 $1.442695020e+00, v5;
	v1, _, _ =	vpop (xrf2)  }
0xc4: {  	[tilespmem:s9+$0x2000] =	vst v26;
	vm4 =	vmmov vm9;
	(erf) = vpow2.f32 v57;
	v1 =	vbroadcast v1, $0xF  }
0xc5: {  	[tilespmem:s9+$0x2010] =	vst v30;
	vm9 =	vmmov vm5;
	v3 =	vmul.f32 v42, v3;
	(erf) = vpow2.f32 v12  }
0xc6: {  	vm5 =	vmmov vm1;
	vm1 =	vmmov vm15;
	[tilespmem:s11+$0x2030] =	vst v51;
	(erf) = vrcp.f32 v1  }
0xc7: {  	vm2 =	vmmov vm2;
	[tilespmem:s11+$0x2020] =	vst v19;
	v3 =	vnsel vm1, $0x0, v3;
	(erf) = vpow2.f32 v5  }
0xc8: {  	vm2 =	vmmov vm2;
	v6 =	vnsel vm12, $0x0, v6;
	[tilespmem:s11+$0x2000] =	vst v17;
	v1 =	vmul.f32 v42, v60;
	v60 =	vpop (erf)  }
0xc9: {  	vm7 =	vge.f32 v15, v55;
	vm10 =	vge.f32 v16, v55;
	[tilespmem:s11+$0x2010] =	vst v6;
	v58 =	vmul.f32 v42, v7;
	v61 =	vpop (erf)  }
0xca: {  	vm11 =	vge.f32 v14, v55;
	v59 =	vmul.f32 v42, v44;
	[tilespmem:s12+$0x2030] =	vst v3;
	v3 =	vpop (erf);
	v2 =	vmul.f32 v61, v2  }
0xcb: {  	vm12 =	vge.f32 v13, v55;
	v4 =	vnsel vm8, $0x0, v58;
	v3 =	vmul.f32 v61, v3  }
0xcc: {  	vm9 =	vmmov vm9;
	[tilespmem:s12+$0x2020] =	vst v4;
	v5 =	vnsel vm4, $0x0, v59;
	v2 =	vnsel vm2, $0x0, v2  }
0xcd: {  	vm3 =	vmmov vm3;
	v1 =	vnsel vm6, $0x0, v1;
	[tilespmem:s12+$0x2010] =	vst v5;
	v62 =	vpop (erf);
	v3 =	vnsel vm9, $0x0, v3  }
0xce: {  	vm13 =	vmmov vm10;
	vm5 =	vmmov vm5;
	[tilespmem:s12+$0x2000] =	vst v1;
	v1 =	vmul.f32 v61, v41;
	v63 =	vpop (erf)  }
0xcf: {  	vm14 =	vmmov vm12;
	vm15 =	vmmov vm13;
	v7 =	vmul.f32 v61, v45;
	[tilespmem:s14+$0x2030] =	vst v2;
	v2 =	vpop (erf)  }
0xd0: {  	vm1 =	vmmov vm7;
	v1 =	vnsel vm5, $0x0, v1;
	[tilespmem:s14+$0x2010] =	vst v3;
	v3 =	vpop (erf);
	v5 =	vmul.f32 v2, v63  }
0xd1: {  	v7 =	vnsel vm3, $0x0, v7;
	vm3 =	vmmov vm14;
	[tilespmem:s14+$0x2020] =	vst v1;
	v1 =	vmul.f32 v2, v3  }
0xd2: {  	vm2 =	vmmov vm11;
	[tilespmem:s14+$0x2000] =	vst v7;
	v3 =	vmul.f32 v2, v60;
	v5 =	vnsel vm3, $0x0, v5  }
0xd3: {  	vm2 =	vmmov vm2;
	v2 =	vmul.f32 v2, v62;
	v1 =	vnsel vm15, $0x0, v1;
	[tilespmem:s15+$0x2030] =	vst v5  }
0xd4: {  	s8 =	sadd.s32 $0x1, s8;
	vm1 =	vmmov vm1;
	v3 =	vnsel vm2, $0x0, v3;
	[tilespmem:s15+$0x2010] =	vst v1  }
0xd5: {  	p0 =	sne.s32 s8, s5;
	v1 =	vnsel vm1, $0x0, v2;
	[tilespmem:s15+$0x2020] =	vst v3  }
.Ltmp1:
0xd6: {  	[tilespmem:s15+$0x2000] =	vst v1;
	(pc) =	sbr.rel @p0 .LBB2_1-.Ltmp1, $4  }
0xd7: {  	[hbm4b:s4+s2] =	stream.linear.scatter [tilespmem:s7], [sflag:$0x1], $0x2000, $0x38;
	[tilespmem:$0x4000] =	vst v63  }
0xd8: {  	_ =	swait.ge [sflag:s6], $0x2000  }
0xd9: {  	[sflag:s6] =	ssyncset.done $0x0  }
0xda: {  	[sflag:s6] =	ssyncadd.s32 $0xFFFFE000  }
0xdb: {  	_ =	sfence.sel $0x180000  }
0xdc: {  	[bflag:$0x0] =	sbarrier.arrive $0xFFFF  }
0xdd: {  	p0 =	sne.s32 s1, $0x0;
	_ =	strace $0x9000004D  }
0xde: {  	s0 =	sadd.s32 @!p0 $0x100000, s0;
	[bflag:$0x2] =	sbarrier.arrive $0xFFFF  }
0xdf: {  	[sflag:s0] =	ssyncadd.tile.s32 @!p0 $0x1;
	_ =	shalt  }
.Lfunc_end2:
_tile_overlayer_lowered:
.L_overlay_start_2:
0xe0: {  	(tag) =	ssettag $0x2  }
0xe1: {  	s0 =	rddreg [dreg:$0x0];
	s2 =	stileid.u32  }
0xe2: {  	s1 =	rddreg [dreg:$0x1];
	p0 =	sne.s32 s2, $0x0  }
0xe3: {  	s3 =	rddreg [dreg:$0x2];
	[bflag:$0x3] =	sbarrier.arrive $0xFFFF;
	s2 =	simm.s32 @!p0 $0x1C01  }
0xe4: {  	[timem:s3], [sflag:s2] =	dma.local @!p0 [hbm:s0], s1  }
0xe5: {  	s0 =	simm.s32 @!p0 $0x1  }
0xe6: {  	_ =	swait.ge @!p0 [sflag:s0], s1  }
0xe7: {  	s1 =	ssub.s32 @!p0 $0x0, s1;
	[sflag:s0] =	ssyncset.done @!p0 $0x0  }
0xe8: {  	[sflag:s0] =	ssyncadd.s32 @!p0 s1  }
0xe9: {  	[bflag:$0x3] =	sbarrier.arrive $0xFFFF  }
0xea: {  	_ =	shalt  }

// kernel: kernel.16.cloned.1.call-start
scs
__scs_entry_jumppad:
0x0: {  	(pc) =	sbr.rel $0x88, $3  }
0x1: {  	(tag) =	ssettag $0x0;
	lr =	simm.s32 $0x1  }
0x2: {  	[smem:$0x3F9E] =	sst lr;
	_ =	strace $0xD0000000  }
0x3: {  	_ = 	snop  }
0x4: {  	_ = 	snop  }
0x5: {  	_ = 	snop  }
0x6: {  	_ = 	snop  }
0x7: {  	_ = 	snop  }
__scs_overlays_trampoline_lowered:
0x8: {  	[smem:$0x3FAD] =	sst s0  }
0x9: {  	[smem:$0x3FAE] =	sst s1  }
0xa: {  	[smem:$0x3FAF] =	sst s2  }
0xb: {  	[smem:$0x3FB0] =	sst s3  }
0xc: {  	[smem:$0x3FB1] =	sst s4  }
0xd: {  	[smem:$0x3FB2] =	sst s5  }
0xe: {  	[smem:$0x3FB3] =	sst s6  }
0xf: {  	[smem:$0x3FB4] =	sst s7  }
0x10: {  	[smem:$0x3FB5] =	sst s8  }
0x11: {  	[smem:$0x3FB6] =	sst s9;
	s0 =	simm.s32 @!p0 $0x0  }
0x12: {  	s1 =	sld [smem:$0x3F9C];
	s0 =	simm.s32 @p0 $0x1  }
0x13: {  	[smem:$0x3FB7] =	sst s0;
	s0 =	simm.s32 @!p1 $0x0  }
0x14: {  	s2 =	sld [smem:$0x3F9B];
	s0 =	simm.s32 @p1 $0x1  }
0x15: {  	[smem:$0x3FB8] =	sst s0;
	s0 =	simm.s32 @!p2 $0x0  }
0x16: {  	s3 =	sld [smem:$0x3FDB];
	s0 =	simm.s32 @p2 $0x1  }
0x17: {  	s4 =	simm.s32 $0x1BF5;
	[smem:$0x3FBA] =	sst s0  }
0x18: {  	s0 =	sld [smem:$0x3F9D];
	_ =	swait.ge [sflag:s4], $0x0  }
0x19: {  	s7 =	sld [smem:$0x3F9E]  }
0x1a: {  	s8 =	sadd.s32 $0xFFFFE003, lr  }
0x1b: {  	s9 =	sadd.s32 $0xFFFFFEF7, lr;
	s5 =	simm.s32 $0xFFFFFFFF;
	p2 =	slt.u32 s8, $0xFFFFF086  }
0x1c: {  	p1 =	slt.u32 s9, $0xF7A;
	s5 =	simm.s32 @!p2 $0x0  }
0x1d: {  	s5 =	simm.s32 @p1 $0x1;
	p0 =	seq.s32 s7, s2  }
0x1e: {  	s7 =	smul.u32 @!p0 $0xF7A, s2;
	p2 =	seq.s32 @!p0 s5, $0x0  }
0x1f: {  	s9 =	smul.u32 $0xF7A, s1;
	s8 =	simm.s32 @!p0 $0x1BF5;
	p2 =	por !p2, p0  }
0x20: {  	[sflag:s8] =	ssyncset.s32 @!p0 $0xFFFFF086;
	s6 =	sadd.s32 @!p0 s3, s7;
	s7 =	simm.s32 @!p0 $0x108  }
0x21: {  	s3 =	sadd.s32 s3, s9;
	s6 =	sadd.s32 @!p0 $0x88, s6;
	s7 =	simm.s32 @p2 $0x1082  }
0x22: {  	[simem:s7], [sflag:s8] =	dma.local @!p0 [hbm:s6], $0xF7A  }
0x23: {  	s9 =	sor.u32 $0xD0000000, s2;
	s6 =	simm.s32 $0x108;
	_ =	swait.ge @!p0 [sflag:s8], $0x0  }
0x24: {  	s3 =	sadd.s32 $0x88, s3;
	s6 =	simm.s32 @!p1 $0x1082;
	[sflag:s4] =	ssyncset.s32 $0xFFFFF086  }
0x25: {  	[simem:s6], [sflag:s4] =	dma.local [hbm:s3], $0xF7A  }
0x26: {  	[smem:$0x3F9E] =	sst s1;
	(tag) =	ssettag s2;
	_ =	strace s9  }
0x27: {  	s1 =	sld [smem:$0x3FAE]  }
0x28: {  	s2 =	sld [smem:$0x3FAF]  }
0x29: {  	s4 =	sld [smem:$0x3FB1]  }
0x2a: {  	p0 =	seq.s32 s5, $0x0;
	s5 =	sld [smem:$0x3FB2]  }
0x2b: {  	s6 =	sld [smem:$0x3FB3]  }
0x2c: {  	s7 =	sld [smem:$0x3FB4]  }
0x2d: {  	s3 =	simm.s32 $0x108;
	s8 =	sld [smem:$0x3FB5]  }
0x2e: {  	s3 =	simm.s32 @!p0 $0x1082;
	s9 =	sld [smem:$0x3FB6]  }
0x2f: {  	lr =	sadd.s32 s0, s3;
	s0 =	sld [smem:$0x3FAD]  }
0x30: {  	s3 =	sld [smem:$0x3FB0]  }
0x31: {  	[smem:$0x3FB9] =	sst s10  }
0x32: {  	s10 =	sld [smem:$0x3FB7];
	_ =	sdelay $0x3  }
0x33: {  	p0 =	seq.s32 s10, $0x1;
	s10 =	sld [smem:$0x3FB9];
	_ =	sdelay $0x3  }
0x34: {  	[smem:$0x3FB9] =	sst s10  }
0x35: {  	s10 =	sld [smem:$0x3FB8];
	_ =	sdelay $0x3  }
0x36: {  	p1 =	seq.s32 s10, $0x1;
	s10 =	sld [smem:$0x3FB9];
	_ =	sdelay $0x3  }
0x37: {  	[smem:$0x3FB9] =	sst s10  }
0x38: {  	s10 =	sld [smem:$0x3FBA]  }
0x39: {  	_ = 	snop;
	(pc) =	sbr.ind lr, $3  }
0x3a: {  	_ = 	snop  }
0x3b: {  	_ = 	snop  }
0x3c: {  	p2 =	seq.s32 s10, $0x1;
	s10 =	sld [smem:$0x3FB9]  }
0x3d: {  	_ =	shalt  }
0x3e: {  	_ =	shalt  }
0x3f: {  	_ =	shalt  }
0x40: {  	_ =	shalt  }
0x41: {  	_ =	shalt  }
0x42: {  	_ =	shalt  }
0x43: {  	_ =	shalt  }
0x44: {  	_ =	shalt  }
0x45: {  	_ =	shalt  }
0x46: {  	_ =	shalt  }
0x47: {  	_ =	shalt  }
0x48: {  	_ =	shalt  }
0x49: {  	_ =	shalt  }
0x4a: {  	_ =	shalt  }
0x4b: {  	_ =	shalt  }
0x4c: {  	_ =	shalt  }
0x4d: {  	_ =	shalt  }
0x4e: {  	_ =	shalt  }
0x4f: {  	_ =	shalt  }
0x50: {  	_ =	shalt  }
0x51: {  	_ =	shalt  }
0x52: {  	_ =	shalt  }
0x53: {  	_ =	shalt  }
0x54: {  	_ =	shalt  }
0x55: {  	_ =	shalt  }
0x56: {  	_ =	shalt  }
0x57: {  	_ =	shalt  }
0x58: {  	_ =	shalt  }
0x59: {  	_ =	shalt  }
0x5a: {  	_ =	shalt  }
0x5b: {  	_ =	shalt  }
0x5c: {  	_ =	shalt  }
0x5d: {  	_ =	shalt  }
0x5e: {  	_ =	shalt  }
0x5f: {  	_ =	shalt  }
0x60: {  	_ =	shalt  }
0x61: {  	_ =	shalt  }
0x62: {  	_ =	shalt  }
0x63: {  	_ =	shalt  }
0x64: {  	_ =	shalt  }
0x65: {  	_ =	shalt  }
0x66: {  	_ =	shalt  }
0x67: {  	_ =	shalt  }
0x68: {  	_ =	shalt  }
0x69: {  	_ =	shalt  }
0x6a: {  	_ =	shalt  }
0x6b: {  	_ =	shalt  }
0x6c: {  	_ =	shalt  }
0x6d: {  	_ =	shalt  }
0x6e: {  	_ =	shalt  }
0x6f: {  	_ =	shalt  }
0x70: {  	_ =	shalt  }
0x71: {  	_ =	shalt  }
0x72: {  	_ =	shalt  }
0x73: {  	_ =	shalt  }
0x74: {  	_ =	shalt  }
0x75: {  	_ =	shalt  }
0x76: {  	_ =	shalt  }
0x77: {  	_ =	shalt  }
0x78: {  	_ =	shalt  }
0x79: {  	_ =	shalt  }
0x7a: {  	_ =	shalt  }
0x7b: {  	_ =	shalt  }
0x7c: {  	_ =	shalt  }
0x7d: {  	_ =	shalt  }
0x7e: {  	_ =	shalt  }
0x7f: {  	_ =	shalt  }
0x80: {  	_ =	shalt  }
0x81: {  	_ =	shalt  }
0x82: {  	_ =	shalt  }
0x83: {  	_ =	shalt  }
0x84: {  	_ =	shalt  }
0x85: {  	_ =	shalt  }
0x86: {  	_ =	shalt  }
0x87: {  	_ =	shalt  }
.Lfunc_end0:
.L_simem_size_0:
called_computation.2_lowered:
.L_overlay_start_0:
0x88: {  	s2 =	sld [smem:$0x3FD9]  }
0x89: {  	s3 =	sld [smem:$0x3FFE];
	_ =	sdelay $0x1  }
0x8a: {  	s1 =	srdreg.scid  }
0x8b: {  	s0 =	sand.u32 $0x1, s1  }
0x8c: {  	s17 =	sshll.u32 s0, $0xA;
	s2 =	sadd.s32 s3, s2  }
0x8d: {  	s2 =	sadd.s32 s2, s17  }
0x8e: {  	[smem:$0x3FC5] =	sst s2  }
0x8f: {  	_ = 	snop  }
0x90: {  	(tm) =	ssettm $0x1  }
0x91: {  	s18 =	sld [smem:$0x3FFB];
	_ =	sdelay $0x3  }
0x92: {  	_ =	strace s18  }
0x93: {  	s2 =	sld [smem:$0x3FFC];
	_ =	sdelay $0x3  }
0x94: {  	_ =	strace s2  }
0x95: {  	s2 =	sld [smem:$0x3FFD];
	_ =	sdelay $0x3  }
0x96: {  	_ =	strace s2  }
0x97: {  	_ =	strace $0x8FFFFFFF  }
0x98: {  	s19 =	sld [smem:$0x3FDB];
	_ =	sdelay $0x1  }
0x99: {  	s20 =	simm.s32 $_scs_section_size  }
0x9a: {  	s4 =	simm.s32 $_size__tile_overlayer_lowered;
	s5 =	simm.s32 $_tile_overlayer_lowered  }
0x9b: {  	s6 =	simm.s32 $0x1BFF;
	s21 =	sshll.u32 s5, $0x1;
	s3 =	sadd.s32 s20, s19  }
0x9c: {  	s22 =	simm.s32 $0x0;
	s4 =	sshll.u32 s4, $0x1;
	s5 =	sadd.s32 s21, s3  }
0x9d: {  	[timem:s22], [sflag:s6] =	dma.local [hbm:s5], s4  }
0x9e: {  	_ =	swait.ge [sflag:s6], s4  }
0x9f: {  	s4 =	ssub.s32 $0x0, s4;
	[sflag:s6] =	ssyncset.done $0x0  }
0xa0: {  	[sflag:s6] =	ssyncadd.s32 s4;
	_ =	sdelay $0x1  }
0xa1: {  	s23 =	simm.s32 $0x1B8B  }
0xa2: {  	_ =	swait.ge [sflag:s23], $0x1  }
0xa3: {  	[sflag:s23] =	ssyncset.done $0x0  }
0xa4: {  	[sflag:s23] =	ssyncadd.s32 $0xFFFFFFFF  }
0xa5: {  	s4 =	sld [smem:$0x0]  }
0xa6: {  	s5 =	sand.u32 $0xFFFFFFFE, s1  }
0xa7: {  	p0 =	sne.s32 s1, s5  }
0xa8: {  	s5 =	sshll.u32 @p0 s5, $0xE  }
0xa9: {  	s5 =	sadd.s32 @p0 $0x11B8D, s5;
	s6 =	sshll.u32 @p0 s4, $0x11  }
0xaa: {  	s5 =	sor.u32 @p0 s6, s5  }
0xab: {  	[sflag:s5] =	ssyncadd.remote.s32 @p0 $0x1;
	_ =	sdelay $0x1  }
0xac: {  	s5 =	simm.s32 @p0 $0x1B8D  }
0xad: {  	_ =	swait.eq @p0 [sflag:s5], $0x1  }
0xae: {  	[sflag:s5] =	ssyncadd.s32 @p0 $0xFFFFFFFF  }
0xaf: {  	s6 =	sshll.u32 @!p0 s1, $0xE  }
0xb0: {  	s6 =	sor.u32 @!p0 $0x4000, s6;
	s5 =	simm.s32 @!p0 $0x1B8D  }
0xb1: {  	s4 =	sshll.u32 @!p0 s4, $0x11;
	s6 =	sadd.s32 @!p0 $0x11B8D, s6;
	_ =	swait.eq @!p0 [sflag:s5], $0x1  }
0xb2: {  	s4 =	sor.u32 @!p0 s4, s6;
	[sflag:s5] =	ssyncadd.s32 @!p0 $0xFFFFFFFF  }
0xb3: {  	s25 =	simm.s32 $0x1B8E;
	s24 =	sld [smem:$0x3FFE];
	[sflag:s4] =	ssyncadd.remote.s32 @!p0 $0x1  }
0xb4: {  	s26 =	simm.s32 $execute0_lowered;
	[smem:$0x3FD2] =	sst s25  }
0xb5: {  	s5 =	sshll.u32 s26, $0x1;
	_ =	strace $0x80000049;
	[dreg:$0x1] =	wrdreg $0xFFFFFFFF  }
0xb6: {  	s28 =	simm.s32 $_size_execute0_lowered;
	s3 =	sadd.s32 s3, s5;
	[dreg:$0x0] =	wrdreg $0x0  }
0xb7: {  	s5 =	sshll.u32 s28, $0x1;
	[dreg:$0x2] =	wrdreg s3  }
0xb8: {  	[dreg:$0x3] =	wrdreg s5  }
0xb9: {  	[dreg:$0x4] =	wrdreg $0xC0  }
0xba: {  	_ =	task [dreg:s22], $0x5FFFF  }
0xbb: {  	[dreg:$0x1] =	wrdreg $0xFFFFFFFF  }
0xbc: {  	[dreg:$0x0] =	wrdreg $0x60  }
0xbd: {  	[dreg:$0x2] =	wrdreg s24  }
0xbe: {  	[dreg:$0x3] =	wrdreg $0xB  }
0xbf: {  	_ =	task.clear_ibuf [dreg:s22], $0x4FFFF;
	_ =	strace $0x90000049  }
0xc0: {  	s29 =	simm.s32 $0xB;
	_ =	strace $0x8000004B  }
0xc1: {  	_ =	swait.ge [sflag:s29], $0x1  }
0xc2: {  	[sflag:s29] =	ssyncadd.s32 $0xFFFFFFFF  }
0xc3: {  	_ =	strace $0x9000004B  }
0xc4: {  	_ =	sfence  }
0xc5: {  	s30 =	sld [smem:$0x0];
	_ =	sdelay $0x2  }
0xc6: {  	s31 =	sshll.u32 s1, $0xD;
	s1 =	sshrl.u32 s1, $0x2  }
0xc7: {  	s4 =	sand.u32 $0x4000, s31;
	s1 =	sadd.s32 s1, s30  }
0xc8: {  	s0 =	sor.u32 s4, s0;
	s1 =	sshll.u32 s1, $0x11  }
0xc9: {  	s0 =	sor.u32 s1, s0  }
0xca: {  	s0 =	sadd.s32 $0x8F2B, s0  }
0xcb: {  	[sflag:s0] =	ssyncadd.remote.s32 $0x1  }
0xcc: {  	_ =	sfence.sel $0xFFFF  }
0xcd: {  	[dreg:$0x0] =	wrdreg $0xFFFFFFFF;
	(pc) =	sbr.abs _section_cstart, $3  }
0xce: {  	[dreg:$0x1] =	wrdreg $0xFFFFFFFF  }
0xcf: {  	_ =	task.clear_ibuf [dreg:s22], $0x2FFFF;
	_ =	strace $0x9FFFFFFF  }
0xd0: {  	(tm) =	ssettm $0x7FFFFFFF  }
0xd1: {  	_ =	shalt  }
tec
execute0_lowered:
.L_overlay_start_1:
0x0: {  	(tag) =	ssettag $0x1  }
0x1: {  	s3 =	rddreg [dreg:$0x0]  }
0x2: {  	s0 =	rddreg [dreg:$0x1];
	s4 =	srdreg.scid  }
0x3: {  	s2 =	simm.s32 $0x0;
	s1 =	stileid.u32;
	s4 =	sand.u32 $0x1, s4  }
0x4: {  	s7 =	simm.s32 $0x2000;
	s5 =	sshll.u32 s1, $0xB;
	s6 =	sshll.u32 s4, $0xA  }
0x5: {  	v0 =	vlaneseq.u32;
	s8 =	simm.s32 $0x0;
	s4 =	ssub.s32 $0x2, s4;
	s5 =	sor.u32 s6, s5  }
0x6: {  	[smem:$0x7FF] =	sst s2;
	v0 =	vmul.u32 $0xFFFFFFFF, v0;
	s31 =	sshrl.u32 s4, $0x1;
	s5 =	sadd.s32 s5, s3  }
0x7: {  	_ =	strace $0x8000004A;
	s6 =	ssub.s32 s4, s31;
	s3 =	sadd.s32 $0x11A00, s5  }
0x8: {  	vm0 =	vmmov $0xff;
	v0 =	vadd.s32 $0xF, v0;
	s4 =	sadd.s32 $0x19A00, s5;
	s5 =	smax.u32 s6, $0x1;
	s6 =	simm.s32 $0x1  }
.LBB2_1:
0x9: {  	[tilespmem:s2], [sflag:$0x1] =	stream.linear.gather [hbm4b:s3+s2], $0x2000, $0x38;
	[tilespmem:$0x4000] =	vst v63  }
0xa: {  	_ =	swait.ge [sflag:s6], $0x2000  }
0xb: {  	[sflag:s6] =	ssyncset.done $0x0  }
0xc: {  	s13 =	simm.s32 $0x0;
	[sflag:s6] =	ssyncadd.s32 $0xFFFFE000  }
0xd: {  	v18 =	vld [tilespmem:s13+$0x30];
	_ =	sdelay $0x1  }
0xe: {  	v19 =	vld [tilespmem:s13+$0x20];
	_ =	sdelay $0x2  }
0xf: {  	(xrf1) =	vsort.ascd.msk.f32 $0xffff, v18, v18;
	_ =	sdelay $0x1  }
0x10: {  	(xrf1) =	vsort.ascd.msk.f32 $0xffff, v19, v19;
	_ =	sdelay $0x4  }
0x11: {  	v1 =	vld [tilespmem:s13+$0x0]  }
0x12: {  	v23 =	vld [tilespmem:s13+$0x10];
	_ =	sdelay $0x2  }
0x13: {  	s10 =	simm.s32 $0x40  }
0x14: {  	v13 =	vld [tilespmem:s10+$0x30];
	(xrf1) =	vsort.ascd.msk.f32 $0xffff, v1, v1  }
0x15: {  	(xrf1) =	vsort.ascd.msk.f32 $0xffff, v23, v23  }
0x16: {  	v14 =	vld [tilespmem:s10+$0x20];
	v2, _, _ =	vpop (xrf1)  }
0x17: {  	v2 =	vperm.xlane v2, v0  }
0x18: {  	v3, _, _ =	vpop (xrf1)  }
0x19: {  	(xrf1) =	vsort.ascd.msk.f32 $0xffff, v13, v13;
	v2 =	vmax.f32 v3, v2  }
0x1a: {  	(xrf1) =	vsort.ascd.msk.f32 $0xffff, v2, v2  }
0x1b: {  	(xrf1) =	vsort.ascd.msk.f32 $0xffff, v14, v14;
	_ =	sdelay $0x3  }
0x1c: {  	v17 =	vld [tilespmem:s10+$0x0]  }
0x1d: {  	v15 =	vld [tilespmem:s10+$0x10];
	_ =	sdelay $0x1  }
0x1e: {  	v2, _, _ =	vpop (xrf1)  }
0x1f: {  	v3, _, _ =	vpop (xrf1)  }
0x20: {  	s9 =	simm.s32 $0x80;
	(xrf1) =	vsort.ascd.msk.f32 $0xffff, v17, v17;
	v3 =	vperm.xlane v3, v0  }
0x21: {  	v16 =	vld [tilespmem:s9+$0x30];
	(xrf1) =	vsort.ascd.msk.f32 $0xffff, v15, v15  }
0x22: {  	v2 =	vmax.f32 v2, v3  }
0x23: {  	v20 =	vld [tilespmem:s9+$0x20];
	v4, _, _ =	vpop (xrf1)  }
0x24: {  	v3 =	vperm.xlane v4, v0;
	v4, _, _ =	vpop (xrf1)  }
0x25: {  	(xrf1) =	vsort.ascd.msk.f32 $0xffff, v2, v2;
	v2, _, _ =	vpop (xrf1)  }
0x26: {  	(xrf1) =	vsort.ascd.msk.f32 $0xffff, v16, v16;
	v2 =	vmax.f32 v2, v3  }
0x27: {  	(xrf1) =	vsort.ascd.msk.f32 $0xffff, v2, v2  }
0x28: {  	(xrf1) =	vsort.ascd.msk.f32 $0xffff, v20, v20;
	_ =	sdelay $0x2  }
0x29: {  	v22 =	vld [tilespmem:s9+$0x0]  }
0x2a: {  	v21 =	vld [tilespmem:s9+$0x10];
	_ =	sdelay $0x1  }
0x2b: {  	v2, _, _ =	vpop (xrf1)  }
0x2c: {  	v3, _, _ =	vpop (xrf1)  }
0x2d: {  	(xrf1) =	vsort.ascd.msk.f32 $0xffff, v22, v22;
	v3 =	vperm.xlane v3, v0  }
0x2e: {  	s11 =	simm.s32 $0xC0;
	(xrf1) =	vsort.ascd.msk.f32 $0xffff, v21, v21  }
0x2f: {  	v5 =	vld [tilespmem:s11+$0x30]  }
0x30: {  	v4 =	vperm.xlane v4, v0;
	v6, _, _ =	vpop (xrf1)  }
0x31: {  	v10 =	vld [tilespmem:s11+$0x20];
	v2 =	vmax.f32 v2, v3;
	v3, _, _ =	vpop (xrf1)  }
0x32: {  	(xrf1) =	vsort.ascd.msk.f32 $0xffff, v2, v2;
	v4 =	vmax.f32 v6, v4;
	v2 =	vperm.xlane v3, v0;
	v6, _, _ =	vpop (xrf1)  }
0x33: {  	(xrf1) =	vsort.ascd.msk.f32 $0xffff, v4, v4;
	v3, _, _ =	vpop (xrf1)  }
0x34: {  	(xrf1) =	vsort.ascd.msk.f32 $0xffff, v5, v5;
	v2 =	vmax.f32 v3, v2  }
0x35: {  	(xrf1) =	vsort.ascd.msk.f32 $0xffff, v2, v2  }
0x36: {  	(xrf1) =	vsort.ascd.msk.f32 $0xffff, v10, v10  }
0x37: {  	v11 =	vld [tilespmem:s11+$0x0]  }
0x38: {  	v12 =	vld [tilespmem:s11+$0x10];
	_ =	sdelay $0x2  }
0x39: {  	v2, _, _ =	vpop (xrf1)  }
0x3a: {  	(xrf1) =	vsort.ascd.msk.f32 $0xffff, v11, v11;
	v3, _, _ =	vpop (xrf1)  }
0x3b: {  	(xrf1) =	vsort.ascd.msk.f32 $0xffff, v12, v12;
	v4 =	vperm.xlane v3, v0;
	_ =	sdelay $0x1  }
0x3c: {  	s12 =	simm.s32 $0x100;
	v2 =	vmax.f32 v2, v4  }
0x3d: {  	v7, _, _ =	vpop (xrf1);
	v3 =	vld [tilespmem:s12+$0x30]  }
0x3e: {  	v6 =	vperm.xlane v6, v0;
	v8, _, _ =	vpop (xrf1)  }
0x3f: {  	v4 =	vld [tilespmem:s12+$0x20];
	(xrf1) =	vsort.ascd.msk.f32 $0xffff, v2, v2;
	v2, _, _ =	vpop (xrf1);
	v24 =	vbroadcast v8, $0xF  }
0x40: {  	v6 =	vmax.f32 v7, v6;
	v2 =	vperm.xlane v2, v0;
	v9, _, _ =	vpop (xrf1)  }
0x41: {  	(xrf1) =	vsort.ascd.msk.f32 $0xffff, v6, v6;
	v26 =	vsub.f32 v8, v24;
	v25, _, _ =	vpop (xrf1)  }
0x42: {  	v7 =	vld [tilespmem:s12+$0x0];
	(xrf1) =	vsort.ascd.msk.f32 $0xffff, v3, v3;
	v2 =	vmax.f32 v25, v2  }
0x43: {  	v6 =	vld [tilespmem:s12+$0x10];
	(xrf1) =	vsort.ascd.msk.f32 $0xffff, v2, v2;
	v2 =	vmul.f32 $1.442695020e+00, v26  }
0x44: {  	(xrf1) =	vsort.ascd.msk.f32 $0xffff, v4, v4  }
0x45: {  	(erf) = vpow2.f32 v2;
	_ =	sdelay $0x1  }
0x46: {  	(xrf1) =	vsort.ascd.msk.f32 $0xffff, v7, v7;
	v2, _, _ =	vpop (xrf1)  }
0x47: {  	v25, _, _ =	vpop (xrf1);
	(xrf1) =	vsort.ascd.msk.f32 $0xffff, v6, v6  }
0x48: {  	v25 =	vperm.xlane v25, v0;
	_ =	sdelay $0x2  }
0x49: {  	v9 =	vperm.xlane v9, v0;
	v2 =	vmax.f32 v2, v25  }
0x4a: {  	s14 =	simm.s32 $0x140;
	(xrf1) =	vsort.ascd.msk.f32 $0xffff, v2, v2;
	v25, _, _ =	vpop (xrf1)  }
0x4b: {  	v31 =	vsub.f32 v1, v24;
	v26 =	vsub.f32 v19, v24;
	v2 =	vld [tilespmem:s14+$0x30];
	v27 =	vpop (erf)  }
0x4c: {  	v28 =	vbroadcast v8, $0x8;
	v30, _, _ =	vpop (xrf1);
	v27 =	vsel vm0, $0x0, v27  }
0x4d: {  	v29 =	vsub.f32 v18, v24;
	v8 =	vld [tilespmem:s14+$0x20];
	v26 =	vmul.f32 $1.442695020e+00, v26;
	v25 =	vmax.f32 v25, v9;
	v9, _, _ =	vpop (xrf1);
	(xrf2) =	vadd.scan.msk.f32 $0xffff, v27  }
0x4e: {  	v33 =	vbroadcast v30, $0xF;
	(xrf1) =	vsort.ascd.msk.f32 $0xffff, v25, v25;
	v27 =	vperm.xlane v9, v0;
	v9 =	vld [tilespmem:s14+$0x0];
	v32, _, _ =	vpop (xrf1)  }
0x4f: {  	vm1 =	vge.f32 v1, v28;
	v1 =	vld [tilespmem:s14+$0x10];
	v25 =	vmul.f32 $1.442695020e+00, v29;
	v29 =	vmul.f32 $1.442695020e+00, v31;
	v31, _, _ =	vpop (xrf1)  }
0x50: {  	(erf) = vpow2.f32 v26;
	(xrf1) =	vsort.ascd.msk.f32 $0xffff, v2, v2;
	v26 =	vmax.f32 v31, v27;
	v27 =	vsub.f32 v30, v33  }
0x51: {  	vm2 =	vge.f32 v23, v28;
	v23 =	vsub.f32 v23, v24;
	(erf) = vpow2.f32 v29;
	(xrf1) =	vsort.ascd.msk.f32 $0xffff, v26, v26  }
0x52: {  	vm3 =	vge.f32 v19, v28;
	(erf) = vpow2.f32 v25;
	v19, _, _ =	vpop (xrf1);
	v24 =	vmul.f32 $1.442695020e+00, v27;
	(xrf1) =	vsort.ascd.msk.f32 $0xffff, v8, v8  }
0x53: {  	vm4 =	vge.f32 v18, v28;
	vm1 =	vmmov vm1;
	vm5 =	vmmov vm2;
	v18, _, _ =	vpop (xrf1);
	(xrf1) =	vsort.ascd.msk.f32 $0xffff, v9, v9  }
0x54: {  	vm3 =	vmmov vm3;
	v18 =	vperm.xlane v18, v0;
	(xrf1) =	vsort.ascd.msk.f32 $0xffff, v1, v1;
	(erf) = vpow2.f32 v24  }
0x55: {  	vm4 =	vmmov vm4;
	v23 =	vmul.f32 $1.442695020e+00, v23;
	v25 =	vbroadcast v30, $0x8  }
0x56: {  	vm11 =	vmmov vm1;
	v26 =	vsub.f32 v14, v33;
	v18 =	vmax.f32 v19, v18  }
0x57: {  	vm10 =	vmmov vm5;
	vm2 =	vge.f32 v17, v25;
	v17 =	vsub.f32 v17, v33;
	(xrf1) =	vsort.ascd.msk.f32 $0xffff, v18, v18;
	v19, _, _ =	vpop (xrf2)  }
0x58: {  	vm7 =	vge.f32 v14, v25;
	v26 =	vmul.f32 $1.442695020e+00, v26;
	v14, _, _ =	vpop (xrf1);
	v28 =	vbroadcast v19, $0xF  }
0x59: {  	vm12 =	vmmov vm3;
	vm6 =	vge.f32 v15, v25;
	v15 =	vsub.f32 v15, v33;
	v18 =	vpop (erf)  }
0x5a: {  	v27 =	vperm.xlane v32, v0;
	v24 =	vsub.f32 v13, v33;
	(erf) = vpow2.f32 v26;
	v61 =	vpop (erf)  }
0x5b: {  	vm8 =	vge.f32 v13, v25;
	v25 =	vmul.f32 $1.442695020e+00, v17;
	(erf) = vrcp.f32 v28;
	v17 =	vpop (erf)  }
0x5c: {  	s15 =	simm.s32 $0x180;
	vm9 =	vmmov vm4;
	vm1 =	vmmov vm6;
	v24 =	vmul.f32 $1.442695020e+00, v24;
	v28, _, _ =	vpop (xrf1)  }
0x5d: {  	v13 =	vld [tilespmem:s15+$0x30];
	v26 =	vmax.f32 v14, v27;
	v19 =	vmul.f32 $1.442695020e+00, v15;
	(erf) = vpow2.f32 v23;
	v15 =	vpop (erf)  }
0x5e: {  	(erf) = vpow2.f32 v25;
	v29 =	vbroadcast v28, $0x8;
	v23, _, _ =	vpop (xrf1);
	v27 =	vsel vm0, $0x0, v15  }
0x5f: {  	vm3 =	vmmov vm7;
	v14 =	vld [tilespmem:s15+$0x20];
	(xrf1) =	vsort.ascd.msk.f32 $0xffff, v26, v26;
	v30 =	vbroadcast v28, $0xF;
	v23 =	vperm.xlane v23, v0;
	v31, _, _ =	vpop (xrf1)  }
0x60: {  	v15 =	vld [tilespmem:s15+$0x0];
	vm5 =	vge.f32 v22, v29;
	vm7 =	vge.f32 v21, v29;
	vm4 =	vge.f32 v20, v29;
	(xrf2) =	vadd.scan.msk.f32 $0xffff, v27;
	v62, _, _ =	vpop (xrf1)  }
0x61: {  	v28 =	vsub.f32 v28, v30;
	v63 =	vsub.f32 v16, v30;
	vm6 =	vge.f32 v16, v29;
	v16 =	vld [tilespmem:s15+$0x10];
	v27, _, _ =	vpop (xrf1)  }
0x62: {  	vm2 =	vmmov vm2;
	v25 =	vsub.f32 v22, v30;
	v26 =	vmax.f32 v62, v23;
	(xrf1) =	vsort.ascd.msk.f32 $0xffff, v13, v13;
	v34, _, _ =	vpop (xrf1)  }
0x63: {  	(erf) = vpow2.f32 v24;
	v29 =	vperm.xlane v31, v0;
	(xrf1) =	vsort.ascd.msk.f32 $0xffff, v26, v26;
	v26 =	vsub.f32 v20, v30;
	v20 =	vpop (erf)  }
0x64: {  	v23 =	vsub.f32 v21, v30;
	v28 =	vmul.f32 $1.442695020e+00, v28;
	(xrf1) =	vsort.ascd.msk.f32 $0xffff, v14, v14;
	v30 =	vperm.xlane v34, v0;
	v22 =	vpop (erf)  }
0x65: {  	s16 =	simm.s32 $0x700;
	vm8 =	vmmov vm8;
	v21 =	vmul.f32 $1.442695020e+00, v63;
	(xrf1) =	vsort.ascd.msk.f32 $0xffff, v15, v15;
	v24 =	vmul.f32 v22, v61;
	v31, _, _ =	vpop (xrf1)  }
.LBB2_2:
0x66: {  	(xrf1) =	vsort.ascd.msk.f32 $0xffff, v16, v16;
	v27 =	vmax.f32 v27, v30;
	(erf) = vpow2.f32 v28;
	v18 =	vmul.f32 v22, v18;
	v28 =	vpop (erf)  }
0x67: {  	p0 =	sne.s32 s16, $0x7F00;
	v32 =	vmovc v2;
	v2 =	vmovc v13;
	v30 =	vmov v10;
	v10 =	vmov v4;
	v4 =	vmov v8;
	s17 =	smov.u32 s16;
	s16 =	sadd.s32 $0x100, s16  }
0x68: {  	v17 =	vmul.f32 v22, v17;
	v29 =	vmax.f32 v31, v29;
	v33 =	vpop (erf);
	v13 =	vmul.f32 v22, v28  }
0x69: {  	v8 =	vmovc v14;
	v22 =	vmul.f32 $1.442695020e+00, v25;
	v24 =	vnsel vm11, $0x0, v24;
	v28 =	vmovc v12;
	v18 =	vnsel vm12, $0x0, v18  }
0x6a: {  	v14 =	vmul.f32 $1.442695020e+00, v23;
	(xrf1) =	vsort.ascd.msk.f32 $0xffff, v27, v27;
	v12, _, _ =	vpop (xrf2);
	v13 =	vnsel vm10, $0x0, v13;
	v27 =	vnsel vm9, $0x0, v17  }
0x6b: {  	v23 =	vmul.f32 $1.442695020e+00, v26;
	v25 =	vbroadcast v12, $0xF;
	[tilespmem:s13+$0x2030] =	vst v27;
	v12 =	vmovc v6;
	v6 =	vmovc v1;
	v1 =	vmov v16  }
0x6c: {  	v26 =	vmov v11;
	v11 =	vmov v7;
	v7 =	vmov v9;
	v17 =	vpop (erf);
	[tilespmem:s13+$0x2010] =	vst v13  }
0x6d: {  	v9 =	vmovc v15;
	vm11 =	vmmov vm2;
	vm2 =	vmmov vm5;
	(erf) = vpow2.f32 v23;
	[tilespmem:s13+$0x2020] =	vst v18;
	v18 =	vmovc v20  }
0x6e: {  	vm10 =	vmmov vm1;
	vm1 =	vmmov vm7;
	(erf) = vrcp.f32 v25;
	[tilespmem:s13+$0x2000] =	vst v24;
	s13 =	smov.u32 s10;
	s10 =	smov.u32 s9;
	s9 =	smov.u32 s11  }
0x6f: {  	s17 =	sshra.s32 s17, $0x2;
	vm12 =	vmmov vm3;
	vm3 =	vmmov vm4;
	vm9 =	vmmov vm8;
	s11 =	smov.u32 s12;
	s12 =	smov.u32 s14;
	v20, _, _ =	vpop (xrf1)  }
0x70: {  	s14 =	smov.u32 s15;
	s15 =	smov.u32 s17;
	v13 =	vld [tilespmem:s17+$0x30];
	v24 =	vbroadcast v20, $0x8;
	v15 =	vpop (erf);
	(erf) = vpow2.f32 v19;
	v19 =	vmov v14  }
0x71: {  	vm8 =	vmmov vm6;
	v14 =	vld [tilespmem:s15+$0x20];
	v23, _, _ =	vpop (xrf1);
	v15 =	vsel vm0, $0x0, v15;
	(erf) = vpow2.f32 v22  }
0x72: {  	v34 =	vbroadcast v20, $0xF;
	v16 =	vld [tilespmem:s15+$0x10];
	v22 =	vperm.xlane v23, v0;
	v31, _, _ =	vpop (xrf1);
	vm5 =	vge.f32 v26, v24;
	(xrf2) =	vadd.scan.msk.f32 $0xffff, v15  }
0x73: {  	vm7 =	vge.f32 v28, v24;
	vm4 =	vge.f32 v30, v24;
	v15 =	vld [tilespmem:s15+$0x0];
	v23, _, _ =	vpop (xrf1);
	(xrf1) =	vsort.ascd.msk.f32 $0xffff, v29, v29  }
.Ltmp0:
0x74: {  	v36 =	vsub.f32 v20, v34;
	v29 =	vsub.f32 v5, v34;
	v22 =	vmax.f32 v23, v22;
	v27, _, _ =	vpop (xrf1);
	(pc) =	sbr.rel @p0 .LBB2_2-.Ltmp0, $4  }
0x75: {  	v25 =	vsub.f32 v26, v34;
	v23 =	vsub.f32 v28, v34;
	(xrf1) =	vsort.ascd.msk.f32 $0xffff, v13, v13;
	v35, _, _ =	vpop (xrf1);
	(erf) = vpow2.f32 v21  }
0x76: {  	v26 =	vsub.f32 v30, v34;
	v28 =	vmul.f32 $1.442695020e+00, v36;
	v21 =	vmul.f32 $1.442695020e+00, v29;
	(xrf1) =	vsort.ascd.msk.f32 $0xffff, v22, v22;
	v20 =	vpop (erf)  }
0x77: {  	vm6 =	vge.f32 v5, v24;
	v5 =	vmov v3;
	v30 =	vperm.xlane v35, v0;
	(xrf1) =	vsort.ascd.msk.f32 $0xffff, v14, v14;
	v22 =	vpop (erf)  }
0x78: {  	v3 =	vmov v32;
	v29 =	vperm.xlane v31, v0;
	(xrf1) =	vsort.ascd.msk.f32 $0xffff, v15, v15;
	v31, _, _ =	vpop (xrf1);
	v24 =	vmul.f32 v22, v33  }
0x79: {  	(erf) = vpow2.f32 v28;
	(xrf1) =	vsort.ascd.msk.f32 $0xffff, v16, v16;
	_ =	sdelay $0x3  }
0x7a: {  	v27 =	vmax.f32 v27, v30;
	v28 =	vpop (erf)  }
0x7b: {  	(xrf1) =	vsort.ascd.msk.f32 $0xffff, v27, v27;
	v62 =	vmax.f32 v31, v29;
	v63 =	vpop (erf)  }
0x7c: {  	(xrf1) =	vsort.ascd.msk.f32 $0xffff, v62, v62;
	v32, _, _ =	vpop (xrf2)  }
0x7d: {  	v30 =	vpop (erf)  }
0x7e: {  	v42, _, _ =	vpop (xrf1)  }
0x7f: {  	v41 =	vpop (erf)  }
0x80: {  	v26 =	vmul.f32 $1.442695020e+00, v26;
	v27 =	vsel vm0, $0x0, v41;
	v43, _, _ =	vpop (xrf1)  }
0x81: {  	v32 =	vbroadcast v32, $0xF;
	(xrf2) =	vadd.scan.msk.f32 $0xffff, v27;
	v33, _, _ =	vpop (xrf1)  }
0x82: {  	(erf) = vpow2.f32 v26;
	v44 =	vbroadcast v42, $0xF;
	v34, _, _ =	vpop (xrf1)  }
0x83: {  	(erf) = vrcp.f32 v32;
	v27 =	vperm.xlane v43, v0;
	v35, _, _ =	vpop (xrf1)  }
0x84: {  	v25 =	vmul.f32 $1.442695020e+00, v25;
	(erf) = vpow2.f32 v19;
	v45, _, _ =	vpop (xrf1)  }
0x85: {  	v46 =	vsub.f32 v42, v44;
	v27 =	vmax.f32 v34, v27;
	v47 =	vperm.xlane v45, v0  }
0x86: {  	(erf) = vpow2.f32 v25;
	(xrf1) =	vsort.ascd.msk.f32 $0xffff, v27, v27  }
0x87: {  	v48 =	vsub.f32 v10, v44;
	v19 =	vmul.f32 $1.442695020e+00, v46;
	v27 =	vmax.f32 v35, v47  }
0x88: {  	(erf) = vpow2.f32 v21;
	(xrf1) =	vsort.ascd.msk.f32 $0xffff, v27, v27  }
0x89: {  	v25 =	vmul.f32 $1.442695020e+00, v48;
	v49, _, _ =	vpop (xrf1);
	(erf) = vpow2.f32 v19  }
0x8a: {  	v32, _, _ =	vpop (xrf1)  }
0x8b: {  	v52 =	vsub.f32 v11, v44;
	v33 =	vperm.xlane v33, v0;
	(erf) = vpow2.f32 v25;
	v50, _, _ =	vpop (xrf2)  }
0x8c: {  	v53 =	vbroadcast v32, $0xF;
	v19 =	vbroadcast v50, $0xF  }
0x8d: {  	v23 =	vmul.f32 $1.442695020e+00, v23;
	v51 =	vsub.f32 v5, v44;
	v34 =	vmul.f32 $1.442695020e+00, v52;
	v27 =	vpop (erf)  }
0x8e: {  	v58 =	vmax.f32 v49, v33;
	v55 =	vsub.f32 v32, v53;
	v36 =	vpop (erf);
	(erf) = vrcp.f32 v19  }
0x8f: {  	v54 =	vmul.f32 $1.442695020e+00, v51;
	(xrf1) =	vsort.ascd.msk.f32 $0xffff, v58, v58;
	v56 =	vpop (erf);
	(erf) = vpow2.f32 v23  }
0x90: {  	v57 =	vmul.f32 $1.442695020e+00, v55;
	v35 =	vpop (erf);
	(erf) = vpow2.f32 v34  }
0x91: {  	v33 =	vpop (erf);
	(erf) = vpow2.f32 v54  }
0x92: {  	v59 =	vpop (erf);
	(erf) = vpow2.f32 v57  }
0x93: {  	v21 =	vsel vm0, $0x0, v59  }
0x94: {  	(xrf2) =	vadd.scan.msk.f32 $0xffff, v21;
	v60, _, _ =	vpop (xrf1)  }
0x95: {  	v19 =	vpop (erf);
	v34 =	vperm.xlane v60, v0  }
0x96: {  	v61, _, _ =	vpop (xrf1)  }
0x97: {  	v37 =	vpop (erf);
	v34 =	vmax.f32 v61, v34  }
0x98: {  	v38 =	vpop (erf);
	(xrf1) =	vsort.ascd.msk.f32 $0xffff, v34, v34  }
0x99: {  	v39 =	vpop (erf)  }
0x9a: {  	v18 =	vmul.f32 v22, v18;
	v17 =	vmul.f32 v22, v17;
	vm2 =	vmmov vm2;
	v21 =	vpop (erf)  }
0x9b: {  	v28 =	vmul.f32 v22, v28;
	v31 =	vbroadcast v42, $0x8;
	v44 =	vsub.f32 v12, v44;
	v62 =	vpop (erf)  }
0x9c: {  	v22 =	vnsel vm11, $0x0, v24;
	v40 =	vsub.f32 v4, v53;
	v34 =	vsel vm0, $0x0, v62  }
0x9d: {  	v24 =	vnsel vm10, $0x0, v28;
	vm11 =	vge.f32 v12, v31;
	v12 =	vmul.f32 $1.442695020e+00, v44;
	v46, _, _ =	vpop (xrf1);
	(xrf2) =	vadd.scan.msk.f32 $0xffff, v34  }
0x9e: {  	v47 =	vsub.f32 v7, v53;
	v28 =	vmul.f32 $1.442695020e+00, v40;
	v43, _, _ =	vpop (xrf2);
	v34 =	vbroadcast v46, $0xF  }
0x9f: {  	v48 =	vsub.f32 v3, v53;
	v45 =	vmul.f32 v36, v30;
	v23 =	vbroadcast v43, $0xF  }
0xa0: {  	v30 =	vmul.f32 $1.442695020e+00, v47;
	(erf) = vpow2.f32 v28;
	v50 =	vsub.f32 v8, v34  }
0xa1: {  	v28 =	vmul.f32 $1.442695020e+00, v48;
	(erf) = vrcp.f32 v23;
	v49 =	vsub.f32 v46, v34  }
0xa2: {  	vm13 =	vmmov vm3;
	(erf) = vpow2.f32 v12;
	v12 =	vmul.f32 $1.442695020e+00, v50  }
0xa3: {  	vm4 =	vmmov vm4;
	(erf) = vpow2.f32 v30;
	v23 =	vmul.f32 $1.442695020e+00, v49  }
0xa4: {  	vm1 =	vmmov vm1;
	vm15 =	vmmov vm4;
	(erf) = vpow2.f32 v28  }
0xa5: {  	v18 =	vnsel vm12, $0x0, v18;
	v25 =	vsub.f32 v6, v53;
	(erf) = vpow2.f32 v23  }
0xa6: {  	v17 =	vnsel vm9, $0x0, v17;
	vm12 =	vge.f32 v11, v31;
	(erf) = vpow2.f32 v12;
	v12, _, _ =	vpop (xrf1)  }
0xa7: {  	vm9 =	vge.f32 v5, v31;
	v53 =	vmul.f32 $1.442695020e+00, v25;
	v63 =	vmul.f32 v36, v63;
	v51, _, _ =	vpop (xrf2)  }
0xa8: {  	v54 =	vsub.f32 v9, v34;
	v5 =	vbroadcast v12, $0xF;
	v52 =	vbroadcast v51, $0xF  }
0xa9: {  	v42 =	vmul.f32 v36, v56;
	v56 =	vbroadcast v32, $0x8;
	v55 =	vsub.f32 v2, v34  }
0xaa: {  	v25 =	vmul.f32 $1.442695020e+00, v54;
	v57 =	vsub.f32 v12, v5;
	(erf) = vrcp.f32 v52  }
0xab: {  	vm10 =	vge.f32 v10, v31;
	v28 =	vmul.f32 $1.442695020e+00, v55;
	(erf) = vpow2.f32 v53  }
0xac: {  	vm3 =	vge.f32 v7, v56;
	v7 =	vpop (erf);
	v23 =	vmul.f32 $1.442695020e+00, v57;
	(erf) = vpow2.f32 v25  }
0xad: {  	vm10 =	vmmov vm10;
	v41 =	vmul.f32 v36, v20;
	v58 =	vpop (erf);
	(erf) = vpow2.f32 v28  }
0xae: {  	vm10 =	vmmov vm10;
	v11 =	vnsel vm2, $0x0, v63;
	v59 =	vpop (erf);
	(erf) = vpow2.f32 v23  }
0xaf: {  	v10 =	vnsel vm13, $0x0, v41;
	vm2 =	vmmov vm8;
	v20 =	vnsel vm1, $0x0, v42;
	v60 =	vpop (erf)  }
0xb0: {  	vm8 =	vge.f32 v6, v56;
	vm13 =	vge.f32 v3, v56;
	vm1 =	vmmov vm5;
	v3 =	vpop (erf)  }
0xb1: {  	vm14 =	vge.f32 v4, v56;
	vm5 =	vmmov vm6;
	vm1 =	vmmov vm1;
	v36 =	vpop (erf)  }
0xb2: {  	vm5 =	vmmov vm5;
	vm3 =	vmmov vm3;
	v41 =	vpop (erf);
	v43 =	vsel vm0, $0x0, v36  }
0xb3: {  	vm14 =	vmmov vm14;
	v61 =	vnsel vm2, $0x0, v45;
	v63 =	vbroadcast v46, $0x8;
	(xrf2) =	vadd.scan.msk.f32 $0xffff, v43;
	v42 =	vpop (erf)  }
0xb4: {  	vm2 =	vmmov vm7;
	v27 =	vmul.f32 v37, v27;
	v38 =	vmul.f32 v37, v38;
	v44 =	vpop (erf)  }
0xb5: {  	v40 =	vmul.f32 v37, v33;
	vm2 =	vmmov vm2;
	vm4 =	vge.f32 v9, v63;
	v45 =	vpop (erf)  }
0xb6: {  	v27 =	vnsel vm15, $0x0, v27;
	v30 =	vnsel vm2, $0x0, v38;
	vm2 =	vge.f32 v2, v63;
	v2 =	vpop (erf)  }
0xb7: {  	vm15 =	vmmov vm12;
	vm12 =	vmmov vm11;
	v31 =	vnsel vm5, $0x0, v40;
	v46 =	vpop (erf)  }
0xb8: {  	vm5 =	vge.f32 v1, v63;
	vm11 =	vmmov vm9;
	v28 =	vsel vm0, $0x0, v46  }
0xb9: {  	vm9 =	vmmov vm8;
	vm8 =	vmmov vm14;
	v1 =	vsub.f32 v1, v34;
	(xrf2) =	vadd.scan.msk.f32 $0xffff, v28  }
0xba: {  	[tilespmem:s13+$0x2000] =	vst v22;
	vm6 =	vmmov vm15;
	vm12 =	vmmov vm12;
	vm11 =	vmmov vm11  }
0xbb: {  	[tilespmem:s13+$0x2030] =	vst v17;
	v62 =	vmul.f32 v37, v35;
	v1 =	vmul.f32 $1.442695020e+00, v1;
	v49 =	vsub.f32 v14, v5  }
0xbc: {  	[tilespmem:s13+$0x2020] =	vst v18;
	vm15 =	vmmov vm13;
	v55 =	vbroadcast v12, $0x8;
	v47 =	vmul.f32 v58, v39  }
0xbd: {  	[tilespmem:s13+$0x2010] =	vst v24;
	v26 =	vnsel vm1, $0x0, v62;
	v19 =	vmul.f32 v58, v19;
	v52 =	vmul.f32 $1.442695020e+00, v49;
	v50, _, _ =	vpop (xrf2)  }
0xbe: {  	[tilespmem:s10+$0x2020] =	vst v10;
	vm1 =	vge.f32 v8, v63;
	v48 =	vmul.f32 v58, v21;
	v54 =	vbroadcast v50, $0xF  }
0xbf: {  	[tilespmem:s10+$0x2000] =	vst v11;
	v6 =	vmul.f32 v58, v59;
	v56 =	vsub.f32 v13, v5;
	(erf) = vpow2.f32 v52  }
0xc0: {  	[tilespmem:s10+$0x2010] =	vst v20;
	v17 =	vnsel vm6, $0x0, v47;
	v53 =	vsub.f32 v15, v5;
	(erf) = vrcp.f32 v54  }
0xc1: {  	[tilespmem:s10+$0x2030] =	vst v61;
	v19 =	vnsel vm10, $0x0, v19;
	v5 =	vsub.f32 v16, v5;
	(erf) = vpow2.f32 v1  }
0xc2: {  	[tilespmem:s9+$0x2030] =	vst v31;
	v51 =	vnsel vm11, $0x0, v48;
	vm6 =	vmmov vm3;
	v57 =	vmul.f32 $1.442695020e+00, v53  }
0xc3: {  	[tilespmem:s9+$0x2020] =	vst v27;
	vm3 =	vmmov vm4;
	v12 =	vmul.f32 $1.442695020e+00, v56;
	v5 =	vmul.f32 $1.442695020e+00, v5;
	v1, _, _ =	vpop (xrf2)  }
0xc4: {  	[tilespmem:s9+$0x2000] =	vst v26;
	vm4 =	vmmov vm9;
	(erf) = vpow2.f32 v57;
	v1 =	vbroadcast v1, $0xF  }
0xc5: {  	[tilespmem:s9+$0x2010] =	vst v30;
	vm9 =	vmmov vm5;
	v3 =	vmul.f32 v42, v3;
	(erf) = vpow2.f32 v12  }
0xc6: {  	vm5 =	vmmov vm1;
	vm1 =	vmmov vm15;
	[tilespmem:s11+$0x2030] =	vst v51;
	(erf) = vrcp.f32 v1  }
0xc7: {  	vm2 =	vmmov vm2;
	[tilespmem:s11+$0x2020] =	vst v19;
	v3 =	vnsel vm1, $0x0, v3;
	(erf) = vpow2.f32 v5  }
0xc8: {  	vm2 =	vmmov vm2;
	v6 =	vnsel vm12, $0x0, v6;
	[tilespmem:s11+$0x2000] =	vst v17;
	v1 =	vmul.f32 v42, v60;
	v60 =	vpop (erf)  }
0xc9: {  	vm7 =	vge.f32 v15, v55;
	vm10 =	vge.f32 v16, v55;
	[tilespmem:s11+$0x2010] =	vst v6;
	v58 =	vmul.f32 v42, v7;
	v61 =	vpop (erf)  }
0xca: {  	vm11 =	vge.f32 v14, v55;
	v59 =	vmul.f32 v42, v44;
	[tilespmem:s12+$0x2030] =	vst v3;
	v3 =	vpop (erf);
	v2 =	vmul.f32 v61, v2  }
0xcb: {  	vm12 =	vge.f32 v13, v55;
	v4 =	vnsel vm8, $0x0, v58;
	v3 =	vmul.f32 v61, v3  }
0xcc: {  	vm9 =	vmmov vm9;
	[tilespmem:s12+$0x2020] =	vst v4;
	v5 =	vnsel vm4, $0x0, v59;
	v2 =	vnsel vm2, $0x0, v2  }
0xcd: {  	vm3 =	vmmov vm3;
	v1 =	vnsel vm6, $0x0, v1;
	[tilespmem:s12+$0x2010] =	vst v5;
	v62 =	vpop (erf);
	v3 =	vnsel vm9, $0x0, v3  }
0xce: {  	vm13 =	vmmov vm10;
	vm5 =	vmmov vm5;
	[tilespmem:s12+$0x2000] =	vst v1;
	v1 =	vmul.f32 v61, v41;
	v63 =	vpop (erf)  }
0xcf: {  	vm14 =	vmmov vm12;
	vm15 =	vmmov vm13;
	v7 =	vmul.f32 v61, v45;
	[tilespmem:s14+$0x2030] =	vst v2;
	v2 =	vpop (erf)  }
0xd0: {  	vm1 =	vmmov vm7;
	v1 =	vnsel vm5, $0x0, v1;
	[tilespmem:s14+$0x2010] =	vst v3;
	v3 =	vpop (erf);
	v5 =	vmul.f32 v2, v63  }
0xd1: {  	v7 =	vnsel vm3, $0x0, v7;
	vm3 =	vmmov vm14;
	[tilespmem:s14+$0x2020] =	vst v1;
	v1 =	vmul.f32 v2, v3  }
0xd2: {  	vm2 =	vmmov vm11;
	[tilespmem:s14+$0x2000] =	vst v7;
	v3 =	vmul.f32 v2, v60;
	v5 =	vnsel vm3, $0x0, v5  }
0xd3: {  	vm2 =	vmmov vm2;
	v2 =	vmul.f32 v2, v62;
	v1 =	vnsel vm15, $0x0, v1;
	[tilespmem:s15+$0x2030] =	vst v5  }
0xd4: {  	s8 =	sadd.s32 $0x1, s8;
	vm1 =	vmmov vm1;
	v3 =	vnsel vm2, $0x0, v3;
	[tilespmem:s15+$0x2010] =	vst v1  }
0xd5: {  	p0 =	sne.s32 s8, s5;
	v1 =	vnsel vm1, $0x0, v2;
	[tilespmem:s15+$0x2020] =	vst v3  }
.Ltmp1:
0xd6: {  	[tilespmem:s15+$0x2000] =	vst v1;
	(pc) =	sbr.rel @p0 .LBB2_1-.Ltmp1, $4  }
0xd7: {  	[hbm4b:s4+s2] =	stream.linear.scatter [tilespmem:s7], [sflag:$0x1], $0x2000, $0x38;
	[tilespmem:$0x4000] =	vst v63  }
0xd8: {  	_ =	swait.ge [sflag:s6], $0x2000  }
0xd9: {  	[sflag:s6] =	ssyncset.done $0x0  }
0xda: {  	[sflag:s6] =	ssyncadd.s32 $0xFFFFE000  }
0xdb: {  	_ =	sfence.sel $0x180000  }
0xdc: {  	[bflag:$0x0] =	sbarrier.arrive $0xFFFF  }
0xdd: {  	p0 =	sne.s32 s1, $0x0;
	_ =	strace $0x9000004A  }
0xde: {  	s0 =	sadd.s32 @!p0 $0x100000, s0;
	[bflag:$0x2] =	sbarrier.arrive $0xFFFF  }
0xdf: {  	[sflag:s0] =	ssyncadd.tile.s32 @!p0 $0x1;
	_ =	shalt  }
.Lfunc_end2:
_tile_overlayer_lowered:
.L_overlay_start_2:
0xe0: {  	(tag) =	ssettag $0x2  }
0xe1: {  	s0 =	rddreg [dreg:$0x0];
	s2 =	stileid.u32  }
0xe2: {  	s1 =	rddreg [dreg:$0x1];
	p0 =	sne.s32 s2, $0x0  }
0xe3: {  	s3 =	rddreg [dreg:$0x2];
	[bflag:$0x3] =	sbarrier.arrive $0xFFFF;
	s2 =	simm.s32 @!p0 $0x1C01  }
0xe4: {  	[timem:s3], [sflag:s2] =	dma.local @!p0 [hbm:s0], s1  }
0xe5: {  	s0 =	simm.s32 @!p0 $0x1  }
0xe6: {  	_ =	swait.ge @!p0 [sflag:s0], s1  }
0xe7: {  	s1 =	ssub.s32 @!p0 $0x0, s1;
	[sflag:s0] =	ssyncset.done @!p0 $0x0  }
0xe8: {  	[sflag:s0] =	ssyncadd.s32 @!p0 s1  }
0xe9: {  	[bflag:$0x3] =	sbarrier.arrive $0xFFFF  }
0xea: {  	_ =	shalt  }

// kernel: kernel.19.cloned.1.call-start
scs
__scs_entry_jumppad:
0x0: {  	(pc) =	sbr.rel $0x88, $3  }
0x1: {  	(tag) =	ssettag $0x0;
	lr =	simm.s32 $0x1  }
0x2: {  	[smem:$0x3F9E] =	sst lr;
	_ =	strace $0xD0000000  }
0x3: {  	_ = 	snop  }
0x4: {  	_ = 	snop  }
0x5: {  	_ = 	snop  }
0x6: {  	_ = 	snop  }
0x7: {  	_ = 	snop  }
__scs_overlays_trampoline_lowered:
0x8: {  	[smem:$0x3FAD] =	sst s0  }
0x9: {  	[smem:$0x3FAE] =	sst s1  }
0xa: {  	[smem:$0x3FAF] =	sst s2  }
0xb: {  	[smem:$0x3FB0] =	sst s3  }
0xc: {  	[smem:$0x3FB1] =	sst s4  }
0xd: {  	[smem:$0x3FB2] =	sst s5  }
0xe: {  	[smem:$0x3FB3] =	sst s6  }
0xf: {  	[smem:$0x3FB4] =	sst s7  }
0x10: {  	[smem:$0x3FB5] =	sst s8  }
0x11: {  	[smem:$0x3FB6] =	sst s9;
	s0 =	simm.s32 @!p0 $0x0  }
0x12: {  	s1 =	sld [smem:$0x3F9C];
	s0 =	simm.s32 @p0 $0x1  }
0x13: {  	[smem:$0x3FB7] =	sst s0;
	s0 =	simm.s32 @!p1 $0x0  }
0x14: {  	s2 =	sld [smem:$0x3F9B];
	s0 =	simm.s32 @p1 $0x1  }
0x15: {  	[smem:$0x3FB8] =	sst s0;
	s0 =	simm.s32 @!p2 $0x0  }
0x16: {  	s3 =	sld [smem:$0x3FDB];
	s0 =	simm.s32 @p2 $0x1  }
0x17: {  	s4 =	simm.s32 $0x1BF5;
	[smem:$0x3FBA] =	sst s0  }
0x18: {  	s0 =	sld [smem:$0x3F9D];
	_ =	swait.ge [sflag:s4], $0x0  }
0x19: {  	s7 =	sld [smem:$0x3F9E]  }
0x1a: {  	s8 =	sadd.s32 $0xFFFFE003, lr  }
0x1b: {  	s9 =	sadd.s32 $0xFFFFFEF7, lr;
	s5 =	simm.s32 $0xFFFFFFFF;
	p2 =	slt.u32 s8, $0xFFFFF086  }
0x1c: {  	p1 =	slt.u32 s9, $0xF7A;
	s5 =	simm.s32 @!p2 $0x0  }
0x1d: {  	s5 =	simm.s32 @p1 $0x1;
	p0 =	seq.s32 s7, s2  }
0x1e: {  	s7 =	smul.u32 @!p0 $0xF7A, s2;
	p2 =	seq.s32 @!p0 s5, $0x0  }
0x1f: {  	s9 =	smul.u32 $0xF7A, s1;
	s8 =	simm.s32 @!p0 $0x1BF5;
	p2 =	por !p2, p0  }
0x20: {  	[sflag:s8] =	ssyncset.s32 @!p0 $0xFFFFF086;
	s6 =	sadd.s32 @!p0 s3, s7;
	s7 =	simm.s32 @!p0 $0x108  }
0x21: {  	s3 =	sadd.s32 s3, s9;
	s6 =	sadd.s32 @!p0 $0x88, s6;
	s7 =	simm.s32 @p2 $0x1082  }
0x22: {  	[simem:s7], [sflag:s8] =	dma.local @!p0 [hbm:s6], $0xF7A  }
0x23: {  	s9 =	sor.u32 $0xD0000000, s2;
	s6 =	simm.s32 $0x108;
	_ =	swait.ge @!p0 [sflag:s8], $0x0  }
0x24: {  	s3 =	sadd.s32 $0x88, s3;
	s6 =	simm.s32 @!p1 $0x1082;
	[sflag:s4] =	ssyncset.s32 $0xFFFFF086  }
0x25: {  	[simem:s6], [sflag:s4] =	dma.local [hbm:s3], $0xF7A  }
0x26: {  	[smem:$0x3F9E] =	sst s1;
	(tag) =	ssettag s2;
	_ =	strace s9  }
0x27: {  	s1 =	sld [smem:$0x3FAE]  }
0x28: {  	s2 =	sld [smem:$0x3FAF]  }
0x29: {  	s4 =	sld [smem:$0x3FB1]  }
0x2a: {  	p0 =	seq.s32 s5, $0x0;
	s5 =	sld [smem:$0x3FB2]  }
0x2b: {  	s6 =	sld [smem:$0x3FB3]  }
0x2c: {  	s7 =	sld [smem:$0x3FB4]  }
0x2d: {  	s3 =	simm.s32 $0x108;
	s8 =	sld [smem:$0x3FB5]  }
0x2e: {  	s3 =	simm.s32 @!p0 $0x1082;
	s9 =	sld [smem:$0x3FB6]  }
0x2f: {  	lr =	sadd.s32 s0, s3;
	s0 =	sld [smem:$0x3FAD]  }
0x30: {  	s3 =	sld [smem:$0x3FB0]  }
0x31: {  	[smem:$0x3FB9] =	sst s10  }
0x32: {  	s10 =	sld [smem:$0x3FB7];
	_ =	sdelay $0x3  }
0x33: {  	p0 =	seq.s32 s10, $0x1;
	s10 =	sld [smem:$0x3FB9];
	_ =	sdelay $0x3  }
0x34: {  	[smem:$0x3FB9] =	sst s10  }
0x35: {  	s10 =	sld [smem:$0x3FB8];
	_ =	sdelay $0x3  }
0x36: {  	p1 =	seq.s32 s10, $0x1;
	s10 =	sld [smem:$0x3FB9];
	_ =	sdelay $0x3  }
0x37: {  	[smem:$0x3FB9] =	sst s10  }
0x38: {  	s10 =	sld [smem:$0x3FBA]  }
0x39: {  	_ = 	snop;
	(pc) =	sbr.ind lr, $3  }
0x3a: {  	_ = 	snop  }
0x3b: {  	_ = 	snop  }
0x3c: {  	p2 =	seq.s32 s10, $0x1;
	s10 =	sld [smem:$0x3FB9]  }
0x3d: {  	_ =	shalt  }
0x3e: {  	_ =	shalt  }
0x3f: {  	_ =	shalt  }
0x40: {  	_ =	shalt  }
0x41: {  	_ =	shalt  }
0x42: {  	_ =	shalt  }
0x43: {  	_ =	shalt  }
0x44: {  	_ =	shalt  }
0x45: {  	_ =	shalt  }
0x46: {  	_ =	shalt  }
0x47: {  	_ =	shalt  }
0x48: {  	_ =	shalt  }
0x49: {  	_ =	shalt  }
0x4a: {  	_ =	shalt  }
0x4b: {  	_ =	shalt  }
0x4c: {  	_ =	shalt  }
0x4d: {  	_ =	shalt  }
0x4e: {  	_ =	shalt  }
0x4f: {  	_ =	shalt  }
0x50: {  	_ =	shalt  }
0x51: {  	_ =	shalt  }
0x52: {  	_ =	shalt  }
0x53: {  	_ =	shalt  }
0x54: {  	_ =	shalt  }
0x55: {  	_ =	shalt  }
0x56: {  	_ =	shalt  }
0x57: {  	_ =	shalt  }
0x58: {  	_ =	shalt  }
0x59: {  	_ =	shalt  }
0x5a: {  	_ =	shalt  }
0x5b: {  	_ =	shalt  }
0x5c: {  	_ =	shalt  }
0x5d: {  	_ =	shalt  }
0x5e: {  	_ =	shalt  }
0x5f: {  	_ =	shalt  }
0x60: {  	_ =	shalt  }
0x61: {  	_ =	shalt  }
0x62: {  	_ =	shalt  }
0x63: {  	_ =	shalt  }
0x64: {  	_ =	shalt  }
0x65: {  	_ =	shalt  }
0x66: {  	_ =	shalt  }
0x67: {  	_ =	shalt  }
0x68: {  	_ =	shalt  }
0x69: {  	_ =	shalt  }
0x6a: {  	_ =	shalt  }
0x6b: {  	_ =	shalt  }
0x6c: {  	_ =	shalt  }
0x6d: {  	_ =	shalt  }
0x6e: {  	_ =	shalt  }
0x6f: {  	_ =	shalt  }
0x70: {  	_ =	shalt  }
0x71: {  	_ =	shalt  }
0x72: {  	_ =	shalt  }
0x73: {  	_ =	shalt  }
0x74: {  	_ =	shalt  }
0x75: {  	_ =	shalt  }
0x76: {  	_ =	shalt  }
0x77: {  	_ =	shalt  }
0x78: {  	_ =	shalt  }
0x79: {  	_ =	shalt  }
0x7a: {  	_ =	shalt  }
0x7b: {  	_ =	shalt  }
0x7c: {  	_ =	shalt  }
0x7d: {  	_ =	shalt  }
0x7e: {  	_ =	shalt  }
0x7f: {  	_ =	shalt  }
0x80: {  	_ =	shalt  }
0x81: {  	_ =	shalt  }
0x82: {  	_ =	shalt  }
0x83: {  	_ =	shalt  }
0x84: {  	_ =	shalt  }
0x85: {  	_ =	shalt  }
0x86: {  	_ =	shalt  }
0x87: {  	_ =	shalt  }
.Lfunc_end0:
.L_simem_size_0:
called_computation.3_lowered:
.L_overlay_start_0:
0x88: {  	s2 =	sld [smem:$0x3FD9]  }
0x89: {  	s3 =	sld [smem:$0x3FFE];
	_ =	sdelay $0x1  }
0x8a: {  	s1 =	srdreg.scid  }
0x8b: {  	s0 =	sand.u32 $0x1, s1  }
0x8c: {  	s16 =	sshll.u32 s0, $0xA;
	s2 =	sadd.s32 s3, s2  }
0x8d: {  	s2 =	sadd.s32 s2, s16  }
0x8e: {  	[smem:$0x3FC5] =	sst s2  }
0x8f: {  	_ = 	snop  }
0x90: {  	(tm) =	ssettm $0x1  }
0x91: {  	s17 =	sld [smem:$0x3FFB];
	_ =	sdelay $0x3  }
0x92: {  	_ =	strace s17  }
0x93: {  	s2 =	sld [smem:$0x3FFC];
	_ =	sdelay $0x3  }
0x94: {  	_ =	strace s2  }
0x95: {  	s2 =	sld [smem:$0x3FFD];
	_ =	sdelay $0x3  }
0x96: {  	_ =	strace s2  }
0x97: {  	_ =	strace $0x8FFFFFFF  }
0x98: {  	s18 =	sld [smem:$0x3FDB];
	_ =	sdelay $0x1  }
0x99: {  	s19 =	simm.s32 $_scs_section_size  }
0x9a: {  	s4 =	simm.s32 $_size__tile_overlayer_lowered;
	s5 =	simm.s32 $_tile_overlayer_lowered  }
0x9b: {  	s22 =	simm.s32 $0x1BFF;
	s21 =	sshll.u32 s5, $0x1;
	s2 =	sadd.s32 s19, s18  }
0x9c: {  	s6 =	simm.s32 $0x0;
	s20 =	sshll.u32 s4, $0x1;
	s4 =	sadd.s32 s21, s2  }
0x9d: {  	[timem:s6], [sflag:s22] =	dma.local [hbm:s4], s20  }
0x9e: {  	_ =	swait.ge [sflag:s22], s20  }
0x9f: {  	s3 =	ssub.s32 $0x0, s20;
	[sflag:s22] =	ssyncset.done $0x0  }
0xa0: {  	[sflag:s22] =	ssyncadd.s32 s3;
	_ =	sdelay $0x1  }
0xa1: {  	s23 =	simm.s32 $0x1B8B  }
0xa2: {  	_ =	swait.ge [sflag:s23], $0x1  }
0xa3: {  	[sflag:s23] =	ssyncset.done $0x0  }
0xa4: {  	s25 =	simm.s32 $0x1B8E;
	s24 =	sld [smem:$0x3FFE];
	[sflag:s23] =	ssyncadd.s32 $0xFFFFFFFF  }
0xa5: {  	s26 =	simm.s32 $execute0_lowered;
	[smem:$0x3FD2] =	sst s25  }
0xa6: {  	s4 =	sshll.u32 s26, $0x1;
	_ =	strace $0x80000046;
	[dreg:$0x1] =	wrdreg $0xFFFFFFFF  }
0xa7: {  	s28 =	simm.s32 $_size_execute0_lowered;
	s2 =	sadd.s32 s2, s4;
	[dreg:$0x0] =	wrdreg $0x0  }
0xa8: {  	s4 =	sshll.u32 s28, $0x1;
	[dreg:$0x2] =	wrdreg s2  }
0xa9: {  	[dreg:$0x3] =	wrdreg s4  }
0xaa: {  	[dreg:$0x4] =	wrdreg $0xC0  }
0xab: {  	_ =	task [dreg:s6], $0x5FFFF  }
0xac: {  	[dreg:$0x1] =	wrdreg $0xFFFFFFFF  }
0xad: {  	[dreg:$0x0] =	wrdreg $0x60  }
0xae: {  	[dreg:$0x2] =	wrdreg s24  }
0xaf: {  	[dreg:$0x3] =	wrdreg $0xC  }
0xb0: {  	_ =	task.clear_ibuf [dreg:s6], $0x4FFFF;
	_ =	strace $0x90000046  }
0xb1: {  	s29 =	simm.s32 $0xC;
	_ =	strace $0x80000048  }
0xb2: {  	_ =	swait.ge [sflag:s29], $0x1  }
0xb3: {  	[sflag:s29] =	ssyncadd.s32 $0xFFFFFFFF  }
0xb4: {  	_ =	strace $0x90000048  }
0xb5: {  	_ =	sfence  }
0xb6: {  	s30 =	sld [smem:$0x0];
	_ =	sdelay $0x2  }
0xb7: {  	s31 =	sshll.u32 s1, $0xD;
	s1 =	sshrl.u32 s1, $0x2  }
0xb8: {  	s3 =	sand.u32 $0x4000, s31;
	s1 =	sadd.s32 s1, s30  }
0xb9: {  	s0 =	sor.u32 s3, s0;
	s1 =	sshll.u32 s1, $0x11  }
0xba: {  	s0 =	sor.u32 s1, s0  }
0xbb: {  	s0 =	sadd.s32 $0x8F2B, s0  }
0xbc: {  	[sflag:s0] =	ssyncadd.remote.s32 $0x1  }
0xbd: {  	_ =	sfence.sel $0xFFFF  }
0xbe: {  	[dreg:$0x0] =	wrdreg $0xFFFFFFFF;
	(pc) =	sbr.abs _section_cstart, $3  }
0xbf: {  	[dreg:$0x1] =	wrdreg $0xFFFFFFFF  }
0xc0: {  	_ =	task.clear_ibuf [dreg:s6], $0x2FFFF;
	_ =	strace $0x9FFFFFFF  }
0xc1: {  	(tm) =	ssettm $0x7FFFFFFF  }
tec
execute0_lowered:
.L_overlay_start_1:
0x0: {  	(tag) =	ssettag $0x1  }
0x1: {  	s3 =	rddreg [dreg:$0x0]  }
0x2: {  	s0 =	rddreg [dreg:$0x1];
	s4 =	srdreg.scid  }
0x3: {  	s2 =	simm.s32 $0x0;
	s1 =	stileid.u32;
	s4 =	sand.u32 $0x1, s4  }
0x4: {  	s7 =	simm.s32 $0x2000;
	s5 =	sshll.u32 s1, $0xB;
	s6 =	sshll.u32 s4, $0xA  }
0x5: {  	v0 =	vlaneseq.u32;
	s8 =	simm.s32 $0x0;
	s4 =	ssub.s32 $0x2, s4;
	s5 =	sor.u32 s6, s5  }
0x6: {  	[smem:$0x7FF] =	sst s2;
	v0 =	vmul.u32 $0xFFFFFFFF, v0;
	s31 =	sshrl.u32 s4, $0x1;
	s5 =	sadd.s32 s5, s3  }
0x7: {  	_ =	strace $0x80000047;
	s6 =	ssub.s32 s4, s31;
	s3 =	sadd.s32 $0x1A00, s5  }
0x8: {  	vm0 =	vmmov $0xff;
	v0 =	vadd.s32 $0xF, v0;
	s4 =	sadd.s32 $0x9A00, s5;
	s5 =	smax.u32 s6, $0x1;
	s6 =	simm.s32 $0x1  }
.LBB2_1:
0x9: {  	[tilespmem:s2], [sflag:$0x1] =	stream.linear.gather [hbm4b:s3+s2], $0x2000, $0x38;
	[tilespmem:$0x4000] =	vst v63  }
0xa: {  	_ =	swait.ge [sflag:s6], $0x2000  }
0xb: {  	[sflag:s6] =	ssyncset.done $0x0  }
0xc: {  	s13 =	simm.s32 $0x0;
	[sflag:s6] =	ssyncadd.s32 $0xFFFFE000  }
0xd: {  	v18 =	vld [tilespmem:s13+$0x30];
	_ =	sdelay $0x1  }
0xe: {  	v19 =	vld [tilespmem:s13+$0x20];
	_ =	sdelay $0x2  }
0xf: {  	(xrf1) =	vsort.ascd.msk.f32 $0xffff, v18, v18;
	_ =	sdelay $0x1  }
0x10: {  	(xrf1) =	vsort.ascd.msk.f32 $0xffff, v19, v19;
	_ =	sdelay $0x4  }
0x11: {  	v1 =	vld [tilespmem:s13+$0x0]  }
0x12: {  	v23 =	vld [tilespmem:s13+$0x10];
	_ =	sdelay $0x2  }
0x13: {  	s10 =	simm.s32 $0x40  }
0x14: {  	v13 =	vld [tilespmem:s10+$0x30];
	(xrf1) =	vsort.ascd.msk.f32 $0xffff, v1, v1  }
0x15: {  	(xrf1) =	vsort.ascd.msk.f32 $0xffff, v23, v23  }
0x16: {  	v14 =	vld [tilespmem:s10+$0x20];
	v2, _, _ =	vpop (xrf1)  }
0x17: {  	v2 =	vperm.xlane v2, v0  }
0x18: {  	v3, _, _ =	vpop (xrf1)  }
0x19: {  	(xrf1) =	vsort.ascd.msk.f32 $0xffff, v13, v13;
	v2 =	vmax.f32 v3, v2  }
0x1a: {  	(xrf1) =	vsort.ascd.msk.f32 $0xffff, v2, v2  }
0x1b: {  	(xrf1) =	vsort.ascd.msk.f32 $0xffff, v14, v14;
	_ =	sdelay $0x3  }
0x1c: {  	v17 =	vld [tilespmem:s10+$0x0]  }
0x1d: {  	v15 =	vld [tilespmem:s10+$0x10];
	_ =	sdelay $0x1  }
0x1e: {  	v2, _, _ =	vpop (xrf1)  }
0x1f: {  	v3, _, _ =	vpop (xrf1)  }
0x20: {  	s9 =	simm.s32 $0x80;
	(xrf1) =	vsort.ascd.msk.f32 $0xffff, v17, v17;
	v3 =	vperm.xlane v3, v0  }
0x21: {  	v16 =	vld [tilespmem:s9+$0x30];
	(xrf1) =	vsort.ascd.msk.f32 $0xffff, v15, v15  }
0x22: {  	v2 =	vmax.f32 v2, v3  }
0x23: {  	v20 =	vld [tilespmem:s9+$0x20];
	v4, _, _ =	vpop (xrf1)  }
0x24: {  	v3 =	vperm.xlane v4, v0;
	v4, _, _ =	vpop (xrf1)  }
0x25: {  	(xrf1) =	vsort.ascd.msk.f32 $0xffff, v2, v2;
	v2, _, _ =	vpop (xrf1)  }
0x26: {  	(xrf1) =	vsort.ascd.msk.f32 $0xffff, v16, v16;
	v2 =	vmax.f32 v2, v3  }
0x27: {  	(xrf1) =	vsort.ascd.msk.f32 $0xffff, v2, v2  }
0x28: {  	(xrf1) =	vsort.ascd.msk.f32 $0xffff, v20, v20;
	_ =	sdelay $0x2  }
0x29: {  	v22 =	vld [tilespmem:s9+$0x0]  }
0x2a: {  	v21 =	vld [tilespmem:s9+$0x10];
	_ =	sdelay $0x1  }
0x2b: {  	v2, _, _ =	vpop (xrf1)  }
0x2c: {  	v3, _, _ =	vpop (xrf1)  }
0x2d: {  	(xrf1) =	vsort.ascd.msk.f32 $0xffff, v22, v22;
	v3 =	vperm.xlane v3, v0  }
0x2e: {  	s11 =	simm.s32 $0xC0;
	(xrf1) =	vsort.ascd.msk.f32 $0xffff, v21, v21  }
0x2f: {  	v5 =	vld [tilespmem:s11+$0x30]  }
0x30: {  	v4 =	vperm.xlane v4, v0;
	v6, _, _ =	vpop (xrf1)  }
0x31: {  	v10 =	vld [tilespmem:s11+$0x20];
	v2 =	vmax.f32 v2, v3;
	v3, _, _ =	vpop (xrf1)  }
0x32: {  	(xrf1) =	vsort.ascd.msk.f32 $0xffff, v2, v2;
	v4 =	vmax.f32 v6, v4;
	v2 =	vperm.xlane v3, v0;
	v6, _, _ =	vpop (xrf1)  }
0x33: {  	(xrf1) =	vsort.ascd.msk.f32 $0xffff, v4, v4;
	v3, _, _ =	vpop (xrf1)  }
0x34: {  	(xrf1) =	vsort.ascd.msk.f32 $0xffff, v5, v5;
	v2 =	vmax.f32 v3, v2  }
0x35: {  	(xrf1) =	vsort.ascd.msk.f32 $0xffff, v2, v2  }
0x36: {  	(xrf1) =	vsort.ascd.msk.f32 $0xffff, v10, v10  }
0x37: {  	v11 =	vld [tilespmem:s11+$0x0]  }
0x38: {  	v12 =	vld [tilespmem:s11+$0x10];
	_ =	sdelay $0x2  }
0x39: {  	v2, _, _ =	vpop (xrf1)  }
0x3a: {  	(xrf1) =	vsort.ascd.msk.f32 $0xffff, v11, v11;
	v3, _, _ =	vpop (xrf1)  }
0x3b: {  	(xrf1) =	vsort.ascd.msk.f32 $0xffff, v12, v12;
	v4 =	vperm.xlane v3, v0;
	_ =	sdelay $0x1  }
0x3c: {  	s12 =	simm.s32 $0x100;
	v2 =	vmax.f32 v2, v4  }
0x3d: {  	v7, _, _ =	vpop (xrf1);
	v3 =	vld [tilespmem:s12+$0x30]  }
0x3e: {  	v6 =	vperm.xlane v6, v0;
	v8, _, _ =	vpop (xrf1)  }
0x3f: {  	v4 =	vld [tilespmem:s12+$0x20];
	(xrf1) =	vsort.ascd.msk.f32 $0xffff, v2, v2;
	v2, _, _ =	vpop (xrf1);
	v24 =	vbroadcast v8, $0xF  }
0x40: {  	v6 =	vmax.f32 v7, v6;
	v2 =	vperm.xlane v2, v0;
	v9, _, _ =	vpop (xrf1)  }
0x41: {  	(xrf1) =	vsort.ascd.msk.f32 $0xffff, v6, v6;
	v26 =	vsub.f32 v8, v24;
	v25, _, _ =	vpop (xrf1)  }
0x42: {  	v7 =	vld [tilespmem:s12+$0x0];
	(xrf1) =	vsort.ascd.msk.f32 $0xffff, v3, v3;
	v2 =	vmax.f32 v25, v2  }
0x43: {  	v6 =	vld [tilespmem:s12+$0x10];
	(xrf1) =	vsort.ascd.msk.f32 $0xffff, v2, v2;
	v2 =	vmul.f32 $1.442695020e+00, v26  }
0x44: {  	(xrf1) =	vsort.ascd.msk.f32 $0xffff, v4, v4  }
0x45: {  	(erf) = vpow2.f32 v2;
	_ =	sdelay $0x1  }
0x46: {  	(xrf1) =	vsort.ascd.msk.f32 $0xffff, v7, v7;
	v2, _, _ =	vpop (xrf1)  }
0x47: {  	v25, _, _ =	vpop (xrf1);
	(xrf1) =	vsort.ascd.msk.f32 $0xffff, v6, v6  }
0x48: {  	v25 =	vperm.xlane v25, v0;
	_ =	sdelay $0x2  }
0x49: {  	v9 =	vperm.xlane v9, v0;
	v2 =	vmax.f32 v2, v25  }
0x4a: {  	s14 =	simm.s32 $0x140;
	(xrf1) =	vsort.ascd.msk.f32 $0xffff, v2, v2;
	v25, _, _ =	vpop (xrf1)  }
0x4b: {  	v31 =	vsub.f32 v1, v24;
	v26 =	vsub.f32 v19, v24;
	v2 =	vld [tilespmem:s14+$0x30];
	v27 =	vpop (erf)  }
0x4c: {  	v28 =	vbroadcast v8, $0x8;
	v30, _, _ =	vpop (xrf1);
	v27 =	vsel vm0, $0x0, v27  }
0x4d: {  	v29 =	vsub.f32 v18, v24;
	v8 =	vld [tilespmem:s14+$0x20];
	v26 =	vmul.f32 $1.442695020e+00, v26;
	v25 =	vmax.f32 v25, v9;
	v9, _, _ =	vpop (xrf1);
	(xrf2) =	vadd.scan.msk.f32 $0xffff, v27  }
0x4e: {  	v33 =	vbroadcast v30, $0xF;
	(xrf1) =	vsort.ascd.msk.f32 $0xffff, v25, v25;
	v27 =	vperm.xlane v9, v0;
	v9 =	vld [tilespmem:s14+$0x0];
	v32, _, _ =	vpop (xrf1)  }
0x4f: {  	vm1 =	vge.f32 v1, v28;
	v1 =	vld [tilespmem:s14+$0x10];
	v25 =	vmul.f32 $1.442695020e+00, v29;
	v29 =	vmul.f32 $1.442695020e+00, v31;
	v31, _, _ =	vpop (xrf1)  }
0x50: {  	(erf) = vpow2.f32 v26;
	(xrf1) =	vsort.ascd.msk.f32 $0xffff, v2, v2;
	v26 =	vmax.f32 v31, v27;
	v27 =	vsub.f32 v30, v33  }
0x51: {  	vm2 =	vge.f32 v23, v28;
	v23 =	vsub.f32 v23, v24;
	(erf) = vpow2.f32 v29;
	(xrf1) =	vsort.ascd.msk.f32 $0xffff, v26, v26  }
0x52: {  	vm3 =	vge.f32 v19, v28;
	(erf) = vpow2.f32 v25;
	v19, _, _ =	vpop (xrf1);
	v24 =	vmul.f32 $1.442695020e+00, v27;
	(xrf1) =	vsort.ascd.msk.f32 $0xffff, v8, v8  }
0x53: {  	vm4 =	vge.f32 v18, v28;
	vm1 =	vmmov vm1;
	vm5 =	vmmov vm2;
	v18, _, _ =	vpop (xrf1);
	(xrf1) =	vsort.ascd.msk.f32 $0xffff, v9, v9  }
0x54: {  	vm3 =	vmmov vm3;
	v18 =	vperm.xlane v18, v0;
	(xrf1) =	vsort.ascd.msk.f32 $0xffff, v1, v1;
	(erf) = vpow2.f32 v24  }
0x55: {  	vm4 =	vmmov vm4;
	v23 =	vmul.f32 $1.442695020e+00, v23;
	v25 =	vbroadcast v30, $0x8  }
0x56: {  	vm11 =	vmmov vm1;
	v26 =	vsub.f32 v14, v33;
	v18 =	vmax.f32 v19, v18  }
0x57: {  	vm10 =	vmmov vm5;
	vm2 =	vge.f32 v17, v25;
	v17 =	vsub.f32 v17, v33;
	(xrf1) =	vsort.ascd.msk.f32 $0xffff, v18, v18;
	v19, _, _ =	vpop (xrf2)  }
0x58: {  	vm7 =	vge.f32 v14, v25;
	v26 =	vmul.f32 $1.442695020e+00, v26;
	v14, _, _ =	vpop (xrf1);
	v28 =	vbroadcast v19, $0xF  }
0x59: {  	vm12 =	vmmov vm3;
	vm6 =	vge.f32 v15, v25;
	v15 =	vsub.f32 v15, v33;
	v18 =	vpop (erf)  }
0x5a: {  	v27 =	vperm.xlane v32, v0;
	v24 =	vsub.f32 v13, v33;
	(erf) = vpow2.f32 v26;
	v61 =	vpop (erf)  }
0x5b: {  	vm8 =	vge.f32 v13, v25;
	v25 =	vmul.f32 $1.442695020e+00, v17;
	(erf) = vrcp.f32 v28;
	v17 =	vpop (erf)  }
0x5c: {  	s15 =	simm.s32 $0x180;
	vm9 =	vmmov vm4;
	vm1 =	vmmov vm6;
	v24 =	vmul.f32 $1.442695020e+00, v24;
	v28, _, _ =	vpop (xrf1)  }
0x5d: {  	v13 =	vld [tilespmem:s15+$0x30];
	v26 =	vmax.f32 v14, v27;
	v19 =	vmul.f32 $1.442695020e+00, v15;
	(erf) = vpow2.f32 v23;
	v15 =	vpop (erf)  }
0x5e: {  	(erf) = vpow2.f32 v25;
	v29 =	vbroadcast v28, $0x8;
	v23, _, _ =	vpop (xrf1);
	v27 =	vsel vm0, $0x0, v15  }
0x5f: {  	vm3 =	vmmov vm7;
	v14 =	vld [tilespmem:s15+$0x20];
	(xrf1) =	vsort.ascd.msk.f32 $0xffff, v26, v26;
	v30 =	vbroadcast v28, $0xF;
	v23 =	vperm.xlane v23, v0;
	v31, _, _ =	vpop (xrf1)  }
0x60: {  	v15 =	vld [tilespmem:s15+$0x0];
	vm5 =	vge.f32 v22, v29;
	vm7 =	vge.f32 v21, v29;
	vm4 =	vge.f32 v20, v29;
	(xrf2) =	vadd.scan.msk.f32 $0xffff, v27;
	v62, _, _ =	vpop (xrf1)  }
0x61: {  	v28 =	vsub.f32 v28, v30;
	v63 =	vsub.f32 v16, v30;
	vm6 =	vge.f32 v16, v29;
	v16 =	vld [tilespmem:s15+$0x10];
	v27, _, _ =	vpop (xrf1)  }
0x62: {  	vm2 =	vmmov vm2;
	v25 =	vsub.f32 v22, v30;
	v26 =	vmax.f32 v62, v23;
	(xrf1) =	vsort.ascd.msk.f32 $0xffff, v13, v13;
	v34, _, _ =	vpop (xrf1)  }
0x63: {  	(erf) = vpow2.f32 v24;
	v29 =	vperm.xlane v31, v0;
	(xrf1) =	vsort.ascd.msk.f32 $0xffff, v26, v26;
	v26 =	vsub.f32 v20, v30;
	v20 =	vpop (erf)  }
0x64: {  	v23 =	vsub.f32 v21, v30;
	v28 =	vmul.f32 $1.442695020e+00, v28;
	(xrf1) =	vsort.ascd.msk.f32 $0xffff, v14, v14;
	v30 =	vperm.xlane v34, v0;
	v22 =	vpop (erf)  }
0x65: {  	s16 =	simm.s32 $0x700;
	vm8 =	vmmov vm8;
	v21 =	vmul.f32 $1.442695020e+00, v63;
	(xrf1) =	vsort.ascd.msk.f32 $0xffff, v15, v15;
	v24 =	vmul.f32 v22, v61;
	v31, _, _ =	vpop (xrf1)  }
.LBB2_2:
0x66: {  	(xrf1) =	vsort.ascd.msk.f32 $0xffff, v16, v16;
	v27 =	vmax.f32 v27, v30;
	(erf) = vpow2.f32 v28;
	v18 =	vmul.f32 v22, v18;
	v28 =	vpop (erf)  }
0x67: {  	p0 =	sne.s32 s16, $0x7F00;
	v32 =	vmovc v2;
	v2 =	vmovc v13;
	v30 =	vmov v10;
	v10 =	vmov v4;
	v4 =	vmov v8;
	s17 =	smov.u32 s16;
	s16 =	sadd.s32 $0x100, s16  }
0x68: {  	v17 =	vmul.f32 v22, v17;
	v29 =	vmax.f32 v31, v29;
	v33 =	vpop (erf);
	v13 =	vmul.f32 v22, v28  }
0x69: {  	v8 =	vmovc v14;
	v22 =	vmul.f32 $1.442695020e+00, v25;
	v24 =	vnsel vm11, $0x0, v24;
	v28 =	vmovc v12;
	v18 =	vnsel vm12, $0x0, v18  }
0x6a: {  	v14 =	vmul.f32 $1.442695020e+00, v23;
	(xrf1) =	vsort.ascd.msk.f32 $0xffff, v27, v27;
	v12, _, _ =	vpop (xrf2);
	v13 =	vnsel vm10, $0x0, v13;
	v27 =	vnsel vm9, $0x0, v17  }
0x6b: {  	v23 =	vmul.f32 $1.442695020e+00, v26;
	v25 =	vbroadcast v12, $0xF;
	[tilespmem:s13+$0x2030] =	vst v27;
	v12 =	vmovc v6;
	v6 =	vmovc v1;
	v1 =	vmov v16  }
0x6c: {  	v26 =	vmov v11;
	v11 =	vmov v7;
	v7 =	vmov v9;
	v17 =	vpop (erf);
	[tilespmem:s13+$0x2010] =	vst v13  }
0x6d: {  	v9 =	vmovc v15;
	vm11 =	vmmov vm2;
	vm2 =	vmmov vm5;
	(erf) = vpow2.f32 v23;
	[tilespmem:s13+$0x2020] =	vst v18;
	v18 =	vmovc v20  }
0x6e: {  	vm10 =	vmmov vm1;
	vm1 =	vmmov vm7;
	(erf) = vrcp.f32 v25;
	[tilespmem:s13+$0x2000] =	vst v24;
	s13 =	smov.u32 s10;
	s10 =	smov.u32 s9;
	s9 =	smov.u32 s11  }
0x6f: {  	s17 =	sshra.s32 s17, $0x2;
	vm12 =	vmmov vm3;
	vm3 =	vmmov vm4;
	vm9 =	vmmov vm8;
	s11 =	smov.u32 s12;
	s12 =	smov.u32 s14;
	v20, _, _ =	vpop (xrf1)  }
0x70: {  	s14 =	smov.u32 s15;
	s15 =	smov.u32 s17;
	v13 =	vld [tilespmem:s17+$0x30];
	v24 =	vbroadcast v20, $0x8;
	v15 =	vpop (erf);
	(erf) = vpow2.f32 v19;
	v19 =	vmov v14  }
0x71: {  	vm8 =	vmmov vm6;
	v14 =	vld [tilespmem:s15+$0x20];
	v23, _, _ =	vpop (xrf1);
	v15 =	vsel vm0, $0x0, v15;
	(erf) = vpow2.f32 v22  }
0x72: {  	v34 =	vbroadcast v20, $0xF;
	v16 =	vld [tilespmem:s15+$0x10];
	v22 =	vperm.xlane v23, v0;
	v31, _, _ =	vpop (xrf1);
	vm5 =	vge.f32 v26, v24;
	(xrf2) =	vadd.scan.msk.f32 $0xffff, v15  }
0x73: {  	vm7 =	vge.f32 v28, v24;
	vm4 =	vge.f32 v30, v24;
	v15 =	vld [tilespmem:s15+$0x0];
	v23, _, _ =	vpop (xrf1);
	(xrf1) =	vsort.ascd.msk.f32 $0xffff, v29, v29  }
.Ltmp0:
0x74: {  	v36 =	vsub.f32 v20, v34;
	v29 =	vsub.f32 v5, v34;
	v22 =	vmax.f32 v23, v22;
	v27, _, _ =	vpop (xrf1);
	(pc) =	sbr.rel @p0 .LBB2_2-.Ltmp0, $4  }
0x75: {  	v25 =	vsub.f32 v26, v34;
	v23 =	vsub.f32 v28, v34;
	(xrf1) =	vsort.ascd.msk.f32 $0xffff, v13, v13;
	v35, _, _ =	vpop (xrf1);
	(erf) = vpow2.f32 v21  }
0x76: {  	v26 =	vsub.f32 v30, v34;
	v28 =	vmul.f32 $1.442695020e+00, v36;
	v21 =	vmul.f32 $1.442695020e+00, v29;
	(xrf1) =	vsort.ascd.msk.f32 $0xffff, v22, v22;
	v20 =	vpop (erf)  }
0x77: {  	vm6 =	vge.f32 v5, v24;
	v5 =	vmov v3;
	v30 =	vperm.xlane v35, v0;
	(xrf1) =	vsort.ascd.msk.f32 $0xffff, v14, v14;
	v22 =	vpop (erf)  }
0x78: {  	v3 =	vmov v32;
	v29 =	vperm.xlane v31, v0;
	(xrf1) =	vsort.ascd.msk.f32 $0xffff, v15, v15;
	v31, _, _ =	vpop (xrf1);
	v24 =	vmul.f32 v22, v33  }
0x79: {  	(erf) = vpow2.f32 v28;
	(xrf1) =	vsort.ascd.msk.f32 $0xffff, v16, v16;
	_ =	sdelay $0x3  }
0x7a: {  	v27 =	vmax.f32 v27, v30;
	v28 =	vpop (erf)  }
0x7b: {  	(xrf1) =	vsort.ascd.msk.f32 $0xffff, v27, v27;
	v62 =	vmax.f32 v31, v29;
	v63 =	vpop (erf)  }
0x7c: {  	(xrf1) =	vsort.ascd.msk.f32 $0xffff, v62, v62;
	v32, _, _ =	vpop (xrf2)  }
0x7d: {  	v30 =	vpop (erf)  }
0x7e: {  	v42, _, _ =	vpop (xrf1)  }
0x7f: {  	v41 =	vpop (erf)  }
0x80: {  	v26 =	vmul.f32 $1.442695020e+00, v26;
	v27 =	vsel vm0, $0x0, v41;
	v43, _, _ =	vpop (xrf1)  }
0x81: {  	v32 =	vbroadcast v32, $0xF;
	(xrf2) =	vadd.scan.msk.f32 $0xffff, v27;
	v33, _, _ =	vpop (xrf1)  }
0x82: {  	(erf) = vpow2.f32 v26;
	v44 =	vbroadcast v42, $0xF;
	v34, _, _ =	vpop (xrf1)  }
0x83: {  	(erf) = vrcp.f32 v32;
	v27 =	vperm.xlane v43, v0;
	v35, _, _ =	vpop (xrf1)  }
0x84: {  	v25 =	vmul.f32 $1.442695020e+00, v25;
	(erf) = vpow2.f32 v19;
	v45, _, _ =	vpop (xrf1)  }
0x85: {  	v46 =	vsub.f32 v42, v44;
	v27 =	vmax.f32 v34, v27;
	v47 =	vperm.xlane v45, v0  }
0x86: {  	(erf) = vpow2.f32 v25;
	(xrf1) =	vsort.ascd.msk.f32 $0xffff, v27, v27  }
0x87: {  	v48 =	vsub.f32 v10, v44;
	v19 =	vmul.f32 $1.442695020e+00, v46;
	v27 =	vmax.f32 v35, v47  }
0x88: {  	(erf) = vpow2.f32 v21;
	(xrf1) =	vsort.ascd.msk.f32 $0xffff, v27, v27  }
0x89: {  	v25 =	vmul.f32 $1.442695020e+00, v48;
	v49, _, _ =	vpop (xrf1);
	(erf) = vpow2.f32 v19  }
0x8a: {  	v32, _, _ =	vpop (xrf1)  }
0x8b: {  	v52 =	vsub.f32 v11, v44;
	v33 =	vperm.xlane v33, v0;
	(erf) = vpow2.f32 v25;
	v50, _, _ =	vpop (xrf2)  }
0x8c: {  	v53 =	vbroadcast v32, $0xF;
	v19 =	vbroadcast v50, $0xF  }
0x8d: {  	v23 =	vmul.f32 $1.442695020e+00, v23;
	v51 =	vsub.f32 v5, v44;
	v34 =	vmul.f32 $1.442695020e+00, v52;
	v27 =	vpop (erf)  }
0x8e: {  	v58 =	vmax.f32 v49, v33;
	v55 =	vsub.f32 v32, v53;
	v36 =	vpop (erf);
	(erf) = vrcp.f32 v19  }
0x8f: {  	v54 =	vmul.f32 $1.442695020e+00, v51;
	(xrf1) =	vsort.ascd.msk.f32 $0xffff, v58, v58;
	v56 =	vpop (erf);
	(erf) = vpow2.f32 v23  }
0x90: {  	v57 =	vmul.f32 $1.442695020e+00, v55;
	v35 =	vpop (erf);
	(erf) = vpow2.f32 v34  }
0x91: {  	v33 =	vpop (erf);
	(erf) = vpow2.f32 v54  }
0x92: {  	v59 =	vpop (erf);
	(erf) = vpow2.f32 v57  }
0x93: {  	v21 =	vsel vm0, $0x0, v59  }
0x94: {  	(xrf2) =	vadd.scan.msk.f32 $0xffff, v21;
	v60, _, _ =	vpop (xrf1)  }
0x95: {  	v19 =	vpop (erf);
	v34 =	vperm.xlane v60, v0  }
0x96: {  	v61, _, _ =	vpop (xrf1)  }
0x97: {  	v37 =	vpop (erf);
	v34 =	vmax.f32 v61, v34  }
0x98: {  	v38 =	vpop (erf);
	(xrf1) =	vsort.ascd.msk.f32 $0xffff, v34, v34  }
0x99: {  	v39 =	vpop (erf)  }
0x9a: {  	v18 =	vmul.f32 v22, v18;
	v17 =	vmul.f32 v22, v17;
	vm2 =	vmmov vm2;
	v21 =	vpop (erf)  }
0x9b: {  	v28 =	vmul.f32 v22, v28;
	v31 =	vbroadcast v42, $0x8;
	v44 =	vsub.f32 v12, v44;
	v62 =	vpop (erf)  }
0x9c: {  	v22 =	vnsel vm11, $0x0, v24;
	v40 =	vsub.f32 v4, v53;
	v34 =	vsel vm0, $0x0, v62  }
0x9d: {  	v24 =	vnsel vm10, $0x0, v28;
	vm11 =	vge.f32 v12, v31;
	v12 =	vmul.f32 $1.442695020e+00, v44;
	v46, _, _ =	vpop (xrf1);
	(xrf2) =	vadd.scan.msk.f32 $0xffff, v34  }
0x9e: {  	v47 =	vsub.f32 v7, v53;
	v28 =	vmul.f32 $1.442695020e+00, v40;
	v43, _, _ =	vpop (xrf2);
	v34 =	vbroadcast v46, $0xF  }
0x9f: {  	v48 =	vsub.f32 v3, v53;
	v45 =	vmul.f32 v36, v30;
	v23 =	vbroadcast v43, $0xF  }
0xa0: {  	v30 =	vmul.f32 $1.442695020e+00, v47;
	(erf) = vpow2.f32 v28;
	v50 =	vsub.f32 v8, v34  }
0xa1: {  	v28 =	vmul.f32 $1.442695020e+00, v48;
	(erf) = vrcp.f32 v23;
	v49 =	vsub.f32 v46, v34  }
0xa2: {  	vm13 =	vmmov vm3;
	(erf) = vpow2.f32 v12;
	v12 =	vmul.f32 $1.442695020e+00, v50  }
0xa3: {  	vm4 =	vmmov vm4;
	(erf) = vpow2.f32 v30;
	v23 =	vmul.f32 $1.442695020e+00, v49  }
0xa4: {  	vm1 =	vmmov vm1;
	vm15 =	vmmov vm4;
	(erf) = vpow2.f32 v28  }
0xa5: {  	v18 =	vnsel vm12, $0x0, v18;
	v25 =	vsub.f32 v6, v53;
	(erf) = vpow2.f32 v23  }
0xa6: {  	v17 =	vnsel vm9, $0x0, v17;
	vm12 =	vge.f32 v11, v31;
	(erf) = vpow2.f32 v12;
	v12, _, _ =	vpop (xrf1)  }
0xa7: {  	vm9 =	vge.f32 v5, v31;
	v53 =	vmul.f32 $1.442695020e+00, v25;
	v63 =	vmul.f32 v36, v63;
	v51, _, _ =	vpop (xrf2)  }
0xa8: {  	v54 =	vsub.f32 v9, v34;
	v5 =	vbroadcast v12, $0xF;
	v52 =	vbroadcast v51, $0xF  }
0xa9: {  	v42 =	vmul.f32 v36, v56;
	v56 =	vbroadcast v32, $0x8;
	v55 =	vsub.f32 v2, v34  }
0xaa: {  	v25 =	vmul.f32 $1.442695020e+00, v54;
	v57 =	vsub.f32 v12, v5;
	(erf) = vrcp.f32 v52  }
0xab: {  	vm10 =	vge.f32 v10, v31;
	v28 =	vmul.f32 $1.442695020e+00, v55;
	(erf) = vpow2.f32 v53  }
0xac: {  	vm3 =	vge.f32 v7, v56;
	v7 =	vpop (erf);
	v23 =	vmul.f32 $1.442695020e+00, v57;
	(erf) = vpow2.f32 v25  }
0xad: {  	vm10 =	vmmov vm10;
	v41 =	vmul.f32 v36, v20;
	v58 =	vpop (erf);
	(erf) = vpow2.f32 v28  }
0xae: {  	vm10 =	vmmov vm10;
	v11 =	vnsel vm2, $0x0, v63;
	v59 =	vpop (erf);
	(erf) = vpow2.f32 v23  }
0xaf: {  	v10 =	vnsel vm13, $0x0, v41;
	vm2 =	vmmov vm8;
	v20 =	vnsel vm1, $0x0, v42;
	v60 =	vpop (erf)  }
0xb0: {  	vm8 =	vge.f32 v6, v56;
	vm13 =	vge.f32 v3, v56;
	vm1 =	vmmov vm5;
	v3 =	vpop (erf)  }
0xb1: {  	vm14 =	vge.f32 v4, v56;
	vm5 =	vmmov vm6;
	vm1 =	vmmov vm1;
	v36 =	vpop (erf)  }
0xb2: {  	vm5 =	vmmov vm5;
	vm3 =	vmmov vm3;
	v41 =	vpop (erf);
	v43 =	vsel vm0, $0x0, v36  }
0xb3: {  	vm14 =	vmmov vm14;
	v61 =	vnsel vm2, $0x0, v45;
	v63 =	vbroadcast v46, $0x8;
	(xrf2) =	vadd.scan.msk.f32 $0xffff, v43;
	v42 =	vpop (erf)  }
0xb4: {  	vm2 =	vmmov vm7;
	v27 =	vmul.f32 v37, v27;
	v38 =	vmul.f32 v37, v38;
	v44 =	vpop (erf)  }
0xb5: {  	v40 =	vmul.f32 v37, v33;
	vm2 =	vmmov vm2;
	vm4 =	vge.f32 v9, v63;
	v45 =	vpop (erf)  }
0xb6: {  	v27 =	vnsel vm15, $0x0, v27;
	v30 =	vnsel vm2, $0x0, v38;
	vm2 =	vge.f32 v2, v63;
	v2 =	vpop (erf)  }
0xb7: {  	vm15 =	vmmov vm12;
	vm12 =	vmmov vm11;
	v31 =	vnsel vm5, $0x0, v40;
	v46 =	vpop (erf)  }
0xb8: {  	vm5 =	vge.f32 v1, v63;
	vm11 =	vmmov vm9;
	v28 =	vsel vm0, $0x0, v46  }
0xb9: {  	vm9 =	vmmov vm8;
	vm8 =	vmmov vm14;
	v1 =	vsub.f32 v1, v34;
	(xrf2) =	vadd.scan.msk.f32 $0xffff, v28  }
0xba: {  	[tilespmem:s13+$0x2000] =	vst v22;
	vm6 =	vmmov vm15;
	vm12 =	vmmov vm12;
	vm11 =	vmmov vm11  }
0xbb: {  	[tilespmem:s13+$0x2030] =	vst v17;
	v62 =	vmul.f32 v37, v35;
	v1 =	vmul.f32 $1.442695020e+00, v1;
	v49 =	vsub.f32 v14, v5  }
0xbc: {  	[tilespmem:s13+$0x2020] =	vst v18;
	vm15 =	vmmov vm13;
	v55 =	vbroadcast v12, $0x8;
	v47 =	vmul.f32 v58, v39  }
0xbd: {  	[tilespmem:s13+$0x2010] =	vst v24;
	v26 =	vnsel vm1, $0x0, v62;
	v19 =	vmul.f32 v58, v19;
	v52 =	vmul.f32 $1.442695020e+00, v49;
	v50, _, _ =	vpop (xrf2)  }
0xbe: {  	[tilespmem:s10+$0x2020] =	vst v10;
	vm1 =	vge.f32 v8, v63;
	v48 =	vmul.f32 v58, v21;
	v54 =	vbroadcast v50, $0xF  }
0xbf: {  	[tilespmem:s10+$0x2000] =	vst v11;
	v6 =	vmul.f32 v58, v59;
	v56 =	vsub.f32 v13, v5;
	(erf) = vpow2.f32 v52  }
0xc0: {  	[tilespmem:s10+$0x2010] =	vst v20;
	v17 =	vnsel vm6, $0x0, v47;
	v53 =	vsub.f32 v15, v5;
	(erf) = vrcp.f32 v54  }
0xc1: {  	[tilespmem:s10+$0x2030] =	vst v61;
	v19 =	vnsel vm10, $0x0, v19;
	v5 =	vsub.f32 v16, v5;
	(erf) = vpow2.f32 v1  }
0xc2: {  	[tilespmem:s9+$0x2030] =	vst v31;
	v51 =	vnsel vm11, $0x0, v48;
	vm6 =	vmmov vm3;
	v57 =	vmul.f32 $1.442695020e+00, v53  }
0xc3: {  	[tilespmem:s9+$0x2020] =	vst v27;
	vm3 =	vmmov vm4;
	v12 =	vmul.f32 $1.442695020e+00, v56;
	v5 =	vmul.f32 $1.442695020e+00, v5;
	v1, _, _ =	vpop (xrf2)  }
0xc4: {  	[tilespmem:s9+$0x2000] =	vst v26;
	vm4 =	vmmov vm9;
	(erf) = vpow2.f32 v57;
	v1 =	vbroadcast v1, $0xF  }
0xc5: {  	[tilespmem:s9+$0x2010] =	vst v30;
	vm9 =	vmmov vm5;
	v3 =	vmul.f32 v42, v3;
	(erf) = vpow2.f32 v12  }
0xc6: {  	vm5 =	vmmov vm1;
	vm1 =	vmmov vm15;
	[tilespmem:s11+$0x2030] =	vst v51;
	(erf) = vrcp.f32 v1  }
0xc7: {  	vm2 =	vmmov vm2;
	[tilespmem:s11+$0x2020] =	vst v19;
	v3 =	vnsel vm1, $0x0, v3;
	(erf) = vpow2.f32 v5  }
0xc8: {  	vm2 =	vmmov vm2;
	v6 =	vnsel vm12, $0x0, v6;
	[tilespmem:s11+$0x2000] =	vst v17;
	v1 =	vmul.f32 v42, v60;
	v60 =	vpop (erf)  }
0xc9: {  	vm7 =	vge.f32 v15, v55;
	vm10 =	vge.f32 v16, v55;
	[tilespmem:s11+$0x2010] =	vst v6;
	v58 =	vmul.f32 v42, v7;
	v61 =	vpop (erf)  }
0xca: {  	vm11 =	vge.f32 v14, v55;
	v59 =	vmul.f32 v42, v44;
	[tilespmem:s12+$0x2030] =	vst v3;
	v3 =	vpop (erf);
	v2 =	vmul.f32 v61, v2  }
0xcb: {  	vm12 =	vge.f32 v13, v55;
	v4 =	vnsel vm8, $0x0, v58;
	v3 =	vmul.f32 v61, v3  }
0xcc: {  	vm9 =	vmmov vm9;
	[tilespmem:s12+$0x2020] =	vst v4;
	v5 =	vnsel vm4, $0x0, v59;
	v2 =	vnsel vm2, $0x0, v2  }
0xcd: {  	vm3 =	vmmov vm3;
	v1 =	vnsel vm6, $0x0, v1;
	[tilespmem:s12+$0x2010] =	vst v5;
	v62 =	vpop (erf);
	v3 =	vnsel vm9, $0x0, v3  }
0xce: {  	vm13 =	vmmov vm10;
	vm5 =	vmmov vm5;
	[tilespmem:s12+$0x2000] =	vst v1;
	v1 =	vmul.f32 v61, v41;
	v63 =	vpop (erf)  }
0xcf: {  	vm14 =	vmmov vm12;
	vm15 =	vmmov vm13;
	v7 =	vmul.f32 v61, v45;
	[tilespmem:s14+$0x2030] =	vst v2;
	v2 =	vpop (erf)  }
0xd0: {  	vm1 =	vmmov vm7;
	v1 =	vnsel vm5, $0x0, v1;
	[tilespmem:s14+$0x2010] =	vst v3;
	v3 =	vpop (erf);
	v5 =	vmul.f32 v2, v63  }
0xd1: {  	v7 =	vnsel vm3, $0x0, v7;
	vm3 =	vmmov vm14;
	[tilespmem:s14+$0x2020] =	vst v1;
	v1 =	vmul.f32 v2, v3  }
0xd2: {  	vm2 =	vmmov vm11;
	[tilespmem:s14+$0x2000] =	vst v7;
	v3 =	vmul.f32 v2, v60;
	v5 =	vnsel vm3, $0x0, v5  }
0xd3: {  	vm2 =	vmmov vm2;
	v2 =	vmul.f32 v2, v62;
	v1 =	vnsel vm15, $0x0, v1;
	[tilespmem:s15+$0x2030] =	vst v5  }
0xd4: {  	s8 =	sadd.s32 $0x1, s8;
	vm1 =	vmmov vm1;
	v3 =	vnsel vm2, $0x0, v3;
	[tilespmem:s15+$0x2010] =	vst v1  }
0xd5: {  	p0 =	sne.s32 s8, s5;
	v1 =	vnsel vm1, $0x0, v2;
	[tilespmem:s15+$0x2020] =	vst v3  }
.Ltmp1:
0xd6: {  	[tilespmem:s15+$0x2000] =	vst v1;
	(pc) =	sbr.rel @p0 .LBB2_1-.Ltmp1, $4  }
0xd7: {  	[hbm4b:s4+s2] =	stream.linear.scatter [tilespmem:s7], [sflag:$0x1], $0x2000, $0x38;
	[tilespmem:$0x4000] =	vst v63  }
0xd8: {  	_ =	swait.ge [sflag:s6], $0x2000  }
0xd9: {  	[sflag:s6] =	ssyncset.done $0x0  }
0xda: {  	[sflag:s6] =	ssyncadd.s32 $0xFFFFE000  }
0xdb: {  	_ =	sfence.sel $0x180000  }
0xdc: {  	[bflag:$0x0] =	sbarrier.arrive $0xFFFF  }
0xdd: {  	p0 =	sne.s32 s1, $0x0;
	_ =	strace $0x90000047  }
0xde: {  	s0 =	sadd.s32 @!p0 $0x100000, s0;
	[bflag:$0x2] =	sbarrier.arrive $0xFFFF  }
0xdf: {  	[sflag:s0] =	ssyncadd.tile.s32 @!p0 $0x1;
	_ =	shalt  }
.Lfunc_end2:
_tile_overlayer_lowered:
.L_overlay_start_2:
0xe0: {  	(tag) =	ssettag $0x2  }
0xe1: {  	s0 =	rddreg [dreg:$0x0];
	s2 =	stileid.u32  }
0xe2: {  	s1 =	rddreg [dreg:$0x1];
	p0 =	sne.s32 s2, $0x0  }
0xe3: {  	s3 =	rddreg [dreg:$0x2];
	[bflag:$0x3] =	sbarrier.arrive $0xFFFF;
	s2 =	simm.s32 @!p0 $0x1C01  }
0xe4: {  	[timem:s3], [sflag:s2] =	dma.local @!p0 [hbm:s0], s1  }
0xe5: {  	s0 =	simm.s32 @!p0 $0x1  }
0xe6: {  	_ =	swait.ge @!p0 [sflag:s0], s1  }
0xe7: {  	s1 =	ssub.s32 @!p0 $0x0, s1;
	[sflag:s0] =	ssyncset.done @!p0 $0x0  }
0xe8: {  	[sflag:s0] =	ssyncadd.s32 @!p0 s1  }
0xe9: {  	[bflag:$0x3] =	sbarrier.arrive $0xFFFF  }
0xea: {  	_ =	shalt  }

</sc_bundles>
